<compile_context>
chip_gen: v7x
topology: tpu7x:2x2x1
jax: 0.10.2.dev20260603
libtpu: 0.0.44.dev20260713+nightly
codegen_flags: <defaults>
</compile_context>

<pallas_src>
import functools

import jax
import jax.numpy as jnp
from jax import lax
from jax.experimental import pallas as pl
from jax.experimental.pallas import tpu as pltpu
from jax.experimental.pallas import tpu_sc as plsc

_K = 8
_DOUT = 16
_KD = _K * _DOUT

_NC = 2
_NS = 16
_NW = _NC * _NS

_CHUNK = 80


def _prep_body(feat_ref, frel_ref, wsrc_ref, bsrc_ref, wdst_ref, bdst_ref,
               wrl_ref, brl_ref, wrr_ref, brr_ref, tabs_ref, tabl_ref, tabd_ref):
    f = feat_ref[...]
    fs = jnp.dot(f, wsrc_ref[...], preferred_element_type=jnp.float32) + bsrc_ref[...]
    fd = jnp.dot(f, wdst_ref[...], preferred_element_type=jnp.float32) + bdst_ref[...]
    fr = frel_ref[...]
    al = jnp.dot(fr, wrl_ref[...], preferred_element_type=jnp.float32) + brl_ref[...]
    ar = jnp.dot(fr, wrr_ref[...], preferred_element_type=jnp.float32) + brr_ref[...]
    jj = lax.broadcasted_iota(jnp.int32, (_KD, 16), 0)
    tt = lax.broadcasted_iota(jnp.int32, (_KD, 16), 1)
    sd = ((jj // _DOUT) == (tt % _K)).astype(jnp.float32)
    el2 = jnp.dot(fs * al, sd, preferred_element_type=jnp.float32)
    er2 = jnp.dot(fd * ar, sd, preferred_element_type=jnp.float32)
    tabs_ref[:, : _KD] = fs
    tabs_ref[:, _KD :] = el2
    tabl_ref[...] = el2
    tabd_ref[...] = er2


def _run_prep(feat, feat_rel, W_src, b_src, W_dst, b_dst, W_rel, b_rel):
    n = feat.shape[0]
    blk = 1000
    grid = (n // blk,)
    wr = W_rel.reshape(W_rel.shape[0], _K, 2 * _DOUT)
    w_rel_l = wr[:, :, :_DOUT].reshape(W_rel.shape[0], _KD)
    w_rel_r = wr[:, :, _DOUT:].reshape(W_rel.shape[0], _KD)
    br = b_rel.reshape(_K, 2 * _DOUT)
    b_rel_l = br[:, :_DOUT].reshape(1, _KD)
    b_rel_r = br[:, _DOUT:].reshape(1, _KD)
    full = lambda shape: pl.BlockSpec(shape, lambda i: (0, 0))
    return pl.pallas_call(
        _prep_body,
        grid=grid,
        in_specs=[
            pl.BlockSpec((blk, _KD), lambda i: (i, 0)),
            full((1, feat_rel.shape[0])),
            full(W_src.shape), full((1, _KD)),
            full(W_dst.shape), full((1, _KD)),
            full(w_rel_l.shape), full((1, _KD)),
            full(w_rel_r.shape), full((1, _KD)),
        ],
        out_specs=[
            pl.BlockSpec((blk, _KD + 16), lambda i: (i, 0)),
            pl.BlockSpec((blk, 16), lambda i: (i, 0)),
            pl.BlockSpec((blk, 16), lambda i: (i, 0)),
        ],
        out_shape=[
            jax.ShapeDtypeStruct((n, _KD + 16), jnp.float32),
            jax.ShapeDtypeStruct((n, 16), jnp.float32),
            jax.ShapeDtypeStruct((n, 16), jnp.float32),
        ],
    )(feat, feat_rel.reshape(1, -1), W_src, b_src.reshape(1, -1),
      W_dst, b_dst.reshape(1, -1), w_rel_l, b_rel_l, w_rel_r, b_rel_r)


def _make_sc_edge(n, e, _CHUNK=40):
    epw = e // _NW
    nchunk = epw // _CHUNK
    assert nchunk * _CHUNK == epw
    odd = nchunk % 2 == 1
    rpt = n // _NS
    zrows = 125
    nz = rpt // zrows
    mesh = plsc.VectorSubcoreMesh(core_axis_name="c", subcore_axis_name="s")

    @functools.partial(
        pl.kernel,
        mesh=mesh,
        compiler_params=pltpu.CompilerParams(use_tc_tiling_on_sc=False),
        out_type=[
            jax.ShapeDtypeStruct((n, _KD), jnp.float32),
            jax.ShapeDtypeStruct((n, _KD), jnp.float32),
        ],
        scratch_types=[
            [pltpu.VMEM((_CHUNK,), jnp.int32)] * 2,
            [pltpu.VMEM((_CHUNK,), jnp.int32)] * 2,
            [pltpu.VMEM((_CHUNK, _KD + 16), jnp.float32)] * 2,
            [pltpu.VMEM((_CHUNK, 16), jnp.float32)] * 2,
            pltpu.VMEM((_CHUNK, _KD), jnp.float32),
            pltpu.VMEM((zrows, _KD), jnp.float32),
            pltpu.VMEM_SHARED((n, _KD), jnp.float32),
            [pltpu.SemaphoreType.DMA] * 4,
        ],
    )
    def sc_edge(src_hbm, dst_hbm, tabs_hbm, tabd_hbm,
                p0_hbm, p1_hbm,
                sidx, didx, rows, erb, msgs, tmp,
                acc, sems):
        c = lax.axis_index("c")
        s = lax.axis_index("s")
        wid = c * _NS + s
        zvec = jnp.zeros((16,), jnp.float32)

        def _ztmp(j, carry):
            for k in range(_K):
                tmp[j, pl.ds(k * 16, 16)] = zvec
            return carry

        lax.fori_loop(0, zrows, _ztmp, None)

        def _zcopy(t, carry):
            pltpu.sync_copy(tmp, acc.at[pl.ds(s * rpt + t * zrows, zrows)])
            return carry

        lax.fori_loop(0, nz, _zcopy, None)
        plsc.subcore_barrier()

        def _fetch(j, b):
            base = jnp.minimum(wid * epw + j * _CHUNK, e - _CHUNK)
            pltpu.sync_copy(src_hbm.at[pl.ds(base, _CHUNK)], sidx[b])
            pltpu.sync_copy(dst_hbm.at[pl.ds(base, _CHUNK)], didx[b])
            pltpu.async_copy(tabs_hbm.at[sidx[b]], rows[b], sems[b])
            pltpu.async_copy(tabd_hbm.at[didx[b]], erb[b], sems[2 + b])

        def _wait(b):
            pltpu.make_async_copy(tabs_hbm.at[sidx[b]], rows[b], sems[b]).wait()
            pltpu.make_async_copy(tabd_hbm.at[didx[b]], erb[b], sems[2 + b]).wait()

        def _process(b):
            @plsc.parallel_loop(0, _CHUNK, unroll=4)
            def _edge(i):
                ev = rows[b][i, pl.ds(_KD, 16)] + erb[b][i]
                ev = jnp.where(ev > 0, ev, ev * 0.2)
                w = jnp.exp(ev)
                for k in range(_K):
                    msgs[i, pl.ds(k * 16, 16)] = rows[b][i, pl.ds(k * 16, 16)] * w[k]

            pltpu.sync_copy(msgs, acc.at[didx[b]], add=True)

        _fetch(0, 0)

        def _pair(jj, carry):
            j = 2 * jj
            _fetch(j + 1, 1)
            _wait(0)
            _process(0)
            _fetch(j + 2, 0)
            _wait(1)
            _process(1)
            return carry

        lax.fori_loop(0, nchunk // 2, _pair, None)
        _wait(0)
        if odd:
            _process(0)
        plsc.subcore_barrier()

        def _drain(t, carry):
            r0 = s * rpt + t * zrows
            pltpu.sync_copy(acc.at[pl.ds(r0, zrows)], tmp)

            @pl.when(c == 0)
            def _():
                pltpu.sync_copy(tmp, p0_hbm.at[pl.ds(r0, zrows)])

            @pl.when(c == 1)
            def _():
                pltpu.sync_copy(tmp, p1_hbm.at[pl.ds(r0, zrows)])

            return carry

        lax.fori_loop(0, nz, _drain, None)

    return sc_edge


def _make_sc_wsum(n, e):
    epw = e // _NW
    nchunk = epw // _CHUNK
    assert nchunk % 2 == 1 and nchunk * _CHUNK == epw
    rpt = n // _NS
    mesh = plsc.VectorSubcoreMesh(core_axis_name="c", subcore_axis_name="s")

    @functools.partial(
        pl.kernel,
        mesh=mesh,
        compiler_params=pltpu.CompilerParams(use_tc_tiling_on_sc=False),
        out_type=[
            jax.ShapeDtypeStruct((n, 16), jnp.float32),
            jax.ShapeDtypeStruct((n, 16), jnp.float32),
        ],
        scratch_types=[
            [pltpu.VMEM((_CHUNK,), jnp.int32)] * 2,
            [pltpu.VMEM((_CHUNK,), jnp.int32)] * 2,
            [pltpu.VMEM((_CHUNK, 16), jnp.float32)] * 2,
            [pltpu.VMEM((_CHUNK, 16), jnp.float32)] * 2,
            pltpu.VMEM((_CHUNK, 16), jnp.float32),
            pltpu.VMEM((rpt, 16), jnp.float32),
            pltpu.VMEM_SHARED((n, 16), jnp.float32),
            [pltpu.SemaphoreType.DMA] * 4,
        ],
    )
    def sc_wsum(src_hbm, dst_hbm, tabl_hbm, tabd_hbm, s0_hbm, s1_hbm,
                sidx, didx, elb, erb, wbuf, tmps, sacc, sems):
        c = lax.axis_index("c")
        s = lax.axis_index("s")
        wid = c * _NS + s
        zvec = jnp.zeros((16,), jnp.float32)

        def _ztmps(j, carry):
            tmps[j] = zvec
            return carry

        lax.fori_loop(0, rpt, _ztmps, None)

        pltpu.sync_copy(tmps, sacc.at[pl.ds(s * rpt, rpt)])
        plsc.subcore_barrier()

        def _fetch(j, b):
            base = jnp.minimum(wid * epw + j * _CHUNK, e - _CHUNK)
            pltpu.sync_copy(src_hbm.at[pl.ds(base, _CHUNK)], sidx[b])
            pltpu.sync_copy(dst_hbm.at[pl.ds(base, _CHUNK)], didx[b])
            pltpu.async_copy(tabl_hbm.at[sidx[b]], elb[b], sems[b])
            pltpu.async_copy(tabd_hbm.at[didx[b]], erb[b], sems[2 + b])

        def _wait(b):
            pltpu.make_async_copy(tabl_hbm.at[sidx[b]], elb[b], sems[b]).wait()
            pltpu.make_async_copy(tabd_hbm.at[didx[b]], erb[b], sems[2 + b]).wait()

        def _process(b):
            @plsc.parallel_loop(0, _CHUNK, unroll=4)
            def _edge(i):
                ev = elb[b][i] + erb[b][i]
                ev = jnp.where(ev > 0, ev, ev * 0.2)
                wbuf[i] = jnp.exp(ev)

            pltpu.sync_copy(wbuf, sacc.at[didx[b]], add=True)

        _fetch(0, 0)

        def _pair(jj, carry):
            j = 2 * jj
            _fetch(j + 1, 1)
            _wait(0)
            _process(0)
            _fetch(j + 2, 0)
            _wait(1)
            _process(1)
            return carry

        lax.fori_loop(0, nchunk // 2, _pair, None)
        _wait(0)
        _process(0)
        plsc.subcore_barrier()

        pltpu.sync_copy(sacc.at[pl.ds(s * rpt, rpt)], tmps)

        @pl.when(c == 0)
        def _():
            pltpu.sync_copy(tmps, s0_hbm.at[pl.ds(s * rpt, rpt)])

        @pl.when(c == 1)
        def _():
            pltpu.sync_copy(tmps, s1_hbm.at[pl.ds(s * rpt, rpt)])

    return sc_wsum


def _comb_body(p0_ref, p1_ref, s0_ref, s1_ref, out_ref):
    ssum = s0_ref[...] + s1_ref[...]
    kk = lax.broadcasted_iota(jnp.int32, (16, _KD), 0)
    jj = lax.broadcasted_iota(jnp.int32, (16, _KD), 1)
    sp = jnp.where((jj // _DOUT) == (kk % _K), 0.5, 0.0)
    denom = jnp.dot(ssum, sp, preferred_element_type=jnp.float32)
    psum = p0_ref[...] + p1_ref[...]
    out_ref[...] = jnp.where(denom > 0, psum / denom, 0.0)


def _run_combine(p0, p1, s0, s1):
    n = p0.shape[0]
    blk = 1000
    return pl.pallas_call(
        _comb_body,
        grid=(n // blk,),
        in_specs=[
            pl.BlockSpec((blk, _KD), lambda i: (i, 0)),
            pl.BlockSpec((blk, _KD), lambda i: (i, 0)),
            pl.BlockSpec((blk, 16), lambda i: (i, 0)),
            pl.BlockSpec((blk, 16), lambda i: (i, 0)),
        ],
        out_specs=pl.BlockSpec((blk, _KD), lambda i: (i, 0)),
        out_shape=jax.ShapeDtypeStruct((n, _KD), jnp.float32),
    )(p0, p1, s0, s1)


def kernel(feat, feat_rel, W_src, b_src, W_dst, b_dst, W_rel, b_rel, edge_index):
    n = feat.shape[0]
    e = edge_index.shape[1]
    tabs, tabl, tabd = _run_prep(feat, feat_rel, W_src, b_src, W_dst, b_dst, W_rel, b_rel)
    src = edge_index[0]
    dst = edge_index[1]
    p0, p1 = _make_sc_edge(n, e)(src, dst, tabs, tabd)
    s0, s1 = _make_sc_wsum(n, e)(src, dst, tabl, tabd)
    return _run_combine(p0, p1, s0, s1)

# --- scband reference (transcript-rebuilt; emitter-appended) ---
"""Pipeline reference for scband-relation-graph-conv-86706799772303 (READ-ONLY COPY).

The authoritative reference and input builder live on the scoring server;
editing this copy changes nothing except your own understanding.
"""

import jax, jax.numpy as jnp
import numpy as np

N = 10000
E = 320000
D_IN = 128
D_REL = 64
K = 8
D_OUT = 16


def setup_inputs(seed: int = 0) -> dict:
    key = jax.random.key(seed)
    ks = jax.random.split(key, 10)
    feat = jax.random.normal(ks[0], (N, D_IN), dtype=jnp.float32)
    feat_rel = jax.random.normal(ks[1], (D_REL,), dtype=jnp.float32)
    edge_index = jax.random.randint(ks[2], (2, E), 0, N, dtype=jnp.int32)
    # learned parameters (fc_src, fc_dst, fc_rel linear layers)
    W_src = jax.random.normal(ks[3], (D_IN, K * D_OUT), dtype=jnp.float32) * 0.05
    b_src = jnp.zeros((K * D_OUT,), dtype=jnp.float32)
    W_dst = jax.random.normal(ks[4], (D_IN, K * D_OUT), dtype=jnp.float32) * 0.05
    b_dst = jnp.zeros((K * D_OUT,), dtype=jnp.float32)
    W_rel = jax.random.normal(ks[5], (D_REL, 2 * K * D_OUT), dtype=jnp.float32) * 0.05
    b_rel = jnp.zeros((2 * K * D_OUT,), dtype=jnp.float32)
    return {"feat": feat, "feat_rel": feat_rel, "W_src": W_src, "b_src": b_src, "W_dst": W_dst, "b_dst": b_dst, "W_rel": W_rel, "b_rel": b_rel, "edge_index": edge_index}


def reference(feat, feat_rel, W_src, b_src, W_dst, b_dst, W_rel, b_rel, edge_index):
    src = edge_index[0]
    dst = edge_index[1]
    n = feat.shape[0]
    # feat_drop is identity (p=0.0)
    feat_src = (feat @ W_src + b_src).reshape(n, K, D_OUT)
    feat_dst = (feat @ W_dst + b_dst).reshape(n, K, D_OUT)
    attn = (feat_rel @ W_rel + b_rel).reshape(K, 2 * D_OUT)
    el = (feat_src * attn[:, :D_OUT][None, :, :]).sum(axis=-1)  # [N, K]
    er = (feat_dst * attn[:, D_OUT:][None, :, :]).sum(axis=-1)  # [N, K]
    # u_add_v then leaky_relu(0.2)
    e = el[src] + er[dst]  # [E, K]
    e = jnp.where(e > 0, e, 0.2 * e)
    # edge_softmax over incoming edges of each dst node, per head
    emax = jax.ops.segment_max(e, dst, num_segments=n)
    emax = jnp.where(jnp.isfinite(emax), emax, 0.0)
    ee = jnp.exp(e - emax[dst])
    esum = jax.ops.segment_sum(ee, dst, num_segments=n)
    a = ee / esum[dst]  # [E, K]
    # u_mul_e message + sum aggregation
    m = feat_src[src] * a[:, :, None]  # [E, K, D_OUT]
    out = jax.ops.segment_sum(m, dst, num_segments=n)  # [N, K, D_OUT]
    ret = out.reshape(n, K * D_OUT)
    # activation is None
    return ret

if __name__ == "__main__":
    import jax
    _d = setup_inputs()
    print(jax.jit(kernel)(*tuple(_d.values())))

</pallas_src>

<mosaic_0001>
#map = affine_map<(d0, d1) -> (0)>
#map1 = affine_map<(d0, d1) -> (0, 0)>
module attributes {stable_mosaic.version = 14 : i64} {
  func.func @sc_wsum(%arg0: i32, %arg1: i32, %arg2: memref<320000xi32, #tpu.memory_space<hbm>>, %arg3: memref<320000xi32, #tpu.memory_space<hbm>>, %arg4: memref<10000x16xf32, #tpu.memory_space<hbm>>, %arg5: memref<10000x16xf32, #tpu.memory_space<hbm>>, %arg6: memref<10000x16xf32, #tpu.memory_space<hbm>>, %arg7: memref<10000x16xf32, #tpu.memory_space<hbm>>, %arg8: memref<80xi32, #tpu.memory_space<vmem>>, %arg9: memref<80xi32, #tpu.memory_space<vmem>>, %arg10: memref<80xi32, #tpu.memory_space<vmem>>, %arg11: memref<80xi32, #tpu.memory_space<vmem>>, %arg12: memref<80x16xf32, #tpu.memory_space<vmem>>, %arg13: memref<80x16xf32, #tpu.memory_space<vmem>>, %arg14: memref<80x16xf32, #tpu.memory_space<vmem>>, %arg15: memref<80x16xf32, #tpu.memory_space<vmem>>, %arg16: memref<80x16xf32, #tpu.memory_space<vmem>>, %arg17: memref<625x16xf32, #tpu.memory_space<vmem>>, %arg18: memref<10000x16xf32, #tpu.memory_space<vmem_shared>>, %arg19: memref<!tpu.dma_semaphore, #tpu.memory_space<semaphore_mem>>, %arg20: memref<!tpu.dma_semaphore, #tpu.memory_space<semaphore_mem>>, %arg21: memref<!tpu.dma_semaphore, #tpu.memory_space<semaphore_mem>>, %arg22: memref<!tpu.dma_semaphore, #tpu.memory_space<semaphore_mem>>) attributes {dimension_semantics = [#tpu.dimension_semantics<core_parallel>, #tpu.dimension_semantics<subcore_parallel>], iteration_bounds = array<i64: 2, 16>, scalar_prefetch = 0 : i64, scratch_operands = 15 : i64, tpu.core_type = #tpu.core_type<sc_vector_subcore>, window_params = [{transform_indices = #map}, {transform_indices = #map}, {transform_indices = #map1}, {transform_indices = #map1}, {transform_indices = #map1}, {transform_indices = #map1}]} {
    %mul3A = arith.constant 16 : i32
    %mul3A_0 = arith.muli %arg0, %mul3A : i32
    %add3A = arith.addi %mul3A_0, %arg1 : i32
    %broadcast_in_dim3A = arith.constant 0.000000e+00 : f32
    %broadcast_in_dim3A_1 = vector.broadcast %broadcast_in_dim3A : f32 to vector<16xf32>
    %scan3A = arith.constant 0 : i32
    %scan3A_2 = arith.constant 625 : i32
    %scan3A_3 = arith.addi %scan3A, %scan3A_2 : i32
    %scan3A_4 = arith.constant 1 : i32
    scf.for %scan3A_40 = %scan3A to %scan3A_3 step %scan3A_4  : i32 {
      %swap3A = arith.index_cast %scan3A_40 : i32 to index
      %swap3A_41 = arith.constant 0 : index
      %swap3A_42 = tpu.vector_load %arg17[%swap3A, %swap3A_41] {strides = array<i32>} : memref<625x16xf32, #tpu.memory_space<vmem>>, vector<1x16xf32>,
      %swap3A_43 = vector.shape_cast %swap3A_42 : vector<1x16xf32> to vector<16xf32>
      %swap3A_44 = vector.shape_cast %broadcast_in_dim3A_1 : vector<16xf32> to vector<1x16xf32>
      tpu.vector_store %arg17[%swap3A, %swap3A_41], %swap3A_44 {strides = array<i32>} : memref<625x16xf32, #tpu.memory_space<vmem>>, vector<1x16xf32>,
    }
    %scan3A_5 = arith.constant 625 : i32
    %mul3A_6 = arith.constant 625 : i32
    %mul3A_7 = arith.muli %arg1, %mul3A_6 : i32
    "tpu.region"() ({
      %run_scoped3A = tpu.sem_alloc : memref<!tpu.dma_semaphore, #tpu.memory_space<semaphore_mem>>
      %dma_start3A_40 = arith.constant 0 : i32
      %dma_start3A_41 = tpu.memref_slice %arg18[%mul3A_7, %dma_start3A_40] : memref<10000x16xf32, #tpu.memory_space<vmem_shared>> -> memref<625x16xf32, #tpu.memory_space<vmem_shared>>
      %dma_start3A_42 = arith.constant 0 : i32
      %dma_start3A_43 = tpu.memref_slice %arg18[%mul3A_7, %dma_start3A_42] : memref<10000x16xf32, #tpu.memory_space<vmem_shared>> -> memref<625x16xf32, #tpu.memory_space<vmem_shared>>
      tpu.enqueue_dma source(%arg17 : memref<625x16xf32, #tpu.memory_space<vmem>>) target(%dma_start3A_43 : memref<625x16xf32, #tpu.memory_space<vmem_shared>>) target_semaphore(%run_scoped3A : memref<!tpu.dma_semaphore, #tpu.memory_space<semaphore_mem>>)
      %dma_wait3A_44 = arith.constant 0 : i32
      %dma_wait3A_45 = tpu.memref_slice %arg18[%mul3A_7, %dma_wait3A_44] : memref<10000x16xf32, #tpu.memory_space<vmem_shared>> -> memref<625x16xf32, #tpu.memory_space<vmem_shared>>
      %dma_wait3A_46 = arith.constant 0 : i32
      %dma_wait3A_47 = tpu.memref_slice %arg18[%mul3A_7, %dma_wait3A_46] : memref<10000x16xf32, #tpu.memory_space<vmem_shared>> -> memref<625x16xf32, #tpu.memory_space<vmem_shared>>
      tpu.wait_dma2 semaphore(%run_scoped3A : memref<!tpu.dma_semaphore, #tpu.memory_space<semaphore_mem>>) src(%arg17 : memref<625x16xf32, #tpu.memory_space<vmem>>) dst(%dma_wait3A_47 : memref<625x16xf32, #tpu.memory_space<vmem_shared>>)
      tpu.yield
    }) : () -> ()
    %barrier3A = arith.constant 0 : index
    tpu.barrier barrier_id(%barrier3A)
    %mul3A_8 = arith.constant 10000 : i32
    %mul3A_9 = arith.muli %add3A, %mul3A_8 : i32
    %add3A_10 = arith.constant 0 : i32
    %add3A_11 = arith.addi %mul3A_9, %add3A_10 : i32
    %min3A = arith.constant 319920 : i32
    %min3A_12 = arith.minsi %add3A_11, %min3A : i32
    "tpu.region"() ({
      %run_scoped3A = tpu.sem_alloc : memref<!tpu.dma_semaphore, #tpu.memory_space<semaphore_mem>>
      %dma_start3A_40 = tpu.memref_slice %arg2[%min3A_12] : memref<320000xi32, #tpu.memory_space<hbm>> -> memref<80xi32, #tpu.memory_space<hbm>>
      %dma_start3A_41 = tpu.memref_slice %arg2[%min3A_12] : memref<320000xi32, #tpu.memory_space<hbm>> -> memref<80xi32, #tpu.memory_space<hbm>>
      tpu.enqueue_dma source(%dma_start3A_41 : memref<80xi32, #tpu.memory_space<hbm>>) target(%arg8 : memref<80xi32, #tpu.memory_space<vmem>>) target_semaphore(%run_scoped3A : memref<!tpu.dma_semaphore, #tpu.memory_space<semaphore_mem>>)
      %dma_wait3A_42 = tpu.memref_slice %arg2[%min3A_12] : memref<320000xi32, #tpu.memory_space<hbm>> -> memref<80xi32, #tpu.memory_space<hbm>>
      %dma_wait3A_43 = tpu.memref_slice %arg2[%min3A_12] : memref<320000xi32, #tpu.memory_space<hbm>> -> memref<80xi32, #tpu.memory_space<hbm>>
      tpu.wait_dma2 semaphore(%run_scoped3A : memref<!tpu.dma_semaphore, #tpu.memory_space<semaphore_mem>>) src(%dma_wait3A_43 : memref<80xi32, #tpu.memory_space<hbm>>) dst(%arg8 : memref<80xi32, #tpu.memory_space<vmem>>)
      tpu.yield
    }) : () -> ()
    "tpu.region"() ({
      %run_scoped3A = tpu.sem_alloc : memref<!tpu.dma_semaphore, #tpu.memory_space<semaphore_mem>>
      %dma_start3A_40 = tpu.memref_slice %arg3[%min3A_12] : memref<320000xi32, #tpu.memory_space<hbm>> -> memref<80xi32, #tpu.memory_space<hbm>>
      %dma_start3A_41 = tpu.memref_slice %arg3[%min3A_12] : memref<320000xi32, #tpu.memory_space<hbm>> -> memref<80xi32, #tpu.memory_space<hbm>>
      tpu.enqueue_dma source(%dma_start3A_41 : memref<80xi32, #tpu.memory_space<hbm>>) target(%arg10 : memref<80xi32, #tpu.memory_space<vmem>>) target_semaphore(%run_scoped3A : memref<!tpu.dma_semaphore, #tpu.memory_space<semaphore_mem>>)
      %dma_wait3A_42 = tpu.memref_slice %arg3[%min3A_12] : memref<320000xi32, #tpu.memory_space<hbm>> -> memref<80xi32, #tpu.memory_space<hbm>>
      %dma_wait3A_43 = tpu.memref_slice %arg3[%min3A_12] : memref<320000xi32, #tpu.memory_space<hbm>> -> memref<80xi32, #tpu.memory_space<hbm>>
      tpu.wait_dma2 semaphore(%run_scoped3A : memref<!tpu.dma_semaphore, #tpu.memory_space<semaphore_mem>>) src(%dma_wait3A_43 : memref<80xi32, #tpu.memory_space<hbm>>) dst(%arg10 : memref<80xi32, #tpu.memory_space<vmem>>)
      tpu.yield
    }) : () -> ()
    %dma_start3A = arith.constant 0 : i32
    %dma_start3A_13 = arith.constant 0 : i32
    %dma_start3A_14 = tpu.memref_slice %arg4[%dma_start3A, %dma_start3A_13] : memref<10000x16xf32, #tpu.memory_space<hbm>> -> memref<10000x16xf32, #tpu.memory_space<hbm>>
    tpu.enqueue_indirect_dma source(%dma_start3A_14 : memref<10000x16xf32, #tpu.memory_space<hbm>>) target(%arg12 : memref<80x16xf32, #tpu.memory_space<vmem>>) offsets(%arg8 : memref<80xi32, #tpu.memory_space<vmem>>) semaphore(%arg19 : memref<!tpu.dma_semaphore, #tpu.memory_space<semaphore_mem>>)
    %dma_start3A_15 = arith.constant 0 : i32
    %dma_start3A_16 = arith.constant 0 : i32
    %dma_start3A_17 = tpu.memref_slice %arg5[%dma_start3A_15, %dma_start3A_16] : memref<10000x16xf32, #tpu.memory_space<hbm>> -> memref<10000x16xf32, #tpu.memory_space<hbm>>
    tpu.enqueue_indirect_dma source(%dma_start3A_17 : memref<10000x16xf32, #tpu.memory_space<hbm>>) target(%arg14 : memref<80x16xf32, #tpu.memory_space<vmem>>) offsets(%arg10 : memref<80xi32, #tpu.memory_space<vmem>>) semaphore(%arg21 : memref<!tpu.dma_semaphore, #tpu.memory_space<semaphore_mem>>)
    %scan3A_18 = arith.constant 0 : i32
    %scan3A_19 = arith.constant 62 : i32
    %scan3A_20 = arith.addi %scan3A_18, %scan3A_19 : i32
    %scan3A_21 = arith.constant 1 : i32
    scf.for %scan3A_40 = %scan3A_18 to %scan3A_20 step %scan3A_21  : i32 {
      %mul3A_41 = arith.constant 2 : i32
      %mul3A_42 = arith.muli %mul3A_41, %scan3A_40 : i32
      %add3A_43 = arith.constant 1 : i32
      %add3A_44 = arith.addi %mul3A_42, %add3A_43 : i32
      %mul3A_45 = arith.constant 10000 : i32
      %mul3A_46 = arith.muli %add3A, %mul3A_45 : i32
      %mul3A_47 = arith.constant 80 : i32
      %mul3A_48 = arith.muli %add3A_44, %mul3A_47 : i32
      %add3A_49 = arith.addi %mul3A_46, %mul3A_48 : i32
      %min3A_50 = arith.constant 319920 : i32
      %min3A_51 = arith.minsi %add3A_49, %min3A_50 : i32
      "tpu.region"() ({
        %run_scoped3A = tpu.sem_alloc : memref<!tpu.dma_semaphore, #tpu.memory_space<semaphore_mem>>
        %dma_start3A_91 = tpu.memref_slice %arg2[%min3A_51] : memref<320000xi32, #tpu.memory_space<hbm>> -> memref<80xi32, #tpu.memory_space<hbm>>
        %dma_start3A_92 = tpu.memref_slice %arg2[%min3A_51] : memref<320000xi32, #tpu.memory_space<hbm>> -> memref<80xi32, #tpu.memory_space<hbm>>
        tpu.enqueue_dma source(%dma_start3A_92 : memref<80xi32, #tpu.memory_space<hbm>>) target(%arg9 : memref<80xi32, #tpu.memory_space<vmem>>) target_semaphore(%run_scoped3A : memref<!tpu.dma_semaphore, #tpu.memory_space<semaphore_mem>>)
        %dma_wait3A_93 = tpu.memref_slice %arg2[%min3A_51] : memref<320000xi32, #tpu.memory_space<hbm>> -> memref<80xi32, #tpu.memory_space<hbm>>
        %dma_wait3A_94 = tpu.memref_slice %arg2[%min3A_51] : memref<320000xi32, #tpu.memory_space<hbm>> -> memref<80xi32, #tpu.memory_space<hbm>>
        tpu.wait_dma2 semaphore(%run_scoped3A : memref<!tpu.dma_semaphore, #tpu.memory_space<semaphore_mem>>) src(%dma_wait3A_94 : memref<80xi32, #tpu.memory_space<hbm>>) dst(%arg9 : memref<80xi32, #tpu.memory_space<vmem>>)
        tpu.yield
      }) : () -> ()
      "tpu.region"() ({
        %run_scoped3A = tpu.sem_alloc : memref<!tpu.dma_semaphore, #tpu.memory_space<semaphore_mem>>
        %dma_start3A_91 = tpu.memref_slice %arg3[%min3A_51] : memref<320000xi32, #tpu.memory_space<hbm>> -> memref<80xi32, #tpu.memory_space<hbm>>
        %dma_start3A_92 = tpu.memref_slice %arg3[%min3A_51] : memref<320000xi32, #tpu.memory_space<hbm>> -> memref<80xi32, #tpu.memory_space<hbm>>
        tpu.enqueue_dma source(%dma_start3A_92 : memref<80xi32, #tpu.memory_space<hbm>>) target(%arg11 : memref<80xi32, #tpu.memory_space<vmem>>) target_semaphore(%run_scoped3A : memref<!tpu.dma_semaphore, #tpu.memory_space<semaphore_mem>>)
        %dma_wait3A_93 = tpu.memref_slice %arg3[%min3A_51] : memref<320000xi32, #tpu.memory_space<hbm>> -> memref<80xi32, #tpu.memory_space<hbm>>
        %dma_wait3A_94 = tpu.memref_slice %arg3[%min3A_51] : memref<320000xi32, #tpu.memory_space<hbm>> -> memref<80xi32, #tpu.memory_space<hbm>>
        tpu.wait_dma2 semaphore(%run_scoped3A : memref<!tpu.dma_semaphore, #tpu.memory_space<semaphore_mem>>) src(%dma_wait3A_94 : memref<80xi32, #tpu.memory_space<hbm>>) dst(%arg11 : memref<80xi32, #tpu.memory_space<vmem>>)
        tpu.yield
      }) : () -> ()
      %dma_start3A_52 = arith.constant 0 : i32
      %dma_start3A_53 = arith.constant 0 : i32
      %dma_start3A_54 = tpu.memref_slice %arg4[%dma_start3A_52, %dma_start3A_53] : memref<10000x16xf32, #tpu.memory_space<hbm>> -> memref<10000x16xf32, #tpu.memory_space<hbm>>
      tpu.enqueue_indirect_dma source(%dma_start3A_54 : memref<10000x16xf32, #tpu.memory_space<hbm>>) target(%arg13 : memref<80x16xf32, #tpu.memory_space<vmem>>) offsets(%arg9 : memref<80xi32, #tpu.memory_space<vmem>>) semaphore(%arg20 : memref<!tpu.dma_semaphore, #tpu.memory_space<semaphore_mem>>)
      %dma_start3A_55 = arith.constant 0 : i32
      %dma_start3A_56 = arith.constant 0 : i32
      %dma_start3A_57 = tpu.memref_slice %arg5[%dma_start3A_55, %dma_start3A_56] : memref<10000x16xf32, #tpu.memory_space<hbm>> -> memref<10000x16xf32, #tpu.memory_space<hbm>>
      tpu.enqueue_indirect_dma source(%dma_start3A_57 : memref<10000x16xf32, #tpu.memory_space<hbm>>) target(%arg15 : memref<80x16xf32, #tpu.memory_space<vmem>>) offsets(%arg11 : memref<80xi32, #tpu.memory_space<vmem>>) semaphore(%arg22 : memref<!tpu.dma_semaphore, #tpu.memory_space<semaphore_mem>>)
      %dma_wait3A_58 = arith.constant 0 : i32
      %dma_wait3A_59 = arith.constant 0 : i32
      %dma_wait3A_60 = tpu.memref_slice %arg4[%dma_wait3A_58, %dma_wait3A_59] : memref<10000x16xf32, #tpu.memory_space<hbm>> -> memref<10000x16xf32, #tpu.memory_space<hbm>>
      tpu.wait_indirect_dma semaphore(%arg19 : memref<!tpu.dma_semaphore, #tpu.memory_space<semaphore_mem>>) src(%dma_wait3A_60 : memref<10000x16xf32, #tpu.memory_space<hbm>>) dst(%arg12 : memref<80x16xf32, #tpu.memory_space<vmem>>)
      %dma_wait3A_61 = arith.constant 0 : i32
      %dma_wait3A_62 = arith.constant 0 : i32
      %dma_wait3A_63 = tpu.memref_slice %arg5[%dma_wait3A_61, %dma_wait3A_62] : memref<10000x16xf32, #tpu.memory_space<hbm>> -> memref<10000x16xf32, #tpu.memory_space<hbm>>
      tpu.wait_indirect_dma semaphore(%arg21 : memref<!tpu.dma_semaphore, #tpu.memory_space<semaphore_mem>>) src(%dma_wait3A_63 : memref<10000x16xf32, #tpu.memory_space<hbm>>) dst(%arg14 : memref<80x16xf32, #tpu.memory_space<vmem>>)
      %parallel_loop3A_64 = arith.constant 0 : i32
      %parallel_loop3A_65 = arith.constant 80 : i32
      %parallel_loop3A_66 = arith.constant 1 : i32
      scf.for %parallel_loop3A_91 = %parallel_loop3A_64 to %parallel_loop3A_65 step %parallel_loop3A_66  : i32 {
        %parallel_loop3A_92 = arith.index_cast %parallel_loop3A_91 : i32 to index
        %parallel_loop3A_93 = arith.constant 0 : index
        %parallel_loop3A_94 = tpu.vector_load %arg12[%parallel_loop3A_92, %parallel_loop3A_93] {strides = array<i32>} : memref<80x16xf32, #tpu.memory_space<vmem>>, vector<1x16xf32>,
        %parallel_loop3A_95 = vector.shape_cast %parallel_loop3A_94 : vector<1x16xf32> to vector<16xf32>
        %parallel_loop3A_96 = arith.index_cast %parallel_loop3A_91 : i32 to index
        %parallel_loop3A_97 = arith.constant 0 : index
        %parallel_loop3A_98 = tpu.vector_load %arg14[%parallel_loop3A_96, %parallel_loop3A_97] {strides = array<i32>} : memref<80x16xf32, #tpu.memory_space<vmem>>, vector<1x16xf32>,
        %parallel_loop3A_99 = vector.shape_cast %parallel_loop3A_98 : vector<1x16xf32> to vector<16xf32>
        %parallel_loop3A_100 = arith.addf %parallel_loop3A_95, %parallel_loop3A_99 : vector<16xf32>
        %parallel_loop3A_101 = arith.constant 0.000000e+00 : f32
        %parallel_loop3A_102 = vector.broadcast %parallel_loop3A_101 : f32 to vector<16xf32>
        %parallel_loop3A_103 = arith.cmpf ogt, %parallel_loop3A_100, %parallel_loop3A_102 : vector<16xf32>
        %parallel_loop3A_104 = arith.constant 2.000000e-01 : f32
        %parallel_loop3A_105 = vector.broadcast %parallel_loop3A_104 : f32 to vector<16xf32>
        %parallel_loop3A_106 = arith.mulf %parallel_loop3A_100, %parallel_loop3A_105 : vector<16xf32>
        %parallel_loop3A_107 = arith.select %parallel_loop3A_103, %parallel_loop3A_100, %parallel_loop3A_106 : vector<16xi1>, vector<16xf32>
        %parallel_loop3A_108 = math.exp %parallel_loop3A_107 : vector<16xf32>
        %parallel_loop3A_109 = arith.index_cast %parallel_loop3A_91 : i32 to index
        %parallel_loop3A_110 = arith.constant 0 : index
        %parallel_loop3A_111 = tpu.vector_load %arg16[%parallel_loop3A_109, %parallel_loop3A_110] {strides = array<i32>} : memref<80x16xf32, #tpu.memory_space<vmem>>, vector<1x16xf32>,
        %parallel_loop3A_112 = vector.shape_cast %parallel_loop3A_111 : vector<1x16xf32> to vector<16xf32>
        %parallel_loop3A_113 = vector.shape_cast %parallel_loop3A_108 : vector<16xf32> to vector<1x16xf32>
        tpu.vector_store %arg16[%parallel_loop3A_109, %parallel_loop3A_110], %parallel_loop3A_113 {strides = array<i32>} : memref<80x16xf32, #tpu.memory_space<vmem>>, vector<1x16xf32>,
      } {sc.loop_unroll_factor = 4 : i64, sc.parallel_access}
      "tpu.region"() ({
        %run_scoped3A = tpu.sem_alloc : memref<!tpu.dma_semaphore, #tpu.memory_space<semaphore_mem>>
        %dma_start3A_91 = arith.constant 0 : i32
        %dma_start3A_92 = arith.constant 0 : i32
        %dma_start3A_93 = tpu.memref_slice %arg18[%dma_start3A_91, %dma_start3A_92] : memref<10000x16xf32, #tpu.memory_space<vmem_shared>> -> memref<10000x16xf32, #tpu.memory_space<vmem_shared>>
        tpu.enqueue_indirect_dma source(%arg16 : memref<80x16xf32, #tpu.memory_space<vmem>>) target(%dma_start3A_93 : memref<10000x16xf32, #tpu.memory_space<vmem_shared>>) offsets(%arg10 : memref<80xi32, #tpu.memory_space<vmem>>) semaphore(%run_scoped3A : memref<!tpu.dma_semaphore, #tpu.memory_space<semaphore_mem>>) {add = true}
        %dma_wait3A_94 = arith.constant 0 : i32
        %dma_wait3A_95 = arith.constant 0 : i32
        %dma_wait3A_96 = tpu.memref_slice %arg18[%dma_wait3A_94, %dma_wait3A_95] : memref<10000x16xf32, #tpu.memory_space<vmem_shared>> -> memref<10000x16xf32, #tpu.memory_space<vmem_shared>>
        tpu.wait_indirect_dma semaphore(%run_scoped3A : memref<!tpu.dma_semaphore, #tpu.memory_space<semaphore_mem>>) src(%arg16 : memref<80x16xf32, #tpu.memory_space<vmem>>) dst(%dma_wait3A_96 : memref<10000x16xf32, #tpu.memory_space<vmem_shared>>)
        tpu.yield
      }) : () -> ()
      %add3A_67 = arith.constant 2 : i32
      %add3A_68 = arith.addi %mul3A_42, %add3A_67 : i32
      %mul3A_69 = arith.constant 10000 : i32
      %mul3A_70 = arith.muli %add3A, %mul3A_69 : i32
      %mul3A_71 = arith.constant 80 : i32
      %mul3A_72 = arith.muli %add3A_68, %mul3A_71 : i32
      %add3A_73 = arith.addi %mul3A_70, %mul3A_72 : i32
      %min3A_74 = arith.constant 319920 : i32
      %min3A_75 = arith.minsi %add3A_73, %min3A_74 : i32
      "tpu.region"() ({
        %run_scoped3A = tpu.sem_alloc : memref<!tpu.dma_semaphore, #tpu.memory_space<semaphore_mem>>
        %dma_start3A_91 = tpu.memref_slice %arg2[%min3A_75] : memref<320000xi32, #tpu.memory_space<hbm>> -> memref<80xi32, #tpu.memory_space<hbm>>
        %dma_start3A_92 = tpu.memref_slice %arg2[%min3A_75] : memref<320000xi32, #tpu.memory_space<hbm>> -> memref<80xi32, #tpu.memory_space<hbm>>
        tpu.enqueue_dma source(%dma_start3A_92 : memref<80xi32, #tpu.memory_space<hbm>>) target(%arg8 : memref<80xi32, #tpu.memory_space<vmem>>) target_semaphore(%run_scoped3A : memref<!tpu.dma_semaphore, #tpu.memory_space<semaphore_mem>>)
        %dma_wait3A_93 = tpu.memref_slice %arg2[%min3A_75] : memref<320000xi32, #tpu.memory_space<hbm>> -> memref<80xi32, #tpu.memory_space<hbm>>
        %dma_wait3A_94 = tpu.memref_slice %arg2[%min3A_75] : memref<320000xi32, #tpu.memory_space<hbm>> -> memref<80xi32, #tpu.memory_space<hbm>>
        tpu.wait_dma2 semaphore(%run_scoped3A : memref<!tpu.dma_semaphore, #tpu.memory_space<semaphore_mem>>) src(%dma_wait3A_94 : memref<80xi32, #tpu.memory_space<hbm>>) dst(%arg8 : memref<80xi32, #tpu.memory_space<vmem>>)
        tpu.yield
      }) : () -> ()
      "tpu.region"() ({
        %run_scoped3A = tpu.sem_alloc : memref<!tpu.dma_semaphore, #tpu.memory_space<semaphore_mem>>
        %dma_start3A_91 = tpu.memref_slice %arg3[%min3A_75] : memref<320000xi32, #tpu.memory_space<hbm>> -> memref<80xi32, #tpu.memory_space<hbm>>
        %dma_start3A_92 = tpu.memref_slice %arg3[%min3A_75] : memref<320000xi32, #tpu.memory_space<hbm>> -> memref<80xi32, #tpu.memory_space<hbm>>
        tpu.enqueue_dma source(%dma_start3A_92 : memref<80xi32, #tpu.memory_space<hbm>>) target(%arg10 : memref<80xi32, #tpu.memory_space<vmem>>) target_semaphore(%run_scoped3A : memref<!tpu.dma_semaphore, #tpu.memory_space<semaphore_mem>>)
        %dma_wait3A_93 = tpu.memref_slice %arg3[%min3A_75] : memref<320000xi32, #tpu.memory_space<hbm>> -> memref<80xi32, #tpu.memory_space<hbm>>
        %dma_wait3A_94 = tpu.memref_slice %arg3[%min3A_75] : memref<320000xi32, #tpu.memory_space<hbm>> -> memref<80xi32, #tpu.memory_space<hbm>>
        tpu.wait_dma2 semaphore(%run_scoped3A : memref<!tpu.dma_semaphore, #tpu.memory_space<semaphore_mem>>) src(%dma_wait3A_94 : memref<80xi32, #tpu.memory_space<hbm>>) dst(%arg10 : memref<80xi32, #tpu.memory_space<vmem>>)
        tpu.yield
      }) : () -> ()
      %dma_start3A_76 = arith.constant 0 : i32
      %dma_start3A_77 = arith.constant 0 : i32
      %dma_start3A_78 = tpu.memref_slice %arg4[%dma_start3A_76, %dma_start3A_77] : memref<10000x16xf32, #tpu.memory_space<hbm>> -> memref<10000x16xf32, #tpu.memory_space<hbm>>
      tpu.enqueue_indirect_dma source(%dma_start3A_78 : memref<10000x16xf32, #tpu.memory_space<hbm>>) target(%arg12 : memref<80x16xf32, #tpu.memory_space<vmem>>) offsets(%arg8 : memref<80xi32, #tpu.memory_space<vmem>>) semaphore(%arg19 : memref<!tpu.dma_semaphore, #tpu.memory_space<semaphore_mem>>)
      %dma_start3A_79 = arith.constant 0 : i32
      %dma_start3A_80 = arith.constant 0 : i32
      %dma_start3A_81 = tpu.memref_slice %arg5[%dma_start3A_79, %dma_start3A_80] : memref<10000x16xf32, #tpu.memory_space<hbm>> -> memref<10000x16xf32, #tpu.memory_space<hbm>>
      tpu.enqueue_indirect_dma source(%dma_start3A_81 : memref<10000x16xf32, #tpu.memory_space<hbm>>) target(%arg14 : memref<80x16xf32, #tpu.memory_space<vmem>>) offsets(%arg10 : memref<80xi32, #tpu.memory_space<vmem>>) semaphore(%arg21 : memref<!tpu.dma_semaphore, #tpu.memory_space<semaphore_mem>>)
      %dma_wait3A_82 = arith.constant 0 : i32
      %dma_wait3A_83 = arith.constant 0 : i32
      %dma_wait3A_84 = tpu.memref_slice %arg4[%dma_wait3A_82, %dma_wait3A_83] : memref<10000x16xf32, #tpu.memory_space<hbm>> -> memref<10000x16xf32, #tpu.memory_space<hbm>>
      tpu.wait_indirect_dma semaphore(%arg20 : memref<!tpu.dma_semaphore, #tpu.memory_space<semaphore_mem>>) src(%dma_wait3A_84 : memref<10000x16xf32, #tpu.memory_space<hbm>>) dst(%arg13 : memref<80x16xf32, #tpu.memory_space<vmem>>)
      %dma_wait3A_85 = arith.constant 0 : i32
      %dma_wait3A_86 = arith.constant 0 : i32
      %dma_wait3A_87 = tpu.memref_slice %arg5[%dma_wait3A_85, %dma_wait3A_86] : memref<10000x16xf32, #tpu.memory_space<hbm>> -> memref<10000x16xf32, #tpu.memory_space<hbm>>
      tpu.wait_indirect_dma semaphore(%arg22 : memref<!tpu.dma_semaphore, #tpu.memory_space<semaphore_mem>>) src(%dma_wait3A_87 : memref<10000x16xf32, #tpu.memory_space<hbm>>) dst(%arg15 : memref<80x16xf32, #tpu.memory_space<vmem>>)
      %parallel_loop3A_88 = arith.constant 0 : i32
      %parallel_loop3A_89 = arith.constant 80 : i32
      %parallel_loop3A_90 = arith.constant 1 : i32
      scf.for %parallel_loop3A_91 = %parallel_loop3A_88 to %parallel_loop3A_89 step %parallel_loop3A_90  : i32 {
        %parallel_loop3A_92 = arith.index_cast %parallel_loop3A_91 : i32 to index
        %parallel_loop3A_93 = arith.constant 0 : index
        %parallel_loop3A_94 = tpu.vector_load %arg13[%parallel_loop3A_92, %parallel_loop3A_93] {strides = array<i32>} : memref<80x16xf32, #tpu.memory_space<vmem>>, vector<1x16xf32>,
        %parallel_loop3A_95 = vector.shape_cast %parallel_loop3A_94 : vector<1x16xf32> to vector<16xf32>
        %parallel_loop3A_96 = arith.index_cast %parallel_loop3A_91 : i32 to index
        %parallel_loop3A_97 = arith.constant 0 : index
        %parallel_loop3A_98 = tpu.vector_load %arg15[%parallel_loop3A_96, %parallel_loop3A_97] {strides = array<i32>} : memref<80x16xf32, #tpu.memory_space<vmem>>, vector<1x16xf32>,
        %parallel_loop3A_99 = vector.shape_cast %parallel_loop3A_98 : vector<1x16xf32> to vector<16xf32>
        %parallel_loop3A_100 = arith.addf %parallel_loop3A_95, %parallel_loop3A_99 : vector<16xf32>
        %parallel_loop3A_101 = arith.constant 0.000000e+00 : f32
        %parallel_loop3A_102 = vector.broadcast %parallel_loop3A_101 : f32 to vector<16xf32>
        %parallel_loop3A_103 = arith.cmpf ogt, %parallel_loop3A_100, %parallel_loop3A_102 : vector<16xf32>
        %parallel_loop3A_104 = arith.constant 2.000000e-01 : f32
        %parallel_loop3A_105 = vector.broadcast %parallel_loop3A_104 : f32 to vector<16xf32>
        %parallel_loop3A_106 = arith.mulf %parallel_loop3A_100, %parallel_loop3A_105 : vector<16xf32>
        %parallel_loop3A_107 = arith.select %parallel_loop3A_103, %parallel_loop3A_100, %parallel_loop3A_106 : vector<16xi1>, vector<16xf32>
        %parallel_loop3A_108 = math.exp %parallel_loop3A_107 : vector<16xf32>
        %parallel_loop3A_109 = arith.index_cast %parallel_loop3A_91 : i32 to index
        %parallel_loop3A_110 = arith.constant 0 : index
        %parallel_loop3A_111 = tpu.vector_load %arg16[%parallel_loop3A_109, %parallel_loop3A_110] {strides = array<i32>} : memref<80x16xf32, #tpu.memory_space<vmem>>, vector<1x16xf32>,
        %parallel_loop3A_112 = vector.shape_cast %parallel_loop3A_111 : vector<1x16xf32> to vector<16xf32>
        %parallel_loop3A_113 = vector.shape_cast %parallel_loop3A_108 : vector<16xf32> to vector<1x16xf32>
        tpu.vector_store %arg16[%parallel_loop3A_109, %parallel_loop3A_110], %parallel_loop3A_113 {strides = array<i32>} : memref<80x16xf32, #tpu.memory_space<vmem>>, vector<1x16xf32>,
      } {sc.loop_unroll_factor = 4 : i64, sc.parallel_access}
      "tpu.region"() ({
        %run_scoped3A = tpu.sem_alloc : memref<!tpu.dma_semaphore, #tpu.memory_space<semaphore_mem>>
        %dma_start3A_91 = arith.constant 0 : i32
        %dma_start3A_92 = arith.constant 0 : i32
        %dma_start3A_93 = tpu.memref_slice %arg18[%dma_start3A_91, %dma_start3A_92] : memref<10000x16xf32, #tpu.memory_space<vmem_shared>> -> memref<10000x16xf32, #tpu.memory_space<vmem_shared>>
        tpu.enqueue_indirect_dma source(%arg16 : memref<80x16xf32, #tpu.memory_space<vmem>>) target(%dma_start3A_93 : memref<10000x16xf32, #tpu.memory_space<vmem_shared>>) offsets(%arg11 : memref<80xi32, #tpu.memory_space<vmem>>) semaphore(%run_scoped3A : memref<!tpu.dma_semaphore, #tpu.memory_space<semaphore_mem>>) {add = true}
        %dma_wait3A_94 = arith.constant 0 : i32
        %dma_wait3A_95 = arith.constant 0 : i32
        %dma_wait3A_96 = tpu.memref_slice %arg18[%dma_wait3A_94, %dma_wait3A_95] : memref<10000x16xf32, #tpu.memory_space<vmem_shared>> -> memref<10000x16xf32, #tpu.memory_space<vmem_shared>>
        tpu.wait_indirect_dma semaphore(%run_scoped3A : memref<!tpu.dma_semaphore, #tpu.memory_space<semaphore_mem>>) src(%arg16 : memref<80x16xf32, #tpu.memory_space<vmem>>) dst(%dma_wait3A_96 : memref<10000x16xf32, #tpu.memory_space<vmem_shared>>)
        tpu.yield
      }) : () -> ()
    }
    %scan3A_22 = arith.constant 62 : i32
    %dma_wait3A = arith.constant 0 : i32
    %dma_wait3A_23 = arith.constant 0 : i32
    %dma_wait3A_24 = tpu.memref_slice %arg4[%dma_wait3A, %dma_wait3A_23] : memref<10000x16xf32, #tpu.memory_space<hbm>> -> memref<10000x16xf32, #tpu.memory_space<hbm>>
    tpu.wait_indirect_dma semaphore(%arg19 : memref<!tpu.dma_semaphore, #tpu.memory_space<semaphore_mem>>) src(%dma_wait3A_24 : memref<10000x16xf32, #tpu.memory_space<hbm>>) dst(%arg12 : memref<80x16xf32, #tpu.memory_space<vmem>>)
    %dma_wait3A_25 = arith.constant 0 : i32
    %dma_wait3A_26 = arith.constant 0 : i32
    %dma_wait3A_27 = tpu.memref_slice %arg5[%dma_wait3A_25, %dma_wait3A_26] : memref<10000x16xf32, #tpu.memory_space<hbm>> -> memref<10000x16xf32, #tpu.memory_space<hbm>>
    tpu.wait_indirect_dma semaphore(%arg21 : memref<!tpu.dma_semaphore, #tpu.memory_space<semaphore_mem>>) src(%dma_wait3A_27 : memref<10000x16xf32, #tpu.memory_space<hbm>>) dst(%arg14 : memref<80x16xf32, #tpu.memory_space<vmem>>)
    %parallel_loop3A = arith.constant 0 : i32
    %parallel_loop3A_28 = arith.constant 80 : i32
    %parallel_loop3A_29 = arith.constant 1 : i32
    scf.for %parallel_loop3A_40 = %parallel_loop3A to %parallel_loop3A_28 step %parallel_loop3A_29  : i32 {
      %parallel_loop3A_41 = arith.index_cast %parallel_loop3A_40 : i32 to index
      %parallel_loop3A_42 = arith.constant 0 : index
      %parallel_loop3A_43 = tpu.vector_load %arg12[%parallel_loop3A_41, %parallel_loop3A_42] {strides = array<i32>} : memref<80x16xf32, #tpu.memory_space<vmem>>, vector<1x16xf32>,
      %parallel_loop3A_44 = vector.shape_cast %parallel_loop3A_43 : vector<1x16xf32> to vector<16xf32>
      %parallel_loop3A_45 = arith.index_cast %parallel_loop3A_40 : i32 to index
      %parallel_loop3A_46 = arith.constant 0 : index
      %parallel_loop3A_47 = tpu.vector_load %arg14[%parallel_loop3A_45, %parallel_loop3A_46] {strides = array<i32>} : memref<80x16xf32, #tpu.memory_space<vmem>>, vector<1x16xf32>,
      %parallel_loop3A_48 = vector.shape_cast %parallel_loop3A_47 : vector<1x16xf32> to vector<16xf32>
      %parallel_loop3A_49 = arith.addf %parallel_loop3A_44, %parallel_loop3A_48 : vector<16xf32>
      %parallel_loop3A_50 = arith.constant 0.000000e+00 : f32
      %parallel_loop3A_51 = vector.broadcast %parallel_loop3A_50 : f32 to vector<16xf32>
      %parallel_loop3A_52 = arith.cmpf ogt, %parallel_loop3A_49, %parallel_loop3A_51 : vector<16xf32>
      %parallel_loop3A_53 = arith.constant 2.000000e-01 : f32
      %parallel_loop3A_54 = vector.broadcast %parallel_loop3A_53 : f32 to vector<16xf32>
      %parallel_loop3A_55 = arith.mulf %parallel_loop3A_49, %parallel_loop3A_54 : vector<16xf32>
      %parallel_loop3A_56 = arith.select %parallel_loop3A_52, %parallel_loop3A_49, %parallel_loop3A_55 : vector<16xi1>, vector<16xf32>
      %parallel_loop3A_57 = math.exp %parallel_loop3A_56 : vector<16xf32>
      %parallel_loop3A_58 = arith.index_cast %parallel_loop3A_40 : i32 to index
      %parallel_loop3A_59 = arith.constant 0 : index
      %parallel_loop3A_60 = tpu.vector_load %arg16[%parallel_loop3A_58, %parallel_loop3A_59] {strides = array<i32>} : memref<80x16xf32, #tpu.memory_space<vmem>>, vector<1x16xf32>,
      %parallel_loop3A_61 = vector.shape_cast %parallel_loop3A_60 : vector<1x16xf32> to vector<16xf32>
      %parallel_loop3A_62 = vector.shape_cast %parallel_loop3A_57 : vector<16xf32> to vector<1x16xf32>
      tpu.vector_store %arg16[%parallel_loop3A_58, %parallel_loop3A_59], %parallel_loop3A_62 {strides = array<i32>} : memref<80x16xf32, #tpu.memory_space<vmem>>, vector<1x16xf32>,
    } {sc.loop_unroll_factor = 4 : i64, sc.parallel_access}
    "tpu.region"() ({
      %run_scoped3A = tpu.sem_alloc : memref<!tpu.dma_semaphore, #tpu.memory_space<semaphore_mem>>
      %dma_start3A_40 = arith.constant 0 : i32
      %dma_start3A_41 = arith.constant 0 : i32
      %dma_start3A_42 = tpu.memref_slice %arg18[%dma_start3A_40, %dma_start3A_41] : memref<10000x16xf32, #tpu.memory_space<vmem_shared>> -> memref<10000x16xf32, #tpu.memory_space<vmem_shared>>
      tpu.enqueue_indirect_dma source(%arg16 : memref<80x16xf32, #tpu.memory_space<vmem>>) target(%dma_start3A_42 : memref<10000x16xf32, #tpu.memory_space<vmem_shared>>) offsets(%arg10 : memref<80xi32, #tpu.memory_space<vmem>>) semaphore(%run_scoped3A : memref<!tpu.dma_semaphore, #tpu.memory_space<semaphore_mem>>) {add = true}
      %dma_wait3A_43 = arith.constant 0 : i32
      %dma_wait3A_44 = arith.constant 0 : i32
      %dma_wait3A_45 = tpu.memref_slice %arg18[%dma_wait3A_43, %dma_wait3A_44] : memref<10000x16xf32, #tpu.memory_space<vmem_shared>> -> memref<10000x16xf32, #tpu.memory_space<vmem_shared>>
      tpu.wait_indirect_dma semaphore(%run_scoped3A : memref<!tpu.dma_semaphore, #tpu.memory_space<semaphore_mem>>) src(%arg16 : memref<80x16xf32, #tpu.memory_space<vmem>>) dst(%dma_wait3A_45 : memref<10000x16xf32, #tpu.memory_space<vmem_shared>>)
      tpu.yield
    }) : () -> ()
    %barrier3A_30 = arith.constant 0 : index
    tpu.barrier barrier_id(%barrier3A_30)
    %mul3A_31 = arith.constant 625 : i32
    %mul3A_32 = arith.muli %arg1, %mul3A_31 : i32
    "tpu.region"() ({
      %run_scoped3A = tpu.sem_alloc : memref<!tpu.dma_semaphore, #tpu.memory_space<semaphore_mem>>
      %dma_start3A_40 = arith.constant 0 : i32
      %dma_start3A_41 = tpu.memref_slice %arg18[%mul3A_32, %dma_start3A_40] : memref<10000x16xf32, #tpu.memory_space<vmem_shared>> -> memref<625x16xf32, #tpu.memory_space<vmem_shared>>
      %dma_start3A_42 = arith.constant 0 : i32
      %dma_start3A_43 = tpu.memref_slice %arg18[%mul3A_32, %dma_start3A_42] : memref<10000x16xf32, #tpu.memory_space<vmem_shared>> -> memref<625x16xf32, #tpu.memory_space<vmem_shared>>
      tpu.enqueue_dma source(%dma_start3A_43 : memref<625x16xf32, #tpu.memory_space<vmem_shared>>) target(%arg17 : memref<625x16xf32, #tpu.memory_space<vmem>>) target_semaphore(%run_scoped3A : memref<!tpu.dma_semaphore, #tpu.memory_space<semaphore_mem>>)
      %dma_wait3A_44 = arith.constant 0 : i32
      %dma_wait3A_45 = tpu.memref_slice %arg18[%mul3A_32, %dma_wait3A_44] : memref<10000x16xf32, #tpu.memory_space<vmem_shared>> -> memref<625x16xf32, #tpu.memory_space<vmem_shared>>
      %dma_wait3A_46 = arith.constant 0 : i32
      %dma_wait3A_47 = tpu.memref_slice %arg18[%mul3A_32, %dma_wait3A_46] : memref<10000x16xf32, #tpu.memory_space<vmem_shared>> -> memref<625x16xf32, #tpu.memory_space<vmem_shared>>
      tpu.wait_dma2 semaphore(%run_scoped3A : memref<!tpu.dma_semaphore, #tpu.memory_space<semaphore_mem>>) src(%dma_wait3A_47 : memref<625x16xf32, #tpu.memory_space<vmem_shared>>) dst(%arg17 : memref<625x16xf32, #tpu.memory_space<vmem>>)
      tpu.yield
    }) : () -> ()
    %eq3A = arith.constant 0 : i32
    %eq3A_33 = arith.cmpi eq, %arg0, %eq3A : i32
    %convert_element_type3A = arith.extui %eq3A_33 : i1 to i32
    %cond3A = arith.constant 0 : i32
    %cond3A_34 = arith.cmpi ne, %convert_element_type3A, %cond3A : i32
    scf.if %cond3A_34 {
      %mul3A_40 = arith.constant 625 : i32
      %mul3A_41 = arith.muli %arg1, %mul3A_40 : i32
      "tpu.region"() ({
        %run_scoped3A = tpu.sem_alloc : memref<!tpu.dma_semaphore, #tpu.memory_space<semaphore_mem>>
        %dma_start3A_42 = arith.constant 0 : i32
        %dma_start3A_43 = tpu.memref_slice %arg6[%mul3A_41, %dma_start3A_42] : memref<10000x16xf32, #tpu.memory_space<hbm>> -> memref<625x16xf32, #tpu.memory_space<hbm>>
        %dma_start3A_44 = arith.constant 0 : i32
        %dma_start3A_45 = tpu.memref_slice %arg6[%mul3A_41, %dma_start3A_44] : memref<10000x16xf32, #tpu.memory_space<hbm>> -> memref<625x16xf32, #tpu.memory_space<hbm>>
        tpu.enqueue_dma source(%arg17 : memref<625x16xf32, #tpu.memory_space<vmem>>) target(%dma_start3A_45 : memref<625x16xf32, #tpu.memory_space<hbm>>) target_semaphore(%run_scoped3A : memref<!tpu.dma_semaphore, #tpu.memory_space<semaphore_mem>>)
        %dma_wait3A_46 = arith.constant 0 : i32
        %dma_wait3A_47 = tpu.memref_slice %arg6[%mul3A_41, %dma_wait3A_46] : memref<10000x16xf32, #tpu.memory_space<hbm>> -> memref<625x16xf32, #tpu.memory_space<hbm>>
        %dma_wait3A_48 = arith.constant 0 : i32
        %dma_wait3A_49 = tpu.memref_slice %arg6[%mul3A_41, %dma_wait3A_48] : memref<10000x16xf32, #tpu.memory_space<hbm>> -> memref<625x16xf32, #tpu.memory_space<hbm>>
        tpu.wait_dma2 semaphore(%run_scoped3A : memref<!tpu.dma_semaphore, #tpu.memory_space<semaphore_mem>>) src(%arg17 : memref<625x16xf32, #tpu.memory_space<vmem>>) dst(%dma_wait3A_49 : memref<625x16xf32, #tpu.memory_space<hbm>>)
        tpu.yield
      }) : () -> ()
    } else {
    }
    %eq3A_35 = arith.constant 1 : i32
    %eq3A_36 = arith.cmpi eq, %arg0, %eq3A_35 : i32
    %convert_element_type3A_37 = arith.extui %eq3A_36 : i1 to i32
    %cond3A_38 = arith.constant 0 : i32
    %cond3A_39 = arith.cmpi ne, %convert_element_type3A_37, %cond3A_38 : i32
    scf.if %cond3A_39 {
      %mul3A_40 = arith.constant 625 : i32
      %mul3A_41 = arith.muli %arg1, %mul3A_40 : i32
      "tpu.region"() ({
        %run_scoped3A = tpu.sem_alloc : memref<!tpu.dma_semaphore, #tpu.memory_space<semaphore_mem>>
        %dma_start3A_42 = arith.constant 0 : i32
        %dma_start3A_43 = tpu.memref_slice %arg7[%mul3A_41, %dma_start3A_42] : memref<10000x16xf32, #tpu.memory_space<hbm>> -> memref<625x16xf32, #tpu.memory_space<hbm>>
        %dma_start3A_44 = arith.constant 0 : i32
        %dma_start3A_45 = tpu.memref_slice %arg7[%mul3A_41, %dma_start3A_44] : memref<10000x16xf32, #tpu.memory_space<hbm>> -> memref<625x16xf32, #tpu.memory_space<hbm>>
        tpu.enqueue_dma source(%arg17 : memref<625x16xf32, #tpu.memory_space<vmem>>) target(%dma_start3A_45 : memref<625x16xf32, #tpu.memory_space<hbm>>) target_semaphore(%run_scoped3A : memref<!tpu.dma_semaphore, #tpu.memory_space<semaphore_mem>>)
        %dma_wait3A_46 = arith.constant 0 : i32
        %dma_wait3A_47 = tpu.memref_slice %arg7[%mul3A_41, %dma_wait3A_46] : memref<10000x16xf32, #tpu.memory_space<hbm>> -> memref<625x16xf32, #tpu.memory_space<hbm>>
        %dma_wait3A_48 = arith.constant 0 : i32
        %dma_wait3A_49 = tpu.memref_slice %arg7[%mul3A_41, %dma_wait3A_48] : memref<10000x16xf32, #tpu.memory_space<hbm>> -> memref<625x16xf32, #tpu.memory_space<hbm>>
        tpu.wait_dma2 semaphore(%run_scoped3A : memref<!tpu.dma_semaphore, #tpu.memory_space<semaphore_mem>>) src(%arg17 : memref<625x16xf32, #tpu.memory_space<vmem>>) dst(%dma_wait3A_49 : memref<625x16xf32, #tpu.memory_space<hbm>>)
        tpu.yield
      }) : () -> ()
    } else {
    }
    return
  }
}

#map = affine_map<(d0, d1) -> (0)>
#map1 = affine_map<(d0, d1) -> (0, 0)>
module attributes {stable_mosaic.version = 14 : i64} {
  func.func @sc_edge(%arg0: i32, %arg1: i32, %arg2: memref<320000xi32, #tpu.memory_space<hbm>>, %arg3: memref<320000xi32, #tpu.memory_space<hbm>>, %arg4: memref<10000x144xf32, #tpu.memory_space<hbm>>, %arg5: memref<10000x16xf32, #tpu.memory_space<hbm>>, %arg6: memref<10000x128xf32, #tpu.memory_space<hbm>>, %arg7: memref<10000x128xf32, #tpu.memory_space<hbm>>, %arg8: memref<40xi32, #tpu.memory_space<vmem>>, %arg9: memref<40xi32, #tpu.memory_space<vmem>>, %arg10: memref<40xi32, #tpu.memory_space<vmem>>, %arg11: memref<40xi32, #tpu.memory_space<vmem>>, %arg12: memref<40x144xf32, #tpu.memory_space<vmem>>, %arg13: memref<40x144xf32, #tpu.memory_space<vmem>>, %arg14: memref<40x16xf32, #tpu.memory_space<vmem>>, %arg15: memref<40x16xf32, #tpu.memory_space<vmem>>, %arg16: memref<40x128xf32, #tpu.memory_space<vmem>>, %arg17: memref<125x128xf32, #tpu.memory_space<vmem>>, %arg18: memref<10000x128xf32, #tpu.memory_space<vmem_shared>>, %arg19: memref<!tpu.dma_semaphore, #tpu.memory_space<semaphore_mem>>, %arg20: memref<!tpu.dma_semaphore, #tpu.memory_space<semaphore_mem>>, %arg21: memref<!tpu.dma_semaphore, #tpu.memory_space<semaphore_mem>>, %arg22: memref<!tpu.dma_semaphore, #tpu.memory_space<semaphore_mem>>) attributes {dimension_semantics = [#tpu.dimension_semantics<core_parallel>, #tpu.dimension_semantics<subcore_parallel>], iteration_bounds = array<i64: 2, 16>, scalar_prefetch = 0 : i64, scratch_operands = 15 : i64, tpu.core_type = #tpu.core_type<sc_vector_subcore>, window_params = [{transform_indices = #map}, {transform_indices = #map}, {transform_indices = #map1}, {transform_indices = #map1}, {transform_indices = #map1}, {transform_indices = #map1}]} {
    %mul3A = arith.constant 16 : i32
    %mul3A_0 = arith.muli %arg0, %mul3A : i32
    %add3A = arith.addi %mul3A_0, %arg1 : i32
    %broadcast_in_dim3A = arith.constant 0.000000e+00 : f32
    %broadcast_in_dim3A_1 = vector.broadcast %broadcast_in_dim3A : f32 to vector<16xf32>
    %scan3A = arith.constant 0 : i32
    %scan3A_2 = arith.constant 125 : i32
    %scan3A_3 = arith.addi %scan3A, %scan3A_2 : i32
    %scan3A_4 = arith.constant 1 : i32
    scf.for %scan3A_37 = %scan3A to %scan3A_3 step %scan3A_4  : i32 {
      %swap3A = arith.index_cast %scan3A_37 : i32 to index
      %swap3A_38 = arith.constant 0 : index
      %swap3A_39 = tpu.vector_load %arg17[%swap3A, %swap3A_38] {strides = array<i32>} : memref<125x128xf32, #tpu.memory_space<vmem>>, vector<1x16xf32>,
      %swap3A_40 = vector.shape_cast %swap3A_39 : vector<1x16xf32> to vector<16xf32>
      %swap3A_41 = vector.shape_cast %broadcast_in_dim3A_1 : vector<16xf32> to vector<1x16xf32>
      tpu.vector_store %arg17[%swap3A, %swap3A_38], %swap3A_41 {strides = array<i32>} : memref<125x128xf32, #tpu.memory_space<vmem>>, vector<1x16xf32>,
      %swap3A_42 = arith.index_cast %scan3A_37 : i32 to index
      %swap3A_43 = arith.constant 16 : index
      %swap3A_44 = tpu.vector_load %arg17[%swap3A_42, %swap3A_43] {strides = array<i32>} : memref<125x128xf32, #tpu.memory_space<vmem>>, vector<1x16xf32>,
      %swap3A_45 = vector.shape_cast %swap3A_44 : vector<1x16xf32> to vector<16xf32>
      %swap3A_46 = vector.shape_cast %broadcast_in_dim3A_1 : vector<16xf32> to vector<1x16xf32>
      tpu.vector_store %arg17[%swap3A_42, %swap3A_43], %swap3A_46 {strides = array<i32>} : memref<125x128xf32, #tpu.memory_space<vmem>>, vector<1x16xf32>,
      %swap3A_47 = arith.index_cast %scan3A_37 : i32 to index
      %swap3A_48 = arith.constant 32 : index
      %swap3A_49 = tpu.vector_load %arg17[%swap3A_47, %swap3A_48] {strides = array<i32>} : memref<125x128xf32, #tpu.memory_space<vmem>>, vector<1x16xf32>,
      %swap3A_50 = vector.shape_cast %swap3A_49 : vector<1x16xf32> to vector<16xf32>
      %swap3A_51 = vector.shape_cast %broadcast_in_dim3A_1 : vector<16xf32> to vector<1x16xf32>
      tpu.vector_store %arg17[%swap3A_47, %swap3A_48], %swap3A_51 {strides = array<i32>} : memref<125x128xf32, #tpu.memory_space<vmem>>, vector<1x16xf32>,
      %swap3A_52 = arith.index_cast %scan3A_37 : i32 to index
      %swap3A_53 = arith.constant 48 : index
      %swap3A_54 = tpu.vector_load %arg17[%swap3A_52, %swap3A_53] {strides = array<i32>} : memref<125x128xf32, #tpu.memory_space<vmem>>, vector<1x16xf32>,
      %swap3A_55 = vector.shape_cast %swap3A_54 : vector<1x16xf32> to vector<16xf32>
      %swap3A_56 = vector.shape_cast %broadcast_in_dim3A_1 : vector<16xf32> to vector<1x16xf32>
      tpu.vector_store %arg17[%swap3A_52, %swap3A_53], %swap3A_56 {strides = array<i32>} : memref<125x128xf32, #tpu.memory_space<vmem>>, vector<1x16xf32>,
      %swap3A_57 = arith.index_cast %scan3A_37 : i32 to index
      %swap3A_58 = arith.constant 64 : index
      %swap3A_59 = tpu.vector_load %arg17[%swap3A_57, %swap3A_58] {strides = array<i32>} : memref<125x128xf32, #tpu.memory_space<vmem>>, vector<1x16xf32>,
      %swap3A_60 = vector.shape_cast %swap3A_59 : vector<1x16xf32> to vector<16xf32>
      %swap3A_61 = vector.shape_cast %broadcast_in_dim3A_1 : vector<16xf32> to vector<1x16xf32>
      tpu.vector_store %arg17[%swap3A_57, %swap3A_58], %swap3A_61 {strides = array<i32>} : memref<125x128xf32, #tpu.memory_space<vmem>>, vector<1x16xf32>,
      %swap3A_62 = arith.index_cast %scan3A_37 : i32 to index
      %swap3A_63 = arith.constant 80 : index
      %swap3A_64 = tpu.vector_load %arg17[%swap3A_62, %swap3A_63] {strides = array<i32>} : memref<125x128xf32, #tpu.memory_space<vmem>>, vector<1x16xf32>,
      %swap3A_65 = vector.shape_cast %swap3A_64 : vector<1x16xf32> to vector<16xf32>
      %swap3A_66 = vector.shape_cast %broadcast_in_dim3A_1 : vector<16xf32> to vector<1x16xf32>
      tpu.vector_store %arg17[%swap3A_62, %swap3A_63], %swap3A_66 {strides = array<i32>} : memref<125x128xf32, #tpu.memory_space<vmem>>, vector<1x16xf32>,
      %swap3A_67 = arith.index_cast %scan3A_37 : i32 to index
      %swap3A_68 = arith.constant 96 : index
      %swap3A_69 = tpu.vector_load %arg17[%swap3A_67, %swap3A_68] {strides = array<i32>} : memref<125x128xf32, #tpu.memory_space<vmem>>, vector<1x16xf32>,
      %swap3A_70 = vector.shape_cast %swap3A_69 : vector<1x16xf32> to vector<16xf32>
      %swap3A_71 = vector.shape_cast %broadcast_in_dim3A_1 : vector<16xf32> to vector<1x16xf32>
      tpu.vector_store %arg17[%swap3A_67, %swap3A_68], %swap3A_71 {strides = array<i32>} : memref<125x128xf32, #tpu.memory_space<vmem>>, vector<1x16xf32>,
      %swap3A_72 = arith.index_cast %scan3A_37 : i32 to index
      %swap3A_73 = arith.constant 112 : index
      %swap3A_74 = tpu.vector_load %arg17[%swap3A_72, %swap3A_73] {strides = array<i32>} : memref<125x128xf32, #tpu.memory_space<vmem>>, vector<1x16xf32>,
      %swap3A_75 = vector.shape_cast %swap3A_74 : vector<1x16xf32> to vector<16xf32>
      %swap3A_76 = vector.shape_cast %broadcast_in_dim3A_1 : vector<16xf32> to vector<1x16xf32>
      tpu.vector_store %arg17[%swap3A_72, %swap3A_73], %swap3A_76 {strides = array<i32>} : memref<125x128xf32, #tpu.memory_space<vmem>>, vector<1x16xf32>,
    }
    %scan3A_5 = arith.constant 125 : i32
    %scan3A_6 = arith.constant 0 : i32
    %scan3A_7 = arith.constant 5 : i32
    %scan3A_8 = arith.addi %scan3A_6, %scan3A_7 : i32
    %scan3A_9 = arith.constant 1 : i32
    scf.for %scan3A_37 = %scan3A_6 to %scan3A_8 step %scan3A_9  : i32 {
      %mul3A_38 = arith.constant 625 : i32
      %mul3A_39 = arith.muli %arg1, %mul3A_38 : i32
      %mul3A_40 = arith.constant 125 : i32
      %mul3A_41 = arith.muli %scan3A_37, %mul3A_40 : i32
      %add3A_42 = arith.addi %mul3A_39, %mul3A_41 : i32
      "tpu.region"() ({
        %run_scoped3A = tpu.sem_alloc : memref<!tpu.dma_semaphore, #tpu.memory_space<semaphore_mem>>
        %dma_start3A_43 = arith.constant 0 : i32
        %dma_start3A_44 = tpu.memref_slice %arg18[%add3A_42, %dma_start3A_43] : memref<10000x128xf32, #tpu.memory_space<vmem_shared>> -> memref<125x128xf32, #tpu.memory_space<vmem_shared>>
        %dma_start3A_45 = arith.constant 0 : i32
        %dma_start3A_46 = tpu.memref_slice %arg18[%add3A_42, %dma_start3A_45] : memref<10000x128xf32, #tpu.memory_space<vmem_shared>> -> memref<125x128xf32, #tpu.memory_space<vmem_shared>>
        tpu.enqueue_dma source(%arg17 : memref<125x128xf32, #tpu.memory_space<vmem>>) target(%dma_start3A_46 : memref<125x128xf32, #tpu.memory_space<vmem_shared>>) target_semaphore(%run_scoped3A : memref<!tpu.dma_semaphore, #tpu.memory_space<semaphore_mem>>)
        %dma_wait3A_47 = arith.constant 0 : i32
        %dma_wait3A_48 = tpu.memref_slice %arg18[%add3A_42, %dma_wait3A_47] : memref<10000x128xf32, #tpu.memory_space<vmem_shared>> -> memref<125x128xf32, #tpu.memory_space<vmem_shared>>
        %dma_wait3A_49 = arith.constant 0 : i32
        %dma_wait3A_50 = tpu.memref_slice %arg18[%add3A_42, %dma_wait3A_49] : memref<10000x128xf32, #tpu.memory_space<vmem_shared>> -> memref<125x128xf32, #tpu.memory_space<vmem_shared>>
        tpu.wait_dma2 semaphore(%run_scoped3A : memref<!tpu.dma_semaphore, #tpu.memory_space<semaphore_mem>>) src(%arg17 : memref<125x128xf32, #tpu.memory_space<vmem>>) dst(%dma_wait3A_50 : memref<125x128xf32, #tpu.memory_space<vmem_shared>>)
        tpu.yield
      }) : () -> ()
    }
    %scan3A_10 = arith.constant 5 : i32
    %barrier3A = arith.constant 0 : index
    tpu.barrier barrier_id(%barrier3A)
    %mul3A_11 = arith.constant 10000 : i32
    %mul3A_12 = arith.muli %add3A, %mul3A_11 : i32
    %add3A_13 = arith.constant 0 : i32
    %add3A_14 = arith.addi %mul3A_12, %add3A_13 : i32
    %min3A = arith.constant 319960 : i32
    %min3A_15 = arith.minsi %add3A_14, %min3A : i32
    "tpu.region"() ({
      %run_scoped3A = tpu.sem_alloc : memref<!tpu.dma_semaphore, #tpu.memory_space<semaphore_mem>>
      %dma_start3A_37 = tpu.memref_slice %arg2[%min3A_15] : memref<320000xi32, #tpu.memory_space<hbm>> -> memref<40xi32, #tpu.memory_space<hbm>>
      %dma_start3A_38 = tpu.memref_slice %arg2[%min3A_15] : memref<320000xi32, #tpu.memory_space<hbm>> -> memref<40xi32, #tpu.memory_space<hbm>>
      tpu.enqueue_dma source(%dma_start3A_38 : memref<40xi32, #tpu.memory_space<hbm>>) target(%arg8 : memref<40xi32, #tpu.memory_space<vmem>>) target_semaphore(%run_scoped3A : memref<!tpu.dma_semaphore, #tpu.memory_space<semaphore_mem>>)
      %dma_wait3A_39 = tpu.memref_slice %arg2[%min3A_15] : memref<320000xi32, #tpu.memory_space<hbm>> -> memref<40xi32, #tpu.memory_space<hbm>>
      %dma_wait3A_40 = tpu.memref_slice %arg2[%min3A_15] : memref<320000xi32, #tpu.memory_space<hbm>> -> memref<40xi32, #tpu.memory_space<hbm>>
      tpu.wait_dma2 semaphore(%run_scoped3A : memref<!tpu.dma_semaphore, #tpu.memory_space<semaphore_mem>>) src(%dma_wait3A_40 : memref<40xi32, #tpu.memory_space<hbm>>) dst(%arg8 : memref<40xi32, #tpu.memory_space<vmem>>)
      tpu.yield
    }) : () -> ()
    "tpu.region"() ({
      %run_scoped3A = tpu.sem_alloc : memref<!tpu.dma_semaphore, #tpu.memory_space<semaphore_mem>>
      %dma_start3A_37 = tpu.memref_slice %arg3[%min3A_15] : memref<320000xi32, #tpu.memory_space<hbm>> -> memref<40xi32, #tpu.memory_space<hbm>>
      %dma_start3A_38 = tpu.memref_slice %arg3[%min3A_15] : memref<320000xi32, #tpu.memory_space<hbm>> -> memref<40xi32, #tpu.memory_space<hbm>>
      tpu.enqueue_dma source(%dma_start3A_38 : memref<40xi32, #tpu.memory_space<hbm>>) target(%arg10 : memref<40xi32, #tpu.memory_space<vmem>>) target_semaphore(%run_scoped3A : memref<!tpu.dma_semaphore, #tpu.memory_space<semaphore_mem>>)
      %dma_wait3A_39 = tpu.memref_slice %arg3[%min3A_15] : memref<320000xi32, #tpu.memory_space<hbm>> -> memref<40xi32, #tpu.memory_space<hbm>>
      %dma_wait3A_40 = tpu.memref_slice %arg3[%min3A_15] : memref<320000xi32, #tpu.memory_space<hbm>> -> memref<40xi32, #tpu.memory_space<hbm>>
      tpu.wait_dma2 semaphore(%run_scoped3A : memref<!tpu.dma_semaphore, #tpu.memory_space<semaphore_mem>>) src(%dma_wait3A_40 : memref<40xi32, #tpu.memory_space<hbm>>) dst(%arg10 : memref<40xi32, #tpu.memory_space<vmem>>)
      tpu.yield
    }) : () -> ()
    %dma_start3A = arith.constant 0 : i32
    %dma_start3A_16 = arith.constant 0 : i32
    %dma_start3A_17 = tpu.memref_slice %arg4[%dma_start3A, %dma_start3A_16] : memref<10000x144xf32, #tpu.memory_space<hbm>> -> memref<10000x144xf32, #tpu.memory_space<hbm>>
    tpu.enqueue_indirect_dma source(%dma_start3A_17 : memref<10000x144xf32, #tpu.memory_space<hbm>>) target(%arg12 : memref<40x144xf32, #tpu.memory_space<vmem>>) offsets(%arg8 : memref<40xi32, #tpu.memory_space<vmem>>) semaphore(%arg19 : memref<!tpu.dma_semaphore, #tpu.memory_space<semaphore_mem>>)
    %dma_start3A_18 = arith.constant 0 : i32
    %dma_start3A_19 = arith.constant 0 : i32
    %dma_start3A_20 = tpu.memref_slice %arg5[%dma_start3A_18, %dma_start3A_19] : memref<10000x16xf32, #tpu.memory_space<hbm>> -> memref<10000x16xf32, #tpu.memory_space<hbm>>
    tpu.enqueue_indirect_dma source(%dma_start3A_20 : memref<10000x16xf32, #tpu.memory_space<hbm>>) target(%arg14 : memref<40x16xf32, #tpu.memory_space<vmem>>) offsets(%arg10 : memref<40xi32, #tpu.memory_space<vmem>>) semaphore(%arg21 : memref<!tpu.dma_semaphore, #tpu.memory_space<semaphore_mem>>)
    %scan3A_21 = arith.constant 0 : i32
    %scan3A_22 = arith.constant 125 : i32
    %scan3A_23 = arith.addi %scan3A_21, %scan3A_22 : i32
    %scan3A_24 = arith.constant 1 : i32
    scf.for %scan3A_37 = %scan3A_21 to %scan3A_23 step %scan3A_24  : i32 {
      %mul3A_38 = arith.constant 2 : i32
      %mul3A_39 = arith.muli %mul3A_38, %scan3A_37 : i32
      %add3A_40 = arith.constant 1 : i32
      %add3A_41 = arith.addi %mul3A_39, %add3A_40 : i32
      %mul3A_42 = arith.constant 10000 : i32
      %mul3A_43 = arith.muli %add3A, %mul3A_42 : i32
      %mul3A_44 = arith.constant 40 : i32
      %mul3A_45 = arith.muli %add3A_41, %mul3A_44 : i32
      %add3A_46 = arith.addi %mul3A_43, %mul3A_45 : i32
      %min3A_47 = arith.constant 319960 : i32
      %min3A_48 = arith.minsi %add3A_46, %min3A_47 : i32
      "tpu.region"() ({
        %run_scoped3A = tpu.sem_alloc : memref<!tpu.dma_semaphore, #tpu.memory_space<semaphore_mem>>
        %dma_start3A_87 = tpu.memref_slice %arg2[%min3A_48] : memref<320000xi32, #tpu.memory_space<hbm>> -> memref<40xi32, #tpu.memory_space<hbm>>
        %dma_start3A_88 = tpu.memref_slice %arg2[%min3A_48] : memref<320000xi32, #tpu.memory_space<hbm>> -> memref<40xi32, #tpu.memory_space<hbm>>
        tpu.enqueue_dma source(%dma_start3A_88 : memref<40xi32, #tpu.memory_space<hbm>>) target(%arg9 : memref<40xi32, #tpu.memory_space<vmem>>) target_semaphore(%run_scoped3A : memref<!tpu.dma_semaphore, #tpu.memory_space<semaphore_mem>>)
        %dma_wait3A_89 = tpu.memref_slice %arg2[%min3A_48] : memref<320000xi32, #tpu.memory_space<hbm>> -> memref<40xi32, #tpu.memory_space<hbm>>
        %dma_wait3A_90 = tpu.memref_slice %arg2[%min3A_48] : memref<320000xi32, #tpu.memory_space<hbm>> -> memref<40xi32, #tpu.memory_space<hbm>>
        tpu.wait_dma2 semaphore(%run_scoped3A : memref<!tpu.dma_semaphore, #tpu.memory_space<semaphore_mem>>) src(%dma_wait3A_90 : memref<40xi32, #tpu.memory_space<hbm>>) dst(%arg9 : memref<40xi32, #tpu.memory_space<vmem>>)
        tpu.yield
      }) : () -> ()
      "tpu.region"() ({
        %run_scoped3A = tpu.sem_alloc : memref<!tpu.dma_semaphore, #tpu.memory_space<semaphore_mem>>
        %dma_start3A_87 = tpu.memref_slice %arg3[%min3A_48] : memref<320000xi32, #tpu.memory_space<hbm>> -> memref<40xi32, #tpu.memory_space<hbm>>
        %dma_start3A_88 = tpu.memref_slice %arg3[%min3A_48] : memref<320000xi32, #tpu.memory_space<hbm>> -> memref<40xi32, #tpu.memory_space<hbm>>
        tpu.enqueue_dma source(%dma_start3A_88 : memref<40xi32, #tpu.memory_space<hbm>>) target(%arg11 : memref<40xi32, #tpu.memory_space<vmem>>) target_semaphore(%run_scoped3A : memref<!tpu.dma_semaphore, #tpu.memory_space<semaphore_mem>>)
        %dma_wait3A_89 = tpu.memref_slice %arg3[%min3A_48] : memref<320000xi32, #tpu.memory_space<hbm>> -> memref<40xi32, #tpu.memory_space<hbm>>
        %dma_wait3A_90 = tpu.memref_slice %arg3[%min3A_48] : memref<320000xi32, #tpu.memory_space<hbm>> -> memref<40xi32, #tpu.memory_space<hbm>>
        tpu.wait_dma2 semaphore(%run_scoped3A : memref<!tpu.dma_semaphore, #tpu.memory_space<semaphore_mem>>) src(%dma_wait3A_90 : memref<40xi32, #tpu.memory_space<hbm>>) dst(%arg11 : memref<40xi32, #tpu.memory_space<vmem>>)
        tpu.yield
      }) : () -> ()
      %dma_start3A_49 = arith.constant 0 : i32
      %dma_start3A_50 = arith.constant 0 : i32
      %dma_start3A_51 = tpu.memref_slice %arg4[%dma_start3A_49, %dma_start3A_50] : memref<10000x144xf32, #tpu.memory_space<hbm>> -> memref<10000x144xf32, #tpu.memory_space<hbm>>
      tpu.enqueue_indirect_dma source(%dma_start3A_51 : memref<10000x144xf32, #tpu.memory_space<hbm>>) target(%arg13 : memref<40x144xf32, #tpu.memory_space<vmem>>) offsets(%arg9 : memref<40xi32, #tpu.memory_space<vmem>>) semaphore(%arg20 : memref<!tpu.dma_semaphore, #tpu.memory_space<semaphore_mem>>)
      %dma_start3A_52 = arith.constant 0 : i32
      %dma_start3A_53 = arith.constant 0 : i32
      %dma_start3A_54 = tpu.memref_slice %arg5[%dma_start3A_52, %dma_start3A_53] : memref<10000x16xf32, #tpu.memory_space<hbm>> -> memref<10000x16xf32, #tpu.memory_space<hbm>>
      tpu.enqueue_indirect_dma source(%dma_start3A_54 : memref<10000x16xf32, #tpu.memory_space<hbm>>) target(%arg15 : memref<40x16xf32, #tpu.memory_space<vmem>>) offsets(%arg11 : memref<40xi32, #tpu.memory_space<vmem>>) semaphore(%arg22 : memref<!tpu.dma_semaphore, #tpu.memory_space<semaphore_mem>>)
      %dma_wait3A_55 = arith.constant 0 : i32
      %dma_wait3A_56 = arith.constant 0 : i32
      %dma_wait3A_57 = tpu.memref_slice %arg4[%dma_wait3A_55, %dma_wait3A_56] : memref<10000x144xf32, #tpu.memory_space<hbm>> -> memref<10000x144xf32, #tpu.memory_space<hbm>>
      tpu.wait_indirect_dma semaphore(%arg19 : memref<!tpu.dma_semaphore, #tpu.memory_space<semaphore_mem>>) src(%dma_wait3A_57 : memref<10000x144xf32, #tpu.memory_space<hbm>>) dst(%arg12 : memref<40x144xf32, #tpu.memory_space<vmem>>)
      %dma_wait3A_58 = arith.constant 0 : i32
      %dma_wait3A_59 = arith.constant 0 : i32
      %dma_wait3A_60 = tpu.memref_slice %arg5[%dma_wait3A_58, %dma_wait3A_59] : memref<10000x16xf32, #tpu.memory_space<hbm>> -> memref<10000x16xf32, #tpu.memory_space<hbm>>
      tpu.wait_indirect_dma semaphore(%arg21 : memref<!tpu.dma_semaphore, #tpu.memory_space<semaphore_mem>>) src(%dma_wait3A_60 : memref<10000x16xf32, #tpu.memory_space<hbm>>) dst(%arg14 : memref<40x16xf32, #tpu.memory_space<vmem>>)
      %parallel_loop3A = arith.constant 0 : i32
      %parallel_loop3A_61 = arith.constant 40 : i32
      %parallel_loop3A_62 = arith.constant 1 : i32
      scf.for %parallel_loop3A_87 = %parallel_loop3A to %parallel_loop3A_61 step %parallel_loop3A_62  : i32 {
        %parallel_loop3A_88 = arith.index_cast %parallel_loop3A_87 : i32 to index
        %parallel_loop3A_89 = arith.constant 128 : index
        %parallel_loop3A_90 = tpu.vector_load %arg12[%parallel_loop3A_88, %parallel_loop3A_89] {strides = array<i32>} : memref<40x144xf32, #tpu.memory_space<vmem>>, vector<1x16xf32>,
        %parallel_loop3A_91 = vector.shape_cast %parallel_loop3A_90 : vector<1x16xf32> to vector<16xf32>
        %parallel_loop3A_92 = arith.index_cast %parallel_loop3A_87 : i32 to index
        %parallel_loop3A_93 = arith.constant 0 : index
        %parallel_loop3A_94 = tpu.vector_load %arg14[%parallel_loop3A_92, %parallel_loop3A_93] {strides = array<i32>} : memref<40x16xf32, #tpu.memory_space<vmem>>, vector<1x16xf32>,
        %parallel_loop3A_95 = vector.shape_cast %parallel_loop3A_94 : vector<1x16xf32> to vector<16xf32>
        %parallel_loop3A_96 = arith.addf %parallel_loop3A_91, %parallel_loop3A_95 : vector<16xf32>
        %parallel_loop3A_97 = arith.constant 0.000000e+00 : f32
        %parallel_loop3A_98 = vector.broadcast %parallel_loop3A_97 : f32 to vector<16xf32>
        %parallel_loop3A_99 = arith.cmpf ogt, %parallel_loop3A_96, %parallel_loop3A_98 : vector<16xf32>
        %parallel_loop3A_100 = arith.constant 2.000000e-01 : f32
        %parallel_loop3A_101 = vector.broadcast %parallel_loop3A_100 : f32 to vector<16xf32>
        %parallel_loop3A_102 = arith.mulf %parallel_loop3A_96, %parallel_loop3A_101 : vector<16xf32>
        %parallel_loop3A_103 = arith.select %parallel_loop3A_99, %parallel_loop3A_96, %parallel_loop3A_102 : vector<16xi1>, vector<16xf32>
        %parallel_loop3A_104 = math.exp %parallel_loop3A_103 : vector<16xf32>
        %parallel_loop3A_105 = arith.index_cast %parallel_loop3A_87 : i32 to index
        %parallel_loop3A_106 = arith.constant 0 : index
        %parallel_loop3A_107 = tpu.vector_load %arg12[%parallel_loop3A_105, %parallel_loop3A_106] {strides = array<i32>} : memref<40x144xf32, #tpu.memory_space<vmem>>, vector<1x16xf32>,
        %parallel_loop3A_108 = vector.shape_cast %parallel_loop3A_107 : vector<1x16xf32> to vector<16xf32>
        %parallel_loop3A_109 = vector.extract_strided_slice %parallel_loop3A_104 {offsets = [0], sizes = [1], strides = [1]} : vector<16xf32> to vector<1xf32>
        %parallel_loop3A_110 = vector.extract %parallel_loop3A_109[0] : f32 from vector<1xf32>
        %parallel_loop3A_111 = vector.broadcast %parallel_loop3A_110 : f32 to vector<16xf32>
        %parallel_loop3A_112 = arith.mulf %parallel_loop3A_108, %parallel_loop3A_111 : vector<16xf32>
        %parallel_loop3A_113 = arith.index_cast %parallel_loop3A_87 : i32 to index
        %parallel_loop3A_114 = arith.constant 0 : index
        %parallel_loop3A_115 = tpu.vector_load %arg16[%parallel_loop3A_113, %parallel_loop3A_114] {strides = array<i32>} : memref<40x128xf32, #tpu.memory_space<vmem>>, vector<1x16xf32>,
        %parallel_loop3A_116 = vector.shape_cast %parallel_loop3A_115 : vector<1x16xf32> to vector<16xf32>
        %parallel_loop3A_117 = vector.shape_cast %parallel_loop3A_112 : vector<16xf32> to vector<1x16xf32>
        tpu.vector_store %arg16[%parallel_loop3A_113, %parallel_loop3A_114], %parallel_loop3A_117 {strides = array<i32>} : memref<40x128xf32, #tpu.memory_space<vmem>>, vector<1x16xf32>,
        %parallel_loop3A_118 = arith.index_cast %parallel_loop3A_87 : i32 to index
        %parallel_loop3A_119 = arith.constant 16 : index
        %parallel_loop3A_120 = tpu.vector_load %arg12[%parallel_loop3A_118, %parallel_loop3A_119] {strides = array<i32>} : memref<40x144xf32, #tpu.memory_space<vmem>>, vector<1x16xf32>,
        %parallel_loop3A_121 = vector.shape_cast %parallel_loop3A_120 : vector<1x16xf32> to vector<16xf32>
        %parallel_loop3A_122 = vector.extract_strided_slice %parallel_loop3A_104 {offsets = [1], sizes = [1], strides = [1]} : vector<16xf32> to vector<1xf32>
        %parallel_loop3A_123 = vector.extract %parallel_loop3A_122[0] : f32 from vector<1xf32>
        %parallel_loop3A_124 = vector.broadcast %parallel_loop3A_123 : f32 to vector<16xf32>
        %parallel_loop3A_125 = arith.mulf %parallel_loop3A_121, %parallel_loop3A_124 : vector<16xf32>
        %parallel_loop3A_126 = arith.index_cast %parallel_loop3A_87 : i32 to index
        %parallel_loop3A_127 = arith.constant 16 : index
        %parallel_loop3A_128 = tpu.vector_load %arg16[%parallel_loop3A_126, %parallel_loop3A_127] {strides = array<i32>} : memref<40x128xf32, #tpu.memory_space<vmem>>, vector<1x16xf32>,
        %parallel_loop3A_129 = vector.shape_cast %parallel_loop3A_128 : vector<1x16xf32> to vector<16xf32>
        %parallel_loop3A_130 = vector.shape_cast %parallel_loop3A_125 : vector<16xf32> to vector<1x16xf32>
        tpu.vector_store %arg16[%parallel_loop3A_126, %parallel_loop3A_127], %parallel_loop3A_130 {strides = array<i32>} : memref<40x128xf32, #tpu.memory_space<vmem>>, vector<1x16xf32>,
        %parallel_loop3A_131 = arith.index_cast %parallel_loop3A_87 : i32 to index
        %parallel_loop3A_132 = arith.constant 32 : index
        %parallel_loop3A_133 = tpu.vector_load %arg12[%parallel_loop3A_131, %parallel_loop3A_132] {strides = array<i32>} : memref<40x144xf32, #tpu.memory_space<vmem>>, vector<1x16xf32>,
        %parallel_loop3A_134 = vector.shape_cast %parallel_loop3A_133 : vector<1x16xf32> to vector<16xf32>
        %parallel_loop3A_135 = vector.extract_strided_slice %parallel_loop3A_104 {offsets = [2], sizes = [1], strides = [1]} : vector<16xf32> to vector<1xf32>
        %parallel_loop3A_136 = vector.extract %parallel_loop3A_135[0] : f32 from vector<1xf32>
        %parallel_loop3A_137 = vector.broadcast %parallel_loop3A_136 : f32 to vector<16xf32>
        %parallel_loop3A_138 = arith.mulf %parallel_loop3A_134, %parallel_loop3A_137 : vector<16xf32>
        %parallel_loop3A_139 = arith.index_cast %parallel_loop3A_87 : i32 to index
        %parallel_loop3A_140 = arith.constant 32 : index
        %parallel_loop3A_141 = tpu.vector_load %arg16[%parallel_loop3A_139, %parallel_loop3A_140] {strides = array<i32>} : memref<40x128xf32, #tpu.memory_space<vmem>>, vector<1x16xf32>,
        %parallel_loop3A_142 = vector.shape_cast %parallel_loop3A_141 : vector<1x16xf32> to vector<16xf32>
        %parallel_loop3A_143 = vector.shape_cast %parallel_loop3A_138 : vector<16xf32> to vector<1x16xf32>
        tpu.vector_store %arg16[%parallel_loop3A_139, %parallel_loop3A_140], %parallel_loop3A_143 {strides = array<i32>} : memref<40x128xf32, #tpu.memory_space<vmem>>, vector<1x16xf32>,
        %parallel_loop3A_144 = arith.index_cast %parallel_loop3A_87 : i32 to index
        %parallel_loop3A_145 = arith.constant 48 : index
        %parallel_loop3A_146 = tpu.vector_load %arg12[%parallel_loop3A_144, %parallel_loop3A_145] {strides = array<i32>} : memref<40x144xf32, #tpu.memory_space<vmem>>, vector<1x16xf32>,
        %parallel_loop3A_147 = vector.shape_cast %parallel_loop3A_146 : vector<1x16xf32> to vector<16xf32>
        %parallel_loop3A_148 = vector.extract_strided_slice %parallel_loop3A_104 {offsets = [3], sizes = [1], strides = [1]} : vector<16xf32> to vector<1xf32>
        %parallel_loop3A_149 = vector.extract %parallel_loop3A_148[0] : f32 from vector<1xf32>
        %parallel_loop3A_150 = vector.broadcast %parallel_loop3A_149 : f32 to vector<16xf32>
        %parallel_loop3A_151 = arith.mulf %parallel_loop3A_147, %parallel_loop3A_150 : vector<16xf32>
        %parallel_loop3A_152 = arith.index_cast %parallel_loop3A_87 : i32 to index
        %parallel_loop3A_153 = arith.constant 48 : index
        %parallel_loop3A_154 = tpu.vector_load %arg16[%parallel_loop3A_152, %parallel_loop3A_153] {strides = array<i32>} : memref<40x128xf32, #tpu.memory_space<vmem>>, vector<1x16xf32>,
        %parallel_loop3A_155 = vector.shape_cast %parallel_loop3A_154 : vector<1x16xf32> to vector<16xf32>
        %parallel_loop3A_156 = vector.shape_cast %parallel_loop3A_151 : vector<16xf32> to vector<1x16xf32>
        tpu.vector_store %arg16[%parallel_loop3A_152, %parallel_loop3A_153], %parallel_loop3A_156 {strides = array<i32>} : memref<40x128xf32, #tpu.memory_space<vmem>>, vector<1x16xf32>,
        %parallel_loop3A_157 = arith.index_cast %parallel_loop3A_87 : i32 to index
        %parallel_loop3A_158 = arith.constant 64 : index
        %parallel_loop3A_159 = tpu.vector_load %arg12[%parallel_loop3A_157, %parallel_loop3A_158] {strides = array<i32>} : memref<40x144xf32, #tpu.memory_space<vmem>>, vector<1x16xf32>,
        %parallel_loop3A_160 = vector.shape_cast %parallel_loop3A_159 : vector<1x16xf32> to vector<16xf32>
        %parallel_loop3A_161 = vector.extract_strided_slice %parallel_loop3A_104 {offsets = [4], sizes = [1], strides = [1]} : vector<16xf32> to vector<1xf32>
        %parallel_loop3A_162 = vector.extract %parallel_loop3A_161[0] : f32 from vector<1xf32>
        %parallel_loop3A_163 = vector.broadcast %parallel_loop3A_162 : f32 to vector<16xf32>
        %parallel_loop3A_164 = arith.mulf %parallel_loop3A_160, %parallel_loop3A_163 : vector<16xf32>
        %parallel_loop3A_165 = arith.index_cast %parallel_loop3A_87 : i32 to index
        %parallel_loop3A_166 = arith.constant 64 : index
        %parallel_loop3A_167 = tpu.vector_load %arg16[%parallel_loop3A_165, %parallel_loop3A_166] {strides = array<i32>} : memref<40x128xf32, #tpu.memory_space<vmem>>, vector<1x16xf32>,
        %parallel_loop3A_168 = vector.shape_cast %parallel_loop3A_167 : vector<1x16xf32> to vector<16xf32>
        %parallel_loop3A_169 = vector.shape_cast %parallel_loop3A_164 : vector<16xf32> to vector<1x16xf32>
        tpu.vector_store %arg16[%parallel_loop3A_165, %parallel_loop3A_166], %parallel_loop3A_169 {strides = array<i32>} : memref<40x128xf32, #tpu.memory_space<vmem>>, vector<1x16xf32>,
        %parallel_loop3A_170 = arith.index_cast %parallel_loop3A_87 : i32 to index
        %parallel_loop3A_171 = arith.constant 80 : index
        %parallel_loop3A_172 = tpu.vector_load %arg12[%parallel_loop3A_170, %parallel_loop3A_171] {strides = array<i32>} : memref<40x144xf32, #tpu.memory_space<vmem>>, vector<1x16xf32>,
        %parallel_loop3A_173 = vector.shape_cast %parallel_loop3A_172 : vector<1x16xf32> to vector<16xf32>
        %parallel_loop3A_174 = vector.extract_strided_slice %parallel_loop3A_104 {offsets = [5], sizes = [1], strides = [1]} : vector<16xf32> to vector<1xf32>
        %parallel_loop3A_175 = vector.extract %parallel_loop3A_174[0] : f32 from vector<1xf32>
        %parallel_loop3A_176 = vector.broadcast %parallel_loop3A_175 : f32 to vector<16xf32>
        %parallel_loop3A_177 = arith.mulf %parallel_loop3A_173, %parallel_loop3A_176 : vector<16xf32>
        %parallel_loop3A_178 = arith.index_cast %parallel_loop3A_87 : i32 to index
        %parallel_loop3A_179 = arith.constant 80 : index
        %parallel_loop3A_180 = tpu.vector_load %arg16[%parallel_loop3A_178, %parallel_loop3A_179] {strides = array<i32>} : memref<40x128xf32, #tpu.memory_space<vmem>>, vector<1x16xf32>,
        %parallel_loop3A_181 = vector.shape_cast %parallel_loop3A_180 : vector<1x16xf32> to vector<16xf32>
        %parallel_loop3A_182 = vector.shape_cast %parallel_loop3A_177 : vector<16xf32> to vector<1x16xf32>
        tpu.vector_store %arg16[%parallel_loop3A_178, %parallel_loop3A_179], %parallel_loop3A_182 {strides = array<i32>} : memref<40x128xf32, #tpu.memory_space<vmem>>, vector<1x16xf32>,
        %parallel_loop3A_183 = arith.index_cast %parallel_loop3A_87 : i32 to index
        %parallel_loop3A_184 = arith.constant 96 : index
        %parallel_loop3A_185 = tpu.vector_load %arg12[%parallel_loop3A_183, %parallel_loop3A_184] {strides = array<i32>} : memref<40x144xf32, #tpu.memory_space<vmem>>, vector<1x16xf32>,
        %parallel_loop3A_186 = vector.shape_cast %parallel_loop3A_185 : vector<1x16xf32> to vector<16xf32>
        %parallel_loop3A_187 = vector.extract_strided_slice %parallel_loop3A_104 {offsets = [6], sizes = [1], strides = [1]} : vector<16xf32> to vector<1xf32>
        %parallel_loop3A_188 = vector.extract %parallel_loop3A_187[0] : f32 from vector<1xf32>
        %parallel_loop3A_189 = vector.broadcast %parallel_loop3A_188 : f32 to vector<16xf32>
        %parallel_loop3A_190 = arith.mulf %parallel_loop3A_186, %parallel_loop3A_189 : vector<16xf32>
        %parallel_loop3A_191 = arith.index_cast %parallel_loop3A_87 : i32 to index
        %parallel_loop3A_192 = arith.constant 96 : index
        %parallel_loop3A_193 = tpu.vector_load %arg16[%parallel_loop3A_191, %parallel_loop3A_192] {strides = array<i32>} : memref<40x128xf32, #tpu.memory_space<vmem>>, vector<1x16xf32>,
        %parallel_loop3A_194 = vector.shape_cast %parallel_loop3A_193 : vector<1x16xf32> to vector<16xf32>
        %parallel_loop3A_195 = vector.shape_cast %parallel_loop3A_190 : vector<16xf32> to vector<1x16xf32>
        tpu.vector_store %arg16[%parallel_loop3A_191, %parallel_loop3A_192], %parallel_loop3A_195 {strides = array<i32>} : memref<40x128xf32, #tpu.memory_space<vmem>>, vector<1x16xf32>,
        %parallel_loop3A_196 = arith.index_cast %parallel_loop3A_87 : i32 to index
        %parallel_loop3A_197 = arith.constant 112 : index
        %parallel_loop3A_198 = tpu.vector_load %arg12[%parallel_loop3A_196, %parallel_loop3A_197] {strides = array<i32>} : memref<40x144xf32, #tpu.memory_space<vmem>>, vector<1x16xf32>,
        %parallel_loop3A_199 = vector.shape_cast %parallel_loop3A_198 : vector<1x16xf32> to vector<16xf32>
        %parallel_loop3A_200 = vector.extract_strided_slice %parallel_loop3A_104 {offsets = [7], sizes = [1], strides = [1]} : vector<16xf32> to vector<1xf32>
        %parallel_loop3A_201 = vector.extract %parallel_loop3A_200[0] : f32 from vector<1xf32>
        %parallel_loop3A_202 = vector.broadcast %parallel_loop3A_201 : f32 to vector<16xf32>
        %parallel_loop3A_203 = arith.mulf %parallel_loop3A_199, %parallel_loop3A_202 : vector<16xf32>
        %parallel_loop3A_204 = arith.index_cast %parallel_loop3A_87 : i32 to index
        %parallel_loop3A_205 = arith.constant 112 : index
        %parallel_loop3A_206 = tpu.vector_load %arg16[%parallel_loop3A_204, %parallel_loop3A_205] {strides = array<i32>} : memref<40x128xf32, #tpu.memory_space<vmem>>, vector<1x16xf32>,
        %parallel_loop3A_207 = vector.shape_cast %parallel_loop3A_206 : vector<1x16xf32> to vector<16xf32>
        %parallel_loop3A_208 = vector.shape_cast %parallel_loop3A_203 : vector<16xf32> to vector<1x16xf32>
        tpu.vector_store %arg16[%parallel_loop3A_204, %parallel_loop3A_205], %parallel_loop3A_208 {strides = array<i32>} : memref<40x128xf32, #tpu.memory_space<vmem>>, vector<1x16xf32>,
      } {sc.loop_unroll_factor = 4 : i64, sc.parallel_access}
      "tpu.region"() ({
        %run_scoped3A = tpu.sem_alloc : memref<!tpu.dma_semaphore, #tpu.memory_space<semaphore_mem>>
        %dma_start3A_87 = arith.constant 0 : i32
        %dma_start3A_88 = arith.constant 0 : i32
        %dma_start3A_89 = tpu.memref_slice %arg18[%dma_start3A_87, %dma_start3A_88] : memref<10000x128xf32, #tpu.memory_space<vmem_shared>> -> memref<10000x128xf32, #tpu.memory_space<vmem_shared>>
        tpu.enqueue_indirect_dma source(%arg16 : memref<40x128xf32, #tpu.memory_space<vmem>>) target(%dma_start3A_89 : memref<10000x128xf32, #tpu.memory_space<vmem_shared>>) offsets(%arg10 : memref<40xi32, #tpu.memory_space<vmem>>) semaphore(%run_scoped3A : memref<!tpu.dma_semaphore, #tpu.memory_space<semaphore_mem>>) {add = true}
        %dma_wait3A_90 = arith.constant 0 : i32
        %dma_wait3A_91 = arith.constant 0 : i32
        %dma_wait3A_92 = tpu.memref_slice %arg18[%dma_wait3A_90, %dma_wait3A_91] : memref<10000x128xf32, #tpu.memory_space<vmem_shared>> -> memref<10000x128xf32, #tpu.memory_space<vmem_shared>>
        tpu.wait_indirect_dma semaphore(%run_scoped3A : memref<!tpu.dma_semaphore, #tpu.memory_space<semaphore_mem>>) src(%arg16 : memref<40x128xf32, #tpu.memory_space<vmem>>) dst(%dma_wait3A_92 : memref<10000x128xf32, #tpu.memory_space<vmem_shared>>)
        tpu.yield
      }) : () -> ()
      %add3A_63 = arith.constant 2 : i32
      %add3A_64 = arith.addi %mul3A_39, %add3A_63 : i32
      %mul3A_65 = arith.constant 10000 : i32
      %mul3A_66 = arith.muli %add3A, %mul3A_65 : i32
      %mul3A_67 = arith.constant 40 : i32
      %mul3A_68 = arith.muli %add3A_64, %mul3A_67 : i32
      %add3A_69 = arith.addi %mul3A_66, %mul3A_68 : i32
      %min3A_70 = arith.constant 319960 : i32
      %min3A_71 = arith.minsi %add3A_69, %min3A_70 : i32
      "tpu.region"() ({
        %run_scoped3A = tpu.sem_alloc : memref<!tpu.dma_semaphore, #tpu.memory_space<semaphore_mem>>
        %dma_start3A_87 = tpu.memref_slice %arg2[%min3A_71] : memref<320000xi32, #tpu.memory_space<hbm>> -> memref<40xi32, #tpu.memory_space<hbm>>
        %dma_start3A_88 = tpu.memref_slice %arg2[%min3A_71] : memref<320000xi32, #tpu.memory_space<hbm>> -> memref<40xi32, #tpu.memory_space<hbm>>
        tpu.enqueue_dma source(%dma_start3A_88 : memref<40xi32, #tpu.memory_space<hbm>>) target(%arg8 : memref<40xi32, #tpu.memory_space<vmem>>) target_semaphore(%run_scoped3A : memref<!tpu.dma_semaphore, #tpu.memory_space<semaphore_mem>>)
        %dma_wait3A_89 = tpu.memref_slice %arg2[%min3A_71] : memref<320000xi32, #tpu.memory_space<hbm>> -> memref<40xi32, #tpu.memory_space<hbm>>
        %dma_wait3A_90 = tpu.memref_slice %arg2[%min3A_71] : memref<320000xi32, #tpu.memory_space<hbm>> -> memref<40xi32, #tpu.memory_space<hbm>>
        tpu.wait_dma2 semaphore(%run_scoped3A : memref<!tpu.dma_semaphore, #tpu.memory_space<semaphore_mem>>) src(%dma_wait3A_90 : memref<40xi32, #tpu.memory_space<hbm>>) dst(%arg8 : memref<40xi32, #tpu.memory_space<vmem>>)
        tpu.yield
      }) : () -> ()
      "tpu.region"() ({
        %run_scoped3A = tpu.sem_alloc : memref<!tpu.dma_semaphore, #tpu.memory_space<semaphore_mem>>
        %dma_start3A_87 = tpu.memref_slice %arg3[%min3A_71] : memref<320000xi32, #tpu.memory_space<hbm>> -> memref<40xi32, #tpu.memory_space<hbm>>
        %dma_start3A_88 = tpu.memref_slice %arg3[%min3A_71] : memref<320000xi32, #tpu.memory_space<hbm>> -> memref<40xi32, #tpu.memory_space<hbm>>
        tpu.enqueue_dma source(%dma_start3A_88 : memref<40xi32, #tpu.memory_space<hbm>>) target(%arg10 : memref<40xi32, #tpu.memory_space<vmem>>) target_semaphore(%run_scoped3A : memref<!tpu.dma_semaphore, #tpu.memory_space<semaphore_mem>>)
        %dma_wait3A_89 = tpu.memref_slice %arg3[%min3A_71] : memref<320000xi32, #tpu.memory_space<hbm>> -> memref<40xi32, #tpu.memory_space<hbm>>
        %dma_wait3A_90 = tpu.memref_slice %arg3[%min3A_71] : memref<320000xi32, #tpu.memory_space<hbm>> -> memref<40xi32, #tpu.memory_space<hbm>>
        tpu.wait_dma2 semaphore(%run_scoped3A : memref<!tpu.dma_semaphore, #tpu.memory_space<semaphore_mem>>) src(%dma_wait3A_90 : memref<40xi32, #tpu.memory_space<hbm>>) dst(%arg10 : memref<40xi32, #tpu.memory_space<vmem>>)
        tpu.yield
      }) : () -> ()
      %dma_start3A_72 = arith.constant 0 : i32
      %dma_start3A_73 = arith.constant 0 : i32
      %dma_start3A_74 = tpu.memref_slice %arg4[%dma_start3A_72, %dma_start3A_73] : memref<10000x144xf32, #tpu.memory_space<hbm>> -> memref<10000x144xf32, #tpu.memory_space<hbm>>
      tpu.enqueue_indirect_dma source(%dma_start3A_74 : memref<10000x144xf32, #tpu.memory_space<hbm>>) target(%arg12 : memref<40x144xf32, #tpu.memory_space<vmem>>) offsets(%arg8 : memref<40xi32, #tpu.memory_space<vmem>>) semaphore(%arg19 : memref<!tpu.dma_semaphore, #tpu.memory_space<semaphore_mem>>)
      %dma_start3A_75 = arith.constant 0 : i32
      %dma_start3A_76 = arith.constant 0 : i32
      %dma_start3A_77 = tpu.memref_slice %arg5[%dma_start3A_75, %dma_start3A_76] : memref<10000x16xf32, #tpu.memory_space<hbm>> -> memref<10000x16xf32, #tpu.memory_space<hbm>>
      tpu.enqueue_indirect_dma source(%dma_start3A_77 : memref<10000x16xf32, #tpu.memory_space<hbm>>) target(%arg14 : memref<40x16xf32, #tpu.memory_space<vmem>>) offsets(%arg10 : memref<40xi32, #tpu.memory_space<vmem>>) semaphore(%arg21 : memref<!tpu.dma_semaphore, #tpu.memory_space<semaphore_mem>>)
      %dma_wait3A_78 = arith.constant 0 : i32
      %dma_wait3A_79 = arith.constant 0 : i32
      %dma_wait3A_80 = tpu.memref_slice %arg4[%dma_wait3A_78, %dma_wait3A_79] : memref<10000x144xf32, #tpu.memory_space<hbm>> -> memref<10000x144xf32, #tpu.memory_space<hbm>>
      tpu.wait_indirect_dma semaphore(%arg20 : memref<!tpu.dma_semaphore, #tpu.memory_space<semaphore_mem>>) src(%dma_wait3A_80 : memref<10000x144xf32, #tpu.memory_space<hbm>>) dst(%arg13 : memref<40x144xf32, #tpu.memory_space<vmem>>)
      %dma_wait3A_81 = arith.constant 0 : i32
      %dma_wait3A_82 = arith.constant 0 : i32
      %dma_wait3A_83 = tpu.memref_slice %arg5[%dma_wait3A_81, %dma_wait3A_82] : memref<10000x16xf32, #tpu.memory_space<hbm>> -> memref<10000x16xf32, #tpu.memory_space<hbm>>
      tpu.wait_indirect_dma semaphore(%arg22 : memref<!tpu.dma_semaphore, #tpu.memory_space<semaphore_mem>>) src(%dma_wait3A_83 : memref<10000x16xf32, #tpu.memory_space<hbm>>) dst(%arg15 : memref<40x16xf32, #tpu.memory_space<vmem>>)
      %parallel_loop3A_84 = arith.constant 0 : i32
      %parallel_loop3A_85 = arith.constant 40 : i32
      %parallel_loop3A_86 = arith.constant 1 : i32
      scf.for %parallel_loop3A_87 = %parallel_loop3A_84 to %parallel_loop3A_85 step %parallel_loop3A_86  : i32 {
        %parallel_loop3A_88 = arith.index_cast %parallel_loop3A_87 : i32 to index
        %parallel_loop3A_89 = arith.constant 128 : index
        %parallel_loop3A_90 = tpu.vector_load %arg13[%parallel_loop3A_88, %parallel_loop3A_89] {strides = array<i32>} : memref<40x144xf32, #tpu.memory_space<vmem>>, vector<1x16xf32>,
        %parallel_loop3A_91 = vector.shape_cast %parallel_loop3A_90 : vector<1x16xf32> to vector<16xf32>
        %parallel_loop3A_92 = arith.index_cast %parallel_loop3A_87 : i32 to index
        %parallel_loop3A_93 = arith.constant 0 : index
        %parallel_loop3A_94 = tpu.vector_load %arg15[%parallel_loop3A_92, %parallel_loop3A_93] {strides = array<i32>} : memref<40x16xf32, #tpu.memory_space<vmem>>, vector<1x16xf32>,
        %parallel_loop3A_95 = vector.shape_cast %parallel_loop3A_94 : vector<1x16xf32> to vector<16xf32>
        %parallel_loop3A_96 = arith.addf %parallel_loop3A_91, %parallel_loop3A_95 : vector<16xf32>
        %parallel_loop3A_97 = arith.constant 0.000000e+00 : f32
        %parallel_loop3A_98 = vector.broadcast %parallel_loop3A_97 : f32 to vector<16xf32>
        %parallel_loop3A_99 = arith.cmpf ogt, %parallel_loop3A_96, %parallel_loop3A_98 : vector<16xf32>
        %parallel_loop3A_100 = arith.constant 2.000000e-01 : f32
        %parallel_loop3A_101 = vector.broadcast %parallel_loop3A_100 : f32 to vector<16xf32>
        %parallel_loop3A_102 = arith.mulf %parallel_loop3A_96, %parallel_loop3A_101 : vector<16xf32>
        %parallel_loop3A_103 = arith.select %parallel_loop3A_99, %parallel_loop3A_96, %parallel_loop3A_102 : vector<16xi1>, vector<16xf32>
        %parallel_loop3A_104 = math.exp %parallel_loop3A_103 : vector<16xf32>
        %parallel_loop3A_105 = arith.index_cast %parallel_loop3A_87 : i32 to index
        %parallel_loop3A_106 = arith.constant 0 : index
        %parallel_loop3A_107 = tpu.vector_load %arg13[%parallel_loop3A_105, %parallel_loop3A_106] {strides = array<i32>} : memref<40x144xf32, #tpu.memory_space<vmem>>, vector<1x16xf32>,
        %parallel_loop3A_108 = vector.shape_cast %parallel_loop3A_107 : vector<1x16xf32> to vector<16xf32>
        %parallel_loop3A_109 = vector.extract_strided_slice %parallel_loop3A_104 {offsets = [0], sizes = [1], strides = [1]} : vector<16xf32> to vector<1xf32>
        %parallel_loop3A_110 = vector.extract %parallel_loop3A_109[0] : f32 from vector<1xf32>
        %parallel_loop3A_111 = vector.broadcast %parallel_loop3A_110 : f32 to vector<16xf32>
        %parallel_loop3A_112 = arith.mulf %parallel_loop3A_108, %parallel_loop3A_111 : vector<16xf32>
        %parallel_loop3A_113 = arith.index_cast %parallel_loop3A_87 : i32 to index
        %parallel_loop3A_114 = arith.constant 0 : index
        %parallel_loop3A_115 = tpu.vector_load %arg16[%parallel_loop3A_113, %parallel_loop3A_114] {strides = array<i32>} : memref<40x128xf32, #tpu.memory_space<vmem>>, vector<1x16xf32>,
        %parallel_loop3A_116 = vector.shape_cast %parallel_loop3A_115 : vector<1x16xf32> to vector<16xf32>
        %parallel_loop3A_117 = vector.shape_cast %parallel_loop3A_112 : vector<16xf32> to vector<1x16xf32>
        tpu.vector_store %arg16[%parallel_loop3A_113, %parallel_loop3A_114], %parallel_loop3A_117 {strides = array<i32>} : memref<40x128xf32, #tpu.memory_space<vmem>>, vector<1x16xf32>,
        %parallel_loop3A_118 = arith.index_cast %parallel_loop3A_87 : i32 to index
        %parallel_loop3A_119 = arith.constant 16 : index
        %parallel_loop3A_120 = tpu.vector_load %arg13[%parallel_loop3A_118, %parallel_loop3A_119] {strides = array<i32>} : memref<40x144xf32, #tpu.memory_space<vmem>>, vector<1x16xf32>,
        %parallel_loop3A_121 = vector.shape_cast %parallel_loop3A_120 : vector<1x16xf32> to vector<16xf32>
        %parallel_loop3A_122 = vector.extract_strided_slice %parallel_loop3A_104 {offsets = [1], sizes = [1], strides = [1]} : vector<16xf32> to vector<1xf32>
        %parallel_loop3A_123 = vector.extract %parallel_loop3A_122[0] : f32 from vector<1xf32>
        %parallel_loop3A_124 = vector.broadcast %parallel_loop3A_123 : f32 to vector<16xf32>
        %parallel_loop3A_125 = arith.mulf %parallel_loop3A_121, %parallel_loop3A_124 : vector<16xf32>
        %parallel_loop3A_126 = arith.index_cast %parallel_loop3A_87 : i32 to index
        %parallel_loop3A_127 = arith.constant 16 : index
        %parallel_loop3A_128 = tpu.vector_load %arg16[%parallel_loop3A_126, %parallel_loop3A_127] {strides = array<i32>} : memref<40x128xf32, #tpu.memory_space<vmem>>, vector<1x16xf32>,
        %parallel_loop3A_129 = vector.shape_cast %parallel_loop3A_128 : vector<1x16xf32> to vector<16xf32>
        %parallel_loop3A_130 = vector.shape_cast %parallel_loop3A_125 : vector<16xf32> to vector<1x16xf32>
        tpu.vector_store %arg16[%parallel_loop3A_126, %parallel_loop3A_127], %parallel_loop3A_130 {strides = array<i32>} : memref<40x128xf32, #tpu.memory_space<vmem>>, vector<1x16xf32>,
        %parallel_loop3A_131 = arith.index_cast %parallel_loop3A_87 : i32 to index
        %parallel_loop3A_132 = arith.constant 32 : index
        %parallel_loop3A_133 = tpu.vector_load %arg13[%parallel_loop3A_131, %parallel_loop3A_132] {strides = array<i32>} : memref<40x144xf32, #tpu.memory_space<vmem>>, vector<1x16xf32>,
        %parallel_loop3A_134 = vector.shape_cast %parallel_loop3A_133 : vector<1x16xf32> to vector<16xf32>
        %parallel_loop3A_135 = vector.extract_strided_slice %parallel_loop3A_104 {offsets = [2], sizes = [1], strides = [1]} : vector<16xf32> to vector<1xf32>
        %parallel_loop3A_136 = vector.extract %parallel_loop3A_135[0] : f32 from vector<1xf32>
        %parallel_loop3A_137 = vector.broadcast %parallel_loop3A_136 : f32 to vector<16xf32>
        %parallel_loop3A_138 = arith.mulf %parallel_loop3A_134, %parallel_loop3A_137 : vector<16xf32>
        %parallel_loop3A_139 = arith.index_cast %parallel_loop3A_87 : i32 to index
        %parallel_loop3A_140 = arith.constant 32 : index
        %parallel_loop3A_141 = tpu.vector_load %arg16[%parallel_loop3A_139, %parallel_loop3A_140] {strides = array<i32>} : memref<40x128xf32, #tpu.memory_space<vmem>>, vector<1x16xf32>,
        %parallel_loop3A_142 = vector.shape_cast %parallel_loop3A_141 : vector<1x16xf32> to vector<16xf32>
        %parallel_loop3A_143 = vector.shape_cast %parallel_loop3A_138 : vector<16xf32> to vector<1x16xf32>
        tpu.vector_store %arg16[%parallel_loop3A_139, %parallel_loop3A_140], %parallel_loop3A_143 {strides = array<i32>} : memref<40x128xf32, #tpu.memory_space<vmem>>, vector<1x16xf32>,
        %parallel_loop3A_144 = arith.index_cast %parallel_loop3A_87 : i32 to index
        %parallel_loop3A_145 = arith.constant 48 : index
        %parallel_loop3A_146 = tpu.vector_load %arg13[%parallel_loop3A_144, %parallel_loop3A_145] {strides = array<i32>} : memref<40x144xf32, #tpu.memory_space<vmem>>, vector<1x16xf32>,
        %parallel_loop3A_147 = vector.shape_cast %parallel_loop3A_146 : vector<1x16xf32> to vector<16xf32>
        %parallel_loop3A_148 = vector.extract_strided_slice %parallel_loop3A_104 {offsets = [3], sizes = [1], strides = [1]} : vector<16xf32> to vector<1xf32>
        %parallel_loop3A_149 = vector.extract %parallel_loop3A_148[0] : f32 from vector<1xf32>
        %parallel_loop3A_150 = vector.broadcast %parallel_loop3A_149 : f32 to vector<16xf32>
        %parallel_loop3A_151 = arith.mulf %parallel_loop3A_147, %parallel_loop3A_150 : vector<16xf32>
        %parallel_loop3A_152 = arith.index_cast %parallel_loop3A_87 : i32 to index
        %parallel_loop3A_153 = arith.constant 48 : index
        %parallel_loop3A_154 = tpu.vector_load %arg16[%parallel_loop3A_152, %parallel_loop3A_153] {strides = array<i32>} : memref<40x128xf32, #tpu.memory_space<vmem>>, vector<1x16xf32>,
        %parallel_loop3A_155 = vector.shape_cast %parallel_loop3A_154 : vector<1x16xf32> to vector<16xf32>
        %parallel_loop3A_156 = vector.shape_cast %parallel_loop3A_151 : vector<16xf32> to vector<1x16xf32>
        tpu.vector_store %arg16[%parallel_loop3A_152, %parallel_loop3A_153], %parallel_loop3A_156 {strides = array<i32>} : memref<40x128xf32, #tpu.memory_space<vmem>>, vector<1x16xf32>,
        %parallel_loop3A_157 = arith.index_cast %parallel_loop3A_87 : i32 to index
        %parallel_loop3A_158 = arith.constant 64 : index
        %parallel_loop3A_159 = tpu.vector_load %arg13[%parallel_loop3A_157, %parallel_loop3A_158] {strides = array<i32>} : memref<40x144xf32, #tpu.memory_space<vmem>>, vector<1x16xf32>,
        %parallel_loop3A_160 = vector.shape_cast %parallel_loop3A_159 : vector<1x16xf32> to vector<16xf32>
        %parallel_loop3A_161 = vector.extract_strided_slice %parallel_loop3A_104 {offsets = [4], sizes = [1], strides = [1]} : vector<16xf32> to vector<1xf32>
        %parallel_loop3A_162 = vector.extract %parallel_loop3A_161[0] : f32 from vector<1xf32>
        %parallel_loop3A_163 = vector.broadcast %parallel_loop3A_162 : f32 to vector<16xf32>
        %parallel_loop3A_164 = arith.mulf %parallel_loop3A_160, %parallel_loop3A_163 : vector<16xf32>
        %parallel_loop3A_165 = arith.index_cast %parallel_loop3A_87 : i32 to index
        %parallel_loop3A_166 = arith.constant 64 : index
        %parallel_loop3A_167 = tpu.vector_load %arg16[%parallel_loop3A_165, %parallel_loop3A_166] {strides = array<i32>} : memref<40x128xf32, #tpu.memory_space<vmem>>, vector<1x16xf32>,
        %parallel_loop3A_168 = vector.shape_cast %parallel_loop3A_167 : vector<1x16xf32> to vector<16xf32>
        %parallel_loop3A_169 = vector.shape_cast %parallel_loop3A_164 : vector<16xf32> to vector<1x16xf32>
        tpu.vector_store %arg16[%parallel_loop3A_165, %parallel_loop3A_166], %parallel_loop3A_169 {strides = array<i32>} : memref<40x128xf32, #tpu.memory_space<vmem>>, vector<1x16xf32>,
        %parallel_loop3A_170 = arith.index_cast %parallel_loop3A_87 : i32 to index
        %parallel_loop3A_171 = arith.constant 80 : index
        %parallel_loop3A_172 = tpu.vector_load %arg13[%parallel_loop3A_170, %parallel_loop3A_171] {strides = array<i32>} : memref<40x144xf32, #tpu.memory_space<vmem>>, vector<1x16xf32>,
        %parallel_loop3A_173 = vector.shape_cast %parallel_loop3A_172 : vector<1x16xf32> to vector<16xf32>
        %parallel_loop3A_174 = vector.extract_strided_slice %parallel_loop3A_104 {offsets = [5], sizes = [1], strides = [1]} : vector<16xf32> to vector<1xf32>
        %parallel_loop3A_175 = vector.extract %parallel_loop3A_174[0] : f32 from vector<1xf32>
        %parallel_loop3A_176 = vector.broadcast %parallel_loop3A_175 : f32 to vector<16xf32>
        %parallel_loop3A_177 = arith.mulf %parallel_loop3A_173, %parallel_loop3A_176 : vector<16xf32>
        %parallel_loop3A_178 = arith.index_cast %parallel_loop3A_87 : i32 to index
        %parallel_loop3A_179 = arith.constant 80 : index
        %parallel_loop3A_180 = tpu.vector_load %arg16[%parallel_loop3A_178, %parallel_loop3A_179] {strides = array<i32>} : memref<40x128xf32, #tpu.memory_space<vmem>>, vector<1x16xf32>,
        %parallel_loop3A_181 = vector.shape_cast %parallel_loop3A_180 : vector<1x16xf32> to vector<16xf32>
        %parallel_loop3A_182 = vector.shape_cast %parallel_loop3A_177 : vector<16xf32> to vector<1x16xf32>
        tpu.vector_store %arg16[%parallel_loop3A_178, %parallel_loop3A_179], %parallel_loop3A_182 {strides = array<i32>} : memref<40x128xf32, #tpu.memory_space<vmem>>, vector<1x16xf32>,
        %parallel_loop3A_183 = arith.index_cast %parallel_loop3A_87 : i32 to index
        %parallel_loop3A_184 = arith.constant 96 : index
        %parallel_loop3A_185 = tpu.vector_load %arg13[%parallel_loop3A_183, %parallel_loop3A_184] {strides = array<i32>} : memref<40x144xf32, #tpu.memory_space<vmem>>, vector<1x16xf32>,
        %parallel_loop3A_186 = vector.shape_cast %parallel_loop3A_185 : vector<1x16xf32> to vector<16xf32>
        %parallel_loop3A_187 = vector.extract_strided_slice %parallel_loop3A_104 {offsets = [6], sizes = [1], strides = [1]} : vector<16xf32> to vector<1xf32>
        %parallel_loop3A_188 = vector.extract %parallel_loop3A_187[0] : f32 from vector<1xf32>
        %parallel_loop3A_189 = vector.broadcast %parallel_loop3A_188 : f32 to vector<16xf32>
        %parallel_loop3A_190 = arith.mulf %parallel_loop3A_186, %parallel_loop3A_189 : vector<16xf32>
        %parallel_loop3A_191 = arith.index_cast %parallel_loop3A_87 : i32 to index
        %parallel_loop3A_192 = arith.constant 96 : index
        %parallel_loop3A_193 = tpu.vector_load %arg16[%parallel_loop3A_191, %parallel_loop3A_192] {strides = array<i32>} : memref<40x128xf32, #tpu.memory_space<vmem>>, vector<1x16xf32>,
        %parallel_loop3A_194 = vector.shape_cast %parallel_loop3A_193 : vector<1x16xf32> to vector<16xf32>
        %parallel_loop3A_195 = vector.shape_cast %parallel_loop3A_190 : vector<16xf32> to vector<1x16xf32>
        tpu.vector_store %arg16[%parallel_loop3A_191, %parallel_loop3A_192], %parallel_loop3A_195 {strides = array<i32>} : memref<40x128xf32, #tpu.memory_space<vmem>>, vector<1x16xf32>,
        %parallel_loop3A_196 = arith.index_cast %parallel_loop3A_87 : i32 to index
        %parallel_loop3A_197 = arith.constant 112 : index
        %parallel_loop3A_198 = tpu.vector_load %arg13[%parallel_loop3A_196, %parallel_loop3A_197] {strides = array<i32>} : memref<40x144xf32, #tpu.memory_space<vmem>>, vector<1x16xf32>,
        %parallel_loop3A_199 = vector.shape_cast %parallel_loop3A_198 : vector<1x16xf32> to vector<16xf32>
        %parallel_loop3A_200 = vector.extract_strided_slice %parallel_loop3A_104 {offsets = [7], sizes = [1], strides = [1]} : vector<16xf32> to vector<1xf32>
        %parallel_loop3A_201 = vector.extract %parallel_loop3A_200[0] : f32 from vector<1xf32>
        %parallel_loop3A_202 = vector.broadcast %parallel_loop3A_201 : f32 to vector<16xf32>
        %parallel_loop3A_203 = arith.mulf %parallel_loop3A_199, %parallel_loop3A_202 : vector<16xf32>
        %parallel_loop3A_204 = arith.index_cast %parallel_loop3A_87 : i32 to index
        %parallel_loop3A_205 = arith.constant 112 : index
        %parallel_loop3A_206 = tpu.vector_load %arg16[%parallel_loop3A_204, %parallel_loop3A_205] {strides = array<i32>} : memref<40x128xf32, #tpu.memory_space<vmem>>, vector<1x16xf32>,
        %parallel_loop3A_207 = vector.shape_cast %parallel_loop3A_206 : vector<1x16xf32> to vector<16xf32>
        %parallel_loop3A_208 = vector.shape_cast %parallel_loop3A_203 : vector<16xf32> to vector<1x16xf32>
        tpu.vector_store %arg16[%parallel_loop3A_204, %parallel_loop3A_205], %parallel_loop3A_208 {strides = array<i32>} : memref<40x128xf32, #tpu.memory_space<vmem>>, vector<1x16xf32>,
      } {sc.loop_unroll_factor = 4 : i64, sc.parallel_access}
      "tpu.region"() ({
        %run_scoped3A = tpu.sem_alloc : memref<!tpu.dma_semaphore, #tpu.memory_space<semaphore_mem>>
        %dma_start3A_87 = arith.constant 0 : i32
        %dma_start3A_88 = arith.constant 0 : i32
        %dma_start3A_89 = tpu.memref_slice %arg18[%dma_start3A_87, %dma_start3A_88] : memref<10000x128xf32, #tpu.memory_space<vmem_shared>> -> memref<10000x128xf32, #tpu.memory_space<vmem_shared>>
        tpu.enqueue_indirect_dma source(%arg16 : memref<40x128xf32, #tpu.memory_space<vmem>>) target(%dma_start3A_89 : memref<10000x128xf32, #tpu.memory_space<vmem_shared>>) offsets(%arg11 : memref<40xi32, #tpu.memory_space<vmem>>) semaphore(%run_scoped3A : memref<!tpu.dma_semaphore, #tpu.memory_space<semaphore_mem>>) {add = true}
        %dma_wait3A_90 = arith.constant 0 : i32
        %dma_wait3A_91 = arith.constant 0 : i32
        %dma_wait3A_92 = tpu.memref_slice %arg18[%dma_wait3A_90, %dma_wait3A_91] : memref<10000x128xf32, #tpu.memory_space<vmem_shared>> -> memref<10000x128xf32, #tpu.memory_space<vmem_shared>>
        tpu.wait_indirect_dma semaphore(%run_scoped3A : memref<!tpu.dma_semaphore, #tpu.memory_space<semaphore_mem>>) src(%arg16 : memref<40x128xf32, #tpu.memory_space<vmem>>) dst(%dma_wait3A_92 : memref<10000x128xf32, #tpu.memory_space<vmem_shared>>)
        tpu.yield
      }) : () -> ()
    }
    %scan3A_25 = arith.constant 125 : i32
    %dma_wait3A = arith.constant 0 : i32
    %dma_wait3A_26 = arith.constant 0 : i32
    %dma_wait3A_27 = tpu.memref_slice %arg4[%dma_wait3A, %dma_wait3A_26] : memref<10000x144xf32, #tpu.memory_space<hbm>> -> memref<10000x144xf32, #tpu.memory_space<hbm>>
    tpu.wait_indirect_dma semaphore(%arg19 : memref<!tpu.dma_semaphore, #tpu.memory_space<semaphore_mem>>) src(%dma_wait3A_27 : memref<10000x144xf32, #tpu.memory_space<hbm>>) dst(%arg12 : memref<40x144xf32, #tpu.memory_space<vmem>>)
    %dma_wait3A_28 = arith.constant 0 : i32
    %dma_wait3A_29 = arith.constant 0 : i32
    %dma_wait3A_30 = tpu.memref_slice %arg5[%dma_wait3A_28, %dma_wait3A_29] : memref<10000x16xf32, #tpu.memory_space<hbm>> -> memref<10000x16xf32, #tpu.memory_space<hbm>>
    tpu.wait_indirect_dma semaphore(%arg21 : memref<!tpu.dma_semaphore, #tpu.memory_space<semaphore_mem>>) src(%dma_wait3A_30 : memref<10000x16xf32, #tpu.memory_space<hbm>>) dst(%arg14 : memref<40x16xf32, #tpu.memory_space<vmem>>)
    %barrier3A_31 = arith.constant 0 : index
    tpu.barrier barrier_id(%barrier3A_31)
    %scan3A_32 = arith.constant 0 : i32
    %scan3A_33 = arith.constant 5 : i32
    %scan3A_34 = arith.addi %scan3A_32, %scan3A_33 : i32
    %scan3A_35 = arith.constant 1 : i32
    scf.for %scan3A_37 = %scan3A_32 to %scan3A_34 step %scan3A_35  : i32 {
      %mul3A_38 = arith.constant 625 : i32
      %mul3A_39 = arith.muli %arg1, %mul3A_38 : i32
      %mul3A_40 = arith.constant 125 : i32
      %mul3A_41 = arith.muli %scan3A_37, %mul3A_40 : i32
      %add3A_42 = arith.addi %mul3A_39, %mul3A_41 : i32
      "tpu.region"() ({
        %run_scoped3A = tpu.sem_alloc : memref<!tpu.dma_semaphore, #tpu.memory_space<semaphore_mem>>
        %dma_start3A_50 = arith.constant 0 : i32
        %dma_start3A_51 = tpu.memref_slice %arg18[%add3A_42, %dma_start3A_50] : memref<10000x128xf32, #tpu.memory_space<vmem_shared>> -> memref<125x128xf32, #tpu.memory_space<vmem_shared>>
        %dma_start3A_52 = arith.constant 0 : i32
        %dma_start3A_53 = tpu.memref_slice %arg18[%add3A_42, %dma_start3A_52] : memref<10000x128xf32, #tpu.memory_space<vmem_shared>> -> memref<125x128xf32, #tpu.memory_space<vmem_shared>>
        tpu.enqueue_dma source(%dma_start3A_53 : memref<125x128xf32, #tpu.memory_space<vmem_shared>>) target(%arg17 : memref<125x128xf32, #tpu.memory_space<vmem>>) target_semaphore(%run_scoped3A : memref<!tpu.dma_semaphore, #tpu.memory_space<semaphore_mem>>)
        %dma_wait3A_54 = arith.constant 0 : i32
        %dma_wait3A_55 = tpu.memref_slice %arg18[%add3A_42, %dma_wait3A_54] : memref<10000x128xf32, #tpu.memory_space<vmem_shared>> -> memref<125x128xf32, #tpu.memory_space<vmem_shared>>
        %dma_wait3A_56 = arith.constant 0 : i32
        %dma_wait3A_57 = tpu.memref_slice %arg18[%add3A_42, %dma_wait3A_56] : memref<10000x128xf32, #tpu.memory_space<vmem_shared>> -> memref<125x128xf32, #tpu.memory_space<vmem_shared>>
        tpu.wait_dma2 semaphore(%run_scoped3A : memref<!tpu.dma_semaphore, #tpu.memory_space<semaphore_mem>>) src(%dma_wait3A_57 : memref<125x128xf32, #tpu.memory_space<vmem_shared>>) dst(%arg17 : memref<125x128xf32, #tpu.memory_space<vmem>>)
        tpu.yield
      }) : () -> ()
      %eq3A = arith.constant 0 : i32
      %eq3A_43 = arith.cmpi eq, %arg0, %eq3A : i32
      %convert_element_type3A = arith.extui %eq3A_43 : i1 to i32
      %cond3A = arith.constant 0 : i32
      %cond3A_44 = arith.cmpi ne, %convert_element_type3A, %cond3A : i32
      scf.if %cond3A_44 {
        "tpu.region"() ({
          %run_scoped3A = tpu.sem_alloc : memref<!tpu.dma_semaphore, #tpu.memory_space<semaphore_mem>>
          %dma_start3A_50 = arith.constant 0 : i32
          %dma_start3A_51 = tpu.memref_slice %arg6[%add3A_42, %dma_start3A_50] : memref<10000x128xf32, #tpu.memory_space<hbm>> -> memref<125x128xf32, #tpu.memory_space<hbm>>
          %dma_start3A_52 = arith.constant 0 : i32
          %dma_start3A_53 = tpu.memref_slice %arg6[%add3A_42, %dma_start3A_52] : memref<10000x128xf32, #tpu.memory_space<hbm>> -> memref<125x128xf32, #tpu.memory_space<hbm>>
          tpu.enqueue_dma source(%arg17 : memref<125x128xf32, #tpu.memory_space<vmem>>) target(%dma_start3A_53 : memref<125x128xf32, #tpu.memory_space<hbm>>) target_semaphore(%run_scoped3A : memref<!tpu.dma_semaphore, #tpu.memory_space<semaphore_mem>>)
          %dma_wait3A_54 = arith.constant 0 : i32
          %dma_wait3A_55 = tpu.memref_slice %arg6[%add3A_42, %dma_wait3A_54] : memref<10000x128xf32, #tpu.memory_space<hbm>> -> memref<125x128xf32, #tpu.memory_space<hbm>>
          %dma_wait3A_56 = arith.constant 0 : i32
          %dma_wait3A_57 = tpu.memref_slice %arg6[%add3A_42, %dma_wait3A_56] : memref<10000x128xf32, #tpu.memory_space<hbm>> -> memref<125x128xf32, #tpu.memory_space<hbm>>
          tpu.wait_dma2 semaphore(%run_scoped3A : memref<!tpu.dma_semaphore, #tpu.memory_space<semaphore_mem>>) src(%arg17 : memref<125x128xf32, #tpu.memory_space<vmem>>) dst(%dma_wait3A_57 : memref<125x128xf32, #tpu.memory_space<hbm>>)
          tpu.yield
        }) : () -> ()
      } else {
      }
      %eq3A_45 = arith.constant 1 : i32
      %eq3A_46 = arith.cmpi eq, %arg0, %eq3A_45 : i32
      %convert_element_type3A_47 = arith.extui %eq3A_46 : i1 to i32
      %cond3A_48 = arith.constant 0 : i32
      %cond3A_49 = arith.cmpi ne, %convert_element_type3A_47, %cond3A_48 : i32
      scf.if %cond3A_49 {
        "tpu.region"() ({
          %run_scoped3A = tpu.sem_alloc : memref<!tpu.dma_semaphore, #tpu.memory_space<semaphore_mem>>
          %dma_start3A_50 = arith.constant 0 : i32
          %dma_start3A_51 = tpu.memref_slice %arg7[%add3A_42, %dma_start3A_50] : memref<10000x128xf32, #tpu.memory_space<hbm>> -> memref<125x128xf32, #tpu.memory_space<hbm>>
          %dma_start3A_52 = arith.constant 0 : i32
          %dma_start3A_53 = tpu.memref_slice %arg7[%add3A_42, %dma_start3A_52] : memref<10000x128xf32, #tpu.memory_space<hbm>> -> memref<125x128xf32, #tpu.memory_space<hbm>>
          tpu.enqueue_dma source(%arg17 : memref<125x128xf32, #tpu.memory_space<vmem>>) target(%dma_start3A_53 : memref<125x128xf32, #tpu.memory_space<hbm>>) target_semaphore(%run_scoped3A : memref<!tpu.dma_semaphore, #tpu.memory_space<semaphore_mem>>)
          %dma_wait3A_54 = arith.constant 0 : i32
          %dma_wait3A_55 = tpu.memref_slice %arg7[%add3A_42, %dma_wait3A_54] : memref<10000x128xf32, #tpu.memory_space<hbm>> -> memref<125x128xf32, #tpu.memory_space<hbm>>
          %dma_wait3A_56 = arith.constant 0 : i32
          %dma_wait3A_57 = tpu.memref_slice %arg7[%add3A_42, %dma_wait3A_56] : memref<10000x128xf32, #tpu.memory_space<hbm>> -> memref<125x128xf32, #tpu.memory_space<hbm>>
          tpu.wait_dma2 semaphore(%run_scoped3A : memref<!tpu.dma_semaphore, #tpu.memory_space<semaphore_mem>>) src(%arg17 : memref<125x128xf32, #tpu.memory_space<vmem>>) dst(%dma_wait3A_57 : memref<125x128xf32, #tpu.memory_space<hbm>>)
          tpu.yield
        }) : () -> ()
      } else {
      }
    }
    %scan3A_36 = arith.constant 5 : i32
    return
  }
}

module attributes {stable_mosaic.version = 14 : i64} {
  func.func @_prep_body(%arg0: i32, %arg1: memref<1000x128xf32, #tpu.memory_space<vmem>>, %arg2: memref<1x64xf32, #tpu.memory_space<vmem>>, %arg3: memref<128x128xf32, #tpu.memory_space<vmem>>, %arg4: memref<1x128xf32, #tpu.memory_space<vmem>>, %arg5: memref<128x128xf32, #tpu.memory_space<vmem>>, %arg6: memref<1x128xf32, #tpu.memory_space<vmem>>, %arg7: memref<64x128xf32, #tpu.memory_space<vmem>>, %arg8: memref<1x128xf32, #tpu.memory_space<vmem>>, %arg9: memref<64x128xf32, #tpu.memory_space<vmem>>, %arg10: memref<1x128xf32, #tpu.memory_space<vmem>>, %arg11: memref<1000x144xf32, #tpu.memory_space<vmem>>, %arg12: memref<1000x16xf32, #tpu.memory_space<vmem>>, %arg13: memref<1000x16xf32, #tpu.memory_space<vmem>>) attributes {dimension_semantics = [#tpu.dimension_semantics<arbitrary>], iteration_bounds = array<i64: 10>, scalar_prefetch = 0 : i64, scratch_operands = 0 : i64, tpu.core_type = #tpu.core_type<tc>, window_params = [{transform_indices = @transform_0, window_bounds = array<i64: 1000, 128>}, {pipeline_mode = #tpu.pipeline_mode<synchronous>, transform_indices = @transform_1, window_bounds = array<i64: 1, 64>}, {pipeline_mode = #tpu.pipeline_mode<synchronous>, transform_indices = @transform_2, window_bounds = array<i64: 128, 128>}, {pipeline_mode = #tpu.pipeline_mode<synchronous>, transform_indices = @transform_3, window_bounds = array<i64: 1, 128>}, {pipeline_mode = #tpu.pipeline_mode<synchronous>, transform_indices = @transform_4, window_bounds = array<i64: 128, 128>}, {pipeline_mode = #tpu.pipeline_mode<synchronous>, transform_indices = @transform_5, window_bounds = array<i64: 1, 128>}, {pipeline_mode = #tpu.pipeline_mode<synchronous>, transform_indices = @transform_6, window_bounds = array<i64: 64, 128>}, {pipeline_mode = #tpu.pipeline_mode<synchronous>, transform_indices = @transform_7, window_bounds = array<i64: 1, 128>}, {pipeline_mode = #tpu.pipeline_mode<synchronous>, transform_indices = @transform_8, window_bounds = array<i64: 64, 128>}, {pipeline_mode = #tpu.pipeline_mode<synchronous>, transform_indices = @transform_9, window_bounds = array<i64: 1, 128>}, {transform_indices = @transform_10, window_bounds = array<i64: 1000, 144>}, {transform_indices = @transform_11, window_bounds = array<i64: 1000, 16>}, {transform_indices = @transform_12, window_bounds = array<i64: 1000, 16>}]} {
    %get3A = arith.constant 0 : index
    %get3A_0 = arith.constant 0 : index
    %get3A_1 = vector.load %arg1[%get3A, %get3A_0] : memref<1000x128xf32, #tpu.memory_space<vmem>>, vector<1000x128xf32>
    %get3A_2 = arith.constant 0 : index
    %get3A_3 = arith.constant 0 : index
    %get3A_4 = vector.load %arg3[%get3A_2, %get3A_3] : memref<128x128xf32, #tpu.memory_space<vmem>>, vector<128x128xf32>
    %dot_general3A = arith.constant dense<0.000000e+00> : vector<1000x128xf32>
    %dot_general3A_5 = tpu.matmul %get3A_1, %get3A_4, %dot_general3A {dimension_numbers = #tpu.dot_dimension_numbers<[1], [0], [0], [1], [0, 0, 1, 1], [], []>, transpose_lhs_hint = false} : vector<1000x128xf32>, vector<128x128xf32>, vector<1000x128xf32> -> vector<1000x128xf32>
    %get3A_6 = arith.constant 0 : index
    %get3A_7 = arith.constant 0 : index
    %get3A_8 = vector.load %arg4[%get3A_6, %get3A_7] : memref<1x128xf32, #tpu.memory_space<vmem>>, vector<1x128xf32>
    %add3A = vector.broadcast %get3A_8 : vector<1x128xf32> to vector<1000x128xf32>
    %add3A_9 = arith.addf %dot_general3A_5, %add3A : vector<1000x128xf32>
    %get3A_10 = arith.constant 0 : index
    %get3A_11 = arith.constant 0 : index
    %get3A_12 = vector.load %arg5[%get3A_10, %get3A_11] : memref<128x128xf32, #tpu.memory_space<vmem>>, vector<128x128xf32>
    %dot_general3A_13 = arith.constant dense<0.000000e+00> : vector<1000x128xf32>
    %dot_general3A_14 = tpu.matmul %get3A_1, %get3A_12, %dot_general3A_13 {dimension_numbers = #tpu.dot_dimension_numbers<[1], [0], [0], [1], [0, 0, 1, 1], [], []>, transpose_lhs_hint = false} : vector<1000x128xf32>, vector<128x128xf32>, vector<1000x128xf32> -> vector<1000x128xf32>
    %get3A_15 = arith.constant 0 : index
    %get3A_16 = arith.constant 0 : index
    %get3A_17 = vector.load %arg6[%get3A_15, %get3A_16] : memref<1x128xf32, #tpu.memory_space<vmem>>, vector<1x128xf32>
    %add3A_18 = vector.broadcast %get3A_17 : vector<1x128xf32> to vector<1000x128xf32>
    %add3A_19 = arith.addf %dot_general3A_14, %add3A_18 : vector<1000x128xf32>
    %get3A_20 = arith.constant 0 : index
    %get3A_21 = arith.constant 0 : index
    %get3A_22 = vector.load %arg2[%get3A_20, %get3A_21] : memref<1x64xf32, #tpu.memory_space<vmem>>, vector<1x64xf32>
    %get3A_23 = arith.constant 0 : index
    %get3A_24 = arith.constant 0 : index
    %get3A_25 = vector.load %arg7[%get3A_23, %get3A_24] : memref<64x128xf32, #tpu.memory_space<vmem>>, vector<64x128xf32>
    %dot_general3A_26 = arith.constant dense<0.000000e+00> : vector<1x128xf32>
    %dot_general3A_27 = tpu.matmul %get3A_22, %get3A_25, %dot_general3A_26 {dimension_numbers = #tpu.dot_dimension_numbers<[1], [0], [0], [1], [0, 0, 1, 1], [], []>, transpose_lhs_hint = false} : vector<1x64xf32>, vector<64x128xf32>, vector<1x128xf32> -> vector<1x128xf32>
    %get3A_28 = arith.constant 0 : index
    %get3A_29 = arith.constant 0 : index
    %get3A_30 = vector.load %arg8[%get3A_28, %get3A_29] : memref<1x128xf32, #tpu.memory_space<vmem>>, vector<1x128xf32>
    %add3A_31 = arith.addf %dot_general3A_27, %get3A_30 : vector<1x128xf32>
    %get3A_32 = arith.constant 0 : index
    %get3A_33 = arith.constant 0 : index
    %get3A_34 = vector.load %arg9[%get3A_32, %get3A_33] : memref<64x128xf32, #tpu.memory_space<vmem>>, vector<64x128xf32>
    %dot_general3A_35 = arith.constant dense<0.000000e+00> : vector<1x128xf32>
    %dot_general3A_36 = tpu.matmul %get3A_22, %get3A_34, %dot_general3A_35 {dimension_numbers = #tpu.dot_dimension_numbers<[1], [0], [0], [1], [0, 0, 1, 1], [], []>, transpose_lhs_hint = false} : vector<1x64xf32>, vector<64x128xf32>, vector<1x128xf32> -> vector<1x128xf32>
    %get3A_37 = arith.constant 0 : index
    %get3A_38 = arith.constant 0 : index
    %get3A_39 = vector.load %arg10[%get3A_37, %get3A_38] : memref<1x128xf32, #tpu.memory_space<vmem>>, vector<1x128xf32>
    %add3A_40 = arith.addf %dot_general3A_36, %get3A_39 : vector<1x128xf32>
    %iota3A = tpu.iota {dimensions = array<i32: 0>} : vector<128x16xi32>
    %iota3A_41 = tpu.iota {dimensions = array<i32: 1>} : vector<128x16xi32>
    %jit3A = arith.constant 16 : i32
    %div3A = vector.broadcast %jit3A : i32 to vector<128x16xi32>
    %div3A_42 = arith.divsi %iota3A, %div3A : vector<128x16xi32>
    %sign3A = arith.constant 0 : i32
    %sign3A_43 = vector.broadcast %sign3A : i32 to vector<128x16xi32>
    %sign3A_44 = arith.cmpi sgt, %iota3A, %sign3A_43 : vector<128x16xi32>
    %sign3A_45 = arith.extui %sign3A_44 : vector<128x16xi1> to vector<128x16xi32>
    %sign3A_46 = arith.constant 0 : i32
    %sign3A_47 = vector.broadcast %sign3A_46 : i32 to vector<128x16xi32>
    %sign3A_48 = arith.cmpi slt, %iota3A, %sign3A_47 : vector<128x16xi32>
    %sign3A_49 = arith.extui %sign3A_48 : vector<128x16xi1> to vector<128x16xi32>
    %sign3A_50 = arith.subi %sign3A_45, %sign3A_49 : vector<128x16xi32>
    %sign3A_51 = arith.constant 0 : i32
    %sign3A_52 = arith.cmpi sgt, %jit3A, %sign3A_51 : i32
    %sign3A_53 = arith.extui %sign3A_52 : i1 to i32
    %sign3A_54 = arith.constant 0 : i32
    %sign3A_55 = arith.cmpi slt, %jit3A, %sign3A_54 : i32
    %sign3A_56 = arith.extui %sign3A_55 : i1 to i32
    %sign3A_57 = arith.subi %sign3A_53, %sign3A_56 : i32
    %ne3A = vector.broadcast %sign3A_57 : i32 to vector<128x16xi32>
    %ne3A_58 = arith.cmpi ne, %sign3A_50, %ne3A : vector<128x16xi32>
    %rem3A = vector.broadcast %jit3A : i32 to vector<128x16xi32>
    %rem3A_59 = arith.remsi %iota3A, %rem3A : vector<128x16xi32>
    %ne3A_60 = arith.constant 0 : i32
    %ne3A_61 = vector.broadcast %ne3A_60 : i32 to vector<128x16xi32>
    %ne3A_62 = arith.cmpi ne, %rem3A_59, %ne3A_61 : vector<128x16xi32>
    %and3A = arith.andi %ne3A_58, %ne3A_62 : vector<128x16xi1>
    %sub3A = arith.constant 1 : i32
    %sub3A_63 = vector.broadcast %sub3A : i32 to vector<128x16xi32>
    %sub3A_64 = arith.subi %div3A_42, %sub3A_63 : vector<128x16xi32>
    %select_n3A = arith.select %and3A, %sub3A_64, %div3A_42 : vector<128x16xi1>, vector<128x16xi32>
    %jit3A_65 = arith.constant 8 : i32
    %eq3A = arith.constant 0 : i32
    %eq3A_66 = arith.cmpi eq, %jit3A_65, %eq3A : i32
    %jit3A_67 = arith.constant 1 : i32
    %select_n3A_68 = arith.select %eq3A_66, %jit3A_67, %jit3A_65 : i32
    %rem3A_69 = vector.broadcast %select_n3A_68 : i32 to vector<128x16xi32>
    %rem3A_70 = arith.remsi %iota3A_41, %rem3A_69 : vector<128x16xi32>
    %ne3A_71 = arith.constant 0 : i32
    %ne3A_72 = vector.broadcast %ne3A_71 : i32 to vector<128x16xi32>
    %ne3A_73 = arith.cmpi ne, %rem3A_70, %ne3A_72 : vector<128x16xi32>
    %lt3A = arith.constant 0 : i32
    %lt3A_74 = vector.broadcast %lt3A : i32 to vector<128x16xi32>
    %lt3A_75 = arith.cmpi slt, %rem3A_70, %lt3A_74 : vector<128x16xi32>
    %lt3A_76 = arith.constant 0 : i32
    %lt3A_77 = arith.cmpi slt, %select_n3A_68, %lt3A_76 : i32
    %ne3A_78 = vector.broadcast %lt3A_77 : i1 to vector<128x16xi1>
    %ne3A_79 = vector.broadcast %ne3A_78 : vector<128x16xi1> to vector<128x16xi1>
    %ne3A_80 = arith.xori %lt3A_75, %ne3A_79 : vector<128x16xi1>
    %and3A_81 = arith.andi %ne3A_80, %ne3A_73 : vector<128x16xi1>
    %add3A_82 = vector.broadcast %select_n3A_68 : i32 to vector<128x16xi32>
    %add3A_83 = arith.addi %rem3A_70, %add3A_82 : vector<128x16xi32>
    %select_n3A_84 = arith.select %and3A_81, %add3A_83, %rem3A_70 : vector<128x16xi1>, vector<128x16xi32>
    %eq3A_85 = arith.cmpi eq, %select_n3A, %select_n3A_84 : vector<128x16xi32>
    %convert_element_type3A = arith.extui %eq3A_85 : vector<128x16xi1> to vector<128x16xi32>
    %convert_element_type3A_86 = arith.sitofp %convert_element_type3A : vector<128x16xi32> to vector<128x16xf32>
    %mul3A = vector.broadcast %add3A_31 : vector<1x128xf32> to vector<1000x128xf32>
    %mul3A_87 = arith.mulf %add3A_9, %mul3A : vector<1000x128xf32>
    %dot_general3A_88 = arith.constant dense<0.000000e+00> : vector<1000x16xf32>
    %dot_general3A_89 = tpu.matmul %mul3A_87, %convert_element_type3A_86, %dot_general3A_88 {dimension_numbers = #tpu.dot_dimension_numbers<[1], [0], [0], [1], [0, 0, 1, 1], [], []>, transpose_lhs_hint = false} : vector<1000x128xf32>, vector<128x16xf32>, vector<1000x16xf32> -> vector<1000x16xf32>
    %mul3A_90 = vector.broadcast %add3A_40 : vector<1x128xf32> to vector<1000x128xf32>
    %mul3A_91 = arith.mulf %add3A_19, %mul3A_90 : vector<1000x128xf32>
    %dot_general3A_92 = arith.constant dense<0.000000e+00> : vector<1000x16xf32>
    %dot_general3A_93 = tpu.matmul %mul3A_91, %convert_element_type3A_86, %dot_general3A_92 {dimension_numbers = #tpu.dot_dimension_numbers<[1], [0], [0], [1], [0, 0, 1, 1], [], []>, transpose_lhs_hint = false} : vector<1000x128xf32>, vector<128x16xf32>, vector<1000x16xf32> -> vector<1000x16xf32>
    %swap3A = arith.constant 0 : index
    %swap3A_94 = arith.constant 0 : index
    %swap3A_95 = vector.load %arg11[%swap3A, %swap3A_94] : memref<1000x144xf32, #tpu.memory_space<vmem>>, vector<1000x128xf32>
    tpu.vector_store %arg11[%swap3A, %swap3A_94], %add3A_9 {strides = array<i32>} : memref<1000x144xf32, #tpu.memory_space<vmem>>, vector<1000x128xf32>,
    %swap3A_96 = arith.constant 0 : index
    %swap3A_97 = arith.constant 128 : index
    %swap3A_98 = vector.load %arg11[%swap3A_96, %swap3A_97] : memref<1000x144xf32, #tpu.memory_space<vmem>>, vector<1000x16xf32>
    tpu.vector_store %arg11[%swap3A_96, %swap3A_97], %dot_general3A_89 {strides = array<i32>} : memref<1000x144xf32, #tpu.memory_space<vmem>>, vector<1000x16xf32>,
    %swap3A_99 = arith.constant 0 : index
    %swap3A_100 = arith.constant 0 : index
    %swap3A_101 = vector.load %arg12[%swap3A_99, %swap3A_100] : memref<1000x16xf32, #tpu.memory_space<vmem>>, vector<1000x16xf32>
    tpu.vector_store %arg12[%swap3A_99, %swap3A_100], %dot_general3A_89 {strides = array<i32>} : memref<1000x16xf32, #tpu.memory_space<vmem>>, vector<1000x16xf32>,
    %swap3A_102 = arith.constant 0 : index
    %swap3A_103 = arith.constant 0 : index
    %swap3A_104 = vector.load %arg13[%swap3A_102, %swap3A_103] : memref<1000x16xf32, #tpu.memory_space<vmem>>, vector<1000x16xf32>
    tpu.vector_store %arg13[%swap3A_102, %swap3A_103], %dot_general3A_93 {strides = array<i32>} : memref<1000x16xf32, #tpu.memory_space<vmem>>, vector<1000x16xf32>,
    return
  }
  func.func @transform_0(%arg0: i32) -> (i32, i32) {
    %c0_i32 = arith.constant 0 : i32
    %c0_i32_0 = arith.constant 0 : i32
    return %arg0, %c0_i32 : i32, i32
  }
  func.func @transform_1(%arg0: i32) -> (i32, i32) {
    %c0_i32 = arith.constant 0 : i32
    %c0_i32_0 = arith.constant 0 : i32
    %c0_i32_1 = arith.constant 0 : i32
    return %c0_i32, %c0_i32_0 : i32, i32
  }
  func.func @transform_2(%arg0: i32) -> (i32, i32) {
    %c0_i32 = arith.constant 0 : i32
    %c0_i32_0 = arith.constant 0 : i32
    %c0_i32_1 = arith.constant 0 : i32
    return %c0_i32, %c0_i32_0 : i32, i32
  }
  func.func @transform_3(%arg0: i32) -> (i32, i32) {
    %c0_i32 = arith.constant 0 : i32
    %c0_i32_0 = arith.constant 0 : i32
    %c0_i32_1 = arith.constant 0 : i32
    return %c0_i32, %c0_i32_0 : i32, i32
  }
  func.func @transform_4(%arg0: i32) -> (i32, i32) {
    %c0_i32 = arith.constant 0 : i32
    %c0_i32_0 = arith.constant 0 : i32
    %c0_i32_1 = arith.constant 0 : i32
    return %c0_i32, %c0_i32_0 : i32, i32
  }
  func.func @transform_5(%arg0: i32) -> (i32, i32) {
    %c0_i32 = arith.constant 0 : i32
    %c0_i32_0 = arith.constant 0 : i32
    %c0_i32_1 = arith.constant 0 : i32
    return %c0_i32, %c0_i32_0 : i32, i32
  }
  func.func @transform_6(%arg0: i32) -> (i32, i32) {
    %c0_i32 = arith.constant 0 : i32
    %c0_i32_0 = arith.constant 0 : i32
    %c0_i32_1 = arith.constant 0 : i32
    return %c0_i32, %c0_i32_0 : i32, i32
  }
  func.func @transform_7(%arg0: i32) -> (i32, i32) {
    %c0_i32 = arith.constant 0 : i32
    %c0_i32_0 = arith.constant 0 : i32
    %c0_i32_1 = arith.constant 0 : i32
    return %c0_i32, %c0_i32_0 : i32, i32
  }
  func.func @transform_8(%arg0: i32) -> (i32, i32) {
    %c0_i32 = arith.constant 0 : i32
    %c0_i32_0 = arith.constant 0 : i32
    %c0_i32_1 = arith.constant 0 : i32
    return %c0_i32, %c0_i32_0 : i32, i32
  }
  func.func @transform_9(%arg0: i32) -> (i32, i32) {
    %c0_i32 = arith.constant 0 : i32
    %c0_i32_0 = arith.constant 0 : i32
    %c0_i32_1 = arith.constant 0 : i32
    return %c0_i32, %c0_i32_0 : i32, i32
  }
  func.func @transform_10(%arg0: i32) -> (i32, i32) {
    %c0_i32 = arith.constant 0 : i32
    %c0_i32_0 = arith.constant 0 : i32
    return %arg0, %c0_i32 : i32, i32
  }
  func.func @transform_11(%arg0: i32) -> (i32, i32) {
    %c0_i32 = arith.constant 0 : i32
    %c0_i32_0 = arith.constant 0 : i32
    return %arg0, %c0_i32 : i32, i32
  }
  func.func @transform_12(%arg0: i32) -> (i32, i32) {
    %c0_i32 = arith.constant 0 : i32
    %c0_i32_0 = arith.constant 0 : i32
    return %arg0, %c0_i32 : i32, i32
  }
}

module attributes {stable_mosaic.version = 14 : i64} {
  func.func @_comb_body(%arg0: i32, %arg1: memref<1000x128xf32, #tpu.memory_space<vmem>>, %arg2: memref<1000x128xf32, #tpu.memory_space<vmem>>, %arg3: memref<1000x16xf32, #tpu.memory_space<vmem>>, %arg4: memref<1000x16xf32, #tpu.memory_space<vmem>>, %arg5: memref<1000x128xf32, #tpu.memory_space<vmem>>) attributes {dimension_semantics = [#tpu.dimension_semantics<arbitrary>], iteration_bounds = array<i64: 10>, scalar_prefetch = 0 : i64, scratch_operands = 0 : i64, tpu.core_type = #tpu.core_type<tc>, window_params = [{transform_indices = @transform_0, window_bounds = array<i64: 1000, 128>}, {transform_indices = @transform_1, window_bounds = array<i64: 1000, 128>}, {transform_indices = @transform_2, window_bounds = array<i64: 1000, 16>}, {transform_indices = @transform_3, window_bounds = array<i64: 1000, 16>}, {transform_indices = @transform_4, window_bounds = array<i64: 1000, 128>}]} {
    %get3A = arith.constant 0 : index
    %get3A_0 = arith.constant 0 : index
    %get3A_1 = vector.load %arg3[%get3A, %get3A_0] : memref<1000x16xf32, #tpu.memory_space<vmem>>, vector<1000x16xf32>
    %get3A_2 = arith.constant 0 : index
    %get3A_3 = arith.constant 0 : index
    %get3A_4 = vector.load %arg4[%get3A_2, %get3A_3] : memref<1000x16xf32, #tpu.memory_space<vmem>>, vector<1000x16xf32>
    %add3A = arith.addf %get3A_1, %get3A_4 : vector<1000x16xf32>
    %iota3A = tpu.iota {dimensions = array<i32: 0>} : vector<16x128xi32>
    %iota3A_5 = tpu.iota {dimensions = array<i32: 1>} : vector<16x128xi32>
    %jit3A = arith.constant 16 : i32
    %div3A = vector.broadcast %jit3A : i32 to vector<16x128xi32>
    %div3A_6 = arith.divsi %iota3A_5, %div3A : vector<16x128xi32>
    %sign3A = arith.constant 0 : i32
    %sign3A_7 = vector.broadcast %sign3A : i32 to vector<16x128xi32>
    %sign3A_8 = arith.cmpi sgt, %iota3A_5, %sign3A_7 : vector<16x128xi32>
    %sign3A_9 = arith.extui %sign3A_8 : vector<16x128xi1> to vector<16x128xi32>
    %sign3A_10 = arith.constant 0 : i32
    %sign3A_11 = vector.broadcast %sign3A_10 : i32 to vector<16x128xi32>
    %sign3A_12 = arith.cmpi slt, %iota3A_5, %sign3A_11 : vector<16x128xi32>
    %sign3A_13 = arith.extui %sign3A_12 : vector<16x128xi1> to vector<16x128xi32>
    %sign3A_14 = arith.subi %sign3A_9, %sign3A_13 : vector<16x128xi32>
    %sign3A_15 = arith.constant 0 : i32
    %sign3A_16 = arith.cmpi sgt, %jit3A, %sign3A_15 : i32
    %sign3A_17 = arith.extui %sign3A_16 : i1 to i32
    %sign3A_18 = arith.constant 0 : i32
    %sign3A_19 = arith.cmpi slt, %jit3A, %sign3A_18 : i32
    %sign3A_20 = arith.extui %sign3A_19 : i1 to i32
    %sign3A_21 = arith.subi %sign3A_17, %sign3A_20 : i32
    %ne3A = vector.broadcast %sign3A_21 : i32 to vector<16x128xi32>
    %ne3A_22 = arith.cmpi ne, %sign3A_14, %ne3A : vector<16x128xi32>
    %rem3A = vector.broadcast %jit3A : i32 to vector<16x128xi32>
    %rem3A_23 = arith.remsi %iota3A_5, %rem3A : vector<16x128xi32>
    %ne3A_24 = arith.constant 0 : i32
    %ne3A_25 = vector.broadcast %ne3A_24 : i32 to vector<16x128xi32>
    %ne3A_26 = arith.cmpi ne, %rem3A_23, %ne3A_25 : vector<16x128xi32>
    %and3A = arith.andi %ne3A_22, %ne3A_26 : vector<16x128xi1>
    %sub3A = arith.constant 1 : i32
    %sub3A_27 = vector.broadcast %sub3A : i32 to vector<16x128xi32>
    %sub3A_28 = arith.subi %div3A_6, %sub3A_27 : vector<16x128xi32>
    %select_n3A = arith.select %and3A, %sub3A_28, %div3A_6 : vector<16x128xi1>, vector<16x128xi32>
    %jit3A_29 = arith.constant 8 : i32
    %eq3A = arith.constant 0 : i32
    %eq3A_30 = arith.cmpi eq, %jit3A_29, %eq3A : i32
    %jit3A_31 = arith.constant 1 : i32
    %select_n3A_32 = arith.select %eq3A_30, %jit3A_31, %jit3A_29 : i32
    %rem3A_33 = vector.broadcast %select_n3A_32 : i32 to vector<16x128xi32>
    %rem3A_34 = arith.remsi %iota3A, %rem3A_33 : vector<16x128xi32>
    %ne3A_35 = arith.constant 0 : i32
    %ne3A_36 = vector.broadcast %ne3A_35 : i32 to vector<16x128xi32>
    %ne3A_37 = arith.cmpi ne, %rem3A_34, %ne3A_36 : vector<16x128xi32>
    %lt3A = arith.constant 0 : i32
    %lt3A_38 = vector.broadcast %lt3A : i32 to vector<16x128xi32>
    %lt3A_39 = arith.cmpi slt, %rem3A_34, %lt3A_38 : vector<16x128xi32>
    %lt3A_40 = arith.constant 0 : i32
    %lt3A_41 = arith.cmpi slt, %select_n3A_32, %lt3A_40 : i32
    %ne3A_42 = vector.broadcast %lt3A_41 : i1 to vector<16x128xi1>
    %ne3A_43 = vector.broadcast %ne3A_42 : vector<16x128xi1> to vector<16x128xi1>
    %ne3A_44 = arith.xori %lt3A_39, %ne3A_43 : vector<16x128xi1>
    %and3A_45 = arith.andi %ne3A_44, %ne3A_37 : vector<16x128xi1>
    %add3A_46 = vector.broadcast %select_n3A_32 : i32 to vector<16x128xi32>
    %add3A_47 = arith.addi %rem3A_34, %add3A_46 : vector<16x128xi32>
    %select_n3A_48 = arith.select %and3A_45, %add3A_47, %rem3A_34 : vector<16x128xi1>, vector<16x128xi32>
    %eq3A_49 = arith.cmpi eq, %select_n3A, %select_n3A_48 : vector<16x128xi32>
    %jit3A_50 = arith.constant 5.000000e-01 : f32
    %jit3A_51 = arith.constant 0.000000e+00 : f32
    %broadcast_in_dim3A = vector.broadcast %jit3A_50 : f32 to vector<16x128xf32>
    %broadcast_in_dim3A_52 = vector.broadcast %jit3A_51 : f32 to vector<16x128xf32>
    %select_n3A_53 = arith.select %eq3A_49, %broadcast_in_dim3A, %broadcast_in_dim3A_52 : vector<16x128xi1>, vector<16x128xf32>
    %dot_general3A = arith.constant dense<0.000000e+00> : vector<1000x128xf32>
    %dot_general3A_54 = tpu.matmul %add3A, %select_n3A_53, %dot_general3A {dimension_numbers = #tpu.dot_dimension_numbers<[1], [0], [0], [1], [0, 0, 1, 1], [], []>, transpose_lhs_hint = false} : vector<1000x16xf32>, vector<16x128xf32>, vector<1000x128xf32> -> vector<1000x128xf32>
    %get3A_55 = arith.constant 0 : index
    %get3A_56 = arith.constant 0 : index
    %get3A_57 = vector.load %arg1[%get3A_55, %get3A_56] : memref<1000x128xf32, #tpu.memory_space<vmem>>, vector<1000x128xf32>
    %get3A_58 = arith.constant 0 : index
    %get3A_59 = arith.constant 0 : index
    %get3A_60 = vector.load %arg2[%get3A_58, %get3A_59] : memref<1000x128xf32, #tpu.memory_space<vmem>>, vector<1000x128xf32>
    %add3A_61 = arith.addf %get3A_57, %get3A_60 : vector<1000x128xf32>
    %gt3A = arith.constant 0.000000e+00 : f32
    %gt3A_62 = vector.broadcast %gt3A : f32 to vector<1000x128xf32>
    %gt3A_63 = arith.cmpf ogt, %dot_general3A_54, %gt3A_62 : vector<1000x128xf32>
    %div3A_64 = arith.divf %add3A_61, %dot_general3A_54 : vector<1000x128xf32>
    %jit3A_65 = arith.constant 0.000000e+00 : f32
    %broadcast_in_dim3A_66 = vector.broadcast %jit3A_65 : f32 to vector<1000x128xf32>
    %select_n3A_67 = arith.select %gt3A_63, %div3A_64, %broadcast_in_dim3A_66 : vector<1000x128xi1>, vector<1000x128xf32>
    %swap3A = arith.constant 0 : index
    %swap3A_68 = arith.constant 0 : index
    %swap3A_69 = vector.load %arg5[%swap3A, %swap3A_68] : memref<1000x128xf32, #tpu.memory_space<vmem>>, vector<1000x128xf32>
    tpu.vector_store %arg5[%swap3A, %swap3A_68], %select_n3A_67 {strides = array<i32>} : memref<1000x128xf32, #tpu.memory_space<vmem>>, vector<1000x128xf32>,
    return
  }
  func.func @transform_0(%arg0: i32) -> (i32, i32) {
    %c0_i32 = arith.constant 0 : i32
    %c0_i32_0 = arith.constant 0 : i32
    return %arg0, %c0_i32 : i32, i32
  }
  func.func @transform_1(%arg0: i32) -> (i32, i32) {
    %c0_i32 = arith.constant 0 : i32
    %c0_i32_0 = arith.constant 0 : i32
    return %arg0, %c0_i32 : i32, i32
  }
  func.func @transform_2(%arg0: i32) -> (i32, i32) {
    %c0_i32 = arith.constant 0 : i32
    %c0_i32_0 = arith.constant 0 : i32
    return %arg0, %c0_i32 : i32, i32
  }
  func.func @transform_3(%arg0: i32) -> (i32, i32) {
    %c0_i32 = arith.constant 0 : i32
    %c0_i32_0 = arith.constant 0 : i32
    return %arg0, %c0_i32 : i32, i32
  }
  func.func @transform_4(%arg0: i32) -> (i32, i32) {
    %c0_i32 = arith.constant 0 : i32
    %c0_i32_0 = arith.constant 0 : i32
    return %arg0, %c0_i32 : i32, i32
  }
}

</mosaic_0001>

<sc_bundles>
// kernel: kernel.6.cloned.1.call-start
scs
__scs_entry_jumppad:
0x0: {  	(pc) =	sbr.rel $0x88, $3  }
0x1: {  	(tag) =	ssettag $0x0;
	lr =	simm.s32 $0x1  }
0x2: {  	[smem:$0x3F98] =	sst lr;
	_ =	strace $0xD0000000  }
0x3: {  	_ = 	snop  }
0x4: {  	_ = 	snop  }
0x5: {  	_ = 	snop  }
0x6: {  	_ = 	snop  }
0x7: {  	_ = 	snop  }
__scs_overlays_trampoline_lowered:
0x8: {  	[smem:$0x3FA7] =	sst s0  }
0x9: {  	[smem:$0x3FA8] =	sst s1  }
0xa: {  	[smem:$0x3FA9] =	sst s2  }
0xb: {  	[smem:$0x3FAA] =	sst s3  }
0xc: {  	[smem:$0x3FAB] =	sst s4  }
0xd: {  	[smem:$0x3FAC] =	sst s5  }
0xe: {  	[smem:$0x3FAD] =	sst s6  }
0xf: {  	[smem:$0x3FAE] =	sst s7  }
0x10: {  	[smem:$0x3FAF] =	sst s8  }
0x11: {  	[smem:$0x3FB0] =	sst s9;
	s0 =	simm.s32 @!p0 $0x0  }
0x12: {  	s1 =	sld [smem:$0x3F96];
	s0 =	simm.s32 @p0 $0x1  }
0x13: {  	[smem:$0x3FB1] =	sst s0;
	s0 =	simm.s32 @!p1 $0x0  }
0x14: {  	s2 =	sld [smem:$0x3F95];
	s0 =	simm.s32 @p1 $0x1  }
0x15: {  	[smem:$0x3FB2] =	sst s0;
	s0 =	simm.s32 @!p2 $0x0  }
0x16: {  	s3 =	sld [smem:$0x3FDB];
	s0 =	simm.s32 @p2 $0x1  }
0x17: {  	s4 =	simm.s32 $0x1BF5;
	[smem:$0x3FB4] =	sst s0  }
0x18: {  	s0 =	sld [smem:$0x3F97];
	_ =	swait.ge [sflag:s4], $0x0  }
0x19: {  	s7 =	sld [smem:$0x3F98]  }
0x1a: {  	s8 =	sadd.s32 $0xFFFFE003, lr  }
0x1b: {  	s9 =	sadd.s32 $0xFFFFFEF7, lr;
	s5 =	simm.s32 $0xFFFFFFFF;
	p2 =	slt.u32 s8, $0xFFFFF086  }
0x1c: {  	p1 =	slt.u32 s9, $0xF7A;
	s5 =	simm.s32 @!p2 $0x0  }
0x1d: {  	s5 =	simm.s32 @p1 $0x1;
	p0 =	seq.s32 s7, s2  }
0x1e: {  	s7 =	smul.u32 @!p0 $0xF7A, s2;
	p2 =	seq.s32 @!p0 s5, $0x0  }
0x1f: {  	s9 =	smul.u32 $0xF7A, s1;
	s8 =	simm.s32 @!p0 $0x1BF5;
	p2 =	por !p2, p0  }
0x20: {  	[sflag:s8] =	ssyncset.s32 @!p0 $0xFFFFF086;
	s6 =	sadd.s32 @!p0 s3, s7;
	s7 =	simm.s32 @!p0 $0x108  }
0x21: {  	s3 =	sadd.s32 s3, s9;
	s6 =	sadd.s32 @!p0 $0x88, s6;
	s7 =	simm.s32 @p2 $0x1082  }
0x22: {  	[simem:s7], [sflag:s8] =	dma.local @!p0 [hbm:s6], $0xF7A  }
0x23: {  	s9 =	sor.u32 $0xD0000000, s2;
	s6 =	simm.s32 $0x108;
	_ =	swait.ge @!p0 [sflag:s8], $0x0  }
0x24: {  	s3 =	sadd.s32 $0x88, s3;
	s6 =	simm.s32 @!p1 $0x1082;
	[sflag:s4] =	ssyncset.s32 $0xFFFFF086  }
0x25: {  	[simem:s6], [sflag:s4] =	dma.local [hbm:s3], $0xF7A  }
0x26: {  	[smem:$0x3F98] =	sst s1;
	(tag) =	ssettag s2;
	_ =	strace s9  }
0x27: {  	s1 =	sld [smem:$0x3FA8]  }
0x28: {  	s2 =	sld [smem:$0x3FA9]  }
0x29: {  	s4 =	sld [smem:$0x3FAB]  }
0x2a: {  	p0 =	seq.s32 s5, $0x0;
	s5 =	sld [smem:$0x3FAC]  }
0x2b: {  	s6 =	sld [smem:$0x3FAD]  }
0x2c: {  	s7 =	sld [smem:$0x3FAE]  }
0x2d: {  	s3 =	simm.s32 $0x108;
	s8 =	sld [smem:$0x3FAF]  }
0x2e: {  	s3 =	simm.s32 @!p0 $0x1082;
	s9 =	sld [smem:$0x3FB0]  }
0x2f: {  	lr =	sadd.s32 s0, s3;
	s0 =	sld [smem:$0x3FA7]  }
0x30: {  	s3 =	sld [smem:$0x3FAA]  }
0x31: {  	[smem:$0x3FB3] =	sst s10  }
0x32: {  	s10 =	sld [smem:$0x3FB1];
	_ =	sdelay $0x3  }
0x33: {  	p0 =	seq.s32 s10, $0x1;
	s10 =	sld [smem:$0x3FB3];
	_ =	sdelay $0x3  }
0x34: {  	[smem:$0x3FB3] =	sst s10  }
0x35: {  	s10 =	sld [smem:$0x3FB2];
	_ =	sdelay $0x3  }
0x36: {  	p1 =	seq.s32 s10, $0x1;
	s10 =	sld [smem:$0x3FB3];
	_ =	sdelay $0x3  }
0x37: {  	[smem:$0x3FB3] =	sst s10  }
0x38: {  	s10 =	sld [smem:$0x3FB4]  }
0x39: {  	_ = 	snop;
	(pc) =	sbr.ind lr, $3  }
0x3a: {  	_ = 	snop  }
0x3b: {  	_ = 	snop  }
0x3c: {  	p2 =	seq.s32 s10, $0x1;
	s10 =	sld [smem:$0x3FB3]  }
0x3d: {  	_ =	shalt  }
0x3e: {  	_ =	shalt  }
0x3f: {  	_ =	shalt  }
0x40: {  	_ =	shalt  }
0x41: {  	_ =	shalt  }
0x42: {  	_ =	shalt  }
0x43: {  	_ =	shalt  }
0x44: {  	_ =	shalt  }
0x45: {  	_ =	shalt  }
0x46: {  	_ =	shalt  }
0x47: {  	_ =	shalt  }
0x48: {  	_ =	shalt  }
0x49: {  	_ =	shalt  }
0x4a: {  	_ =	shalt  }
0x4b: {  	_ =	shalt  }
0x4c: {  	_ =	shalt  }
0x4d: {  	_ =	shalt  }
0x4e: {  	_ =	shalt  }
0x4f: {  	_ =	shalt  }
0x50: {  	_ =	shalt  }
0x51: {  	_ =	shalt  }
0x52: {  	_ =	shalt  }
0x53: {  	_ =	shalt  }
0x54: {  	_ =	shalt  }
0x55: {  	_ =	shalt  }
0x56: {  	_ =	shalt  }
0x57: {  	_ =	shalt  }
0x58: {  	_ =	shalt  }
0x59: {  	_ =	shalt  }
0x5a: {  	_ =	shalt  }
0x5b: {  	_ =	shalt  }
0x5c: {  	_ =	shalt  }
0x5d: {  	_ =	shalt  }
0x5e: {  	_ =	shalt  }
0x5f: {  	_ =	shalt  }
0x60: {  	_ =	shalt  }
0x61: {  	_ =	shalt  }
0x62: {  	_ =	shalt  }
0x63: {  	_ =	shalt  }
0x64: {  	_ =	shalt  }
0x65: {  	_ =	shalt  }
0x66: {  	_ =	shalt  }
0x67: {  	_ =	shalt  }
0x68: {  	_ =	shalt  }
0x69: {  	_ =	shalt  }
0x6a: {  	_ =	shalt  }
0x6b: {  	_ =	shalt  }
0x6c: {  	_ =	shalt  }
0x6d: {  	_ =	shalt  }
0x6e: {  	_ =	shalt  }
0x6f: {  	_ =	shalt  }
0x70: {  	_ =	shalt  }
0x71: {  	_ =	shalt  }
0x72: {  	_ =	shalt  }
0x73: {  	_ =	shalt  }
0x74: {  	_ =	shalt  }
0x75: {  	_ =	shalt  }
0x76: {  	_ =	shalt  }
0x77: {  	_ =	shalt  }
0x78: {  	_ =	shalt  }
0x79: {  	_ =	shalt  }
0x7a: {  	_ =	shalt  }
0x7b: {  	_ =	shalt  }
0x7c: {  	_ =	shalt  }
0x7d: {  	_ =	shalt  }
0x7e: {  	_ =	shalt  }
0x7f: {  	_ =	shalt  }
0x80: {  	_ =	shalt  }
0x81: {  	_ =	shalt  }
0x82: {  	_ =	shalt  }
0x83: {  	_ =	shalt  }
0x84: {  	_ =	shalt  }
0x85: {  	_ =	shalt  }
0x86: {  	_ =	shalt  }
0x87: {  	_ =	shalt  }
.Lfunc_end0:
.L_simem_size_0:
called_computation_lowered:
.L_overlay_start_0:
0x88: {  	s2 =	sld [smem:$0x3FD9]  }
0x89: {  	s3 =	sld [smem:$0x3FFE];
	_ =	sdelay $0x1  }
0x8a: {  	s1 =	srdreg.scid  }
0x8b: {  	s0 =	sand.u32 $0x1, s1  }
0x8c: {  	s17 =	sshll.u32 s0, $0xA;
	s2 =	sadd.s32 s3, s2  }
0x8d: {  	s2 =	sadd.s32 s2, s17  }
0x8e: {  	[smem:$0x3FBF] =	sst s2  }
0x8f: {  	_ = 	snop  }
0x90: {  	s18 =	sld [smem:$0x3FD0];
	(tm) =	ssettm $0x1  }
0x91: {  	s19 =	sld [smem:$0x3FFB];
	_ =	sdelay $0x3  }
0x92: {  	_ =	strace s19  }
0x93: {  	s2 =	sld [smem:$0x3FFC];
	_ =	sdelay $0x3  }
0x94: {  	_ =	strace s2  }
0x95: {  	s2 =	sld [smem:$0x3FFD];
	_ =	sdelay $0x3  }
0x96: {  	_ =	strace s2  }
0x97: {  	_ =	strace $0x8FFFFFFF  }
0x98: {  	s20 =	sld [smem:$0x3FDB];
	_ =	sdelay $0x1  }
0x99: {  	s4 =	simm.s32 $_scs_section_size  }
0x9a: {  	s5 =	simm.s32 $_size__tile_overlayer_lowered;
	s6 =	simm.s32 $_tile_overlayer_lowered  }
0x9b: {  	s7 =	simm.s32 $0x1BFF;
	s21 =	sshll.u32 s6, $0x1;
	s4 =	sadd.s32 s4, s20  }
0x9c: {  	s22 =	simm.s32 $0x0;
	s5 =	sshll.u32 s5, $0x1;
	s6 =	sadd.s32 s21, s4  }
0x9d: {  	[timem:s22], [sflag:s7] =	dma.local [hbm:s6], s5  }
0x9e: {  	_ =	swait.ge [sflag:s7], s5  }
0x9f: {  	s5 =	ssub.s32 $0x0, s5;
	[sflag:s7] =	ssyncset.done $0x0  }
0xa0: {  	[sflag:s7] =	ssyncadd.s32 s5;
	_ =	sdelay $0x1  }
0xa1: {  	s23 =	simm.s32 $0x1B8B  }
0xa2: {  	_ =	swait.ge [sflag:s23], $0x1  }
0xa3: {  	[sflag:s23] =	ssyncset.done $0x0  }
0xa4: {  	[sflag:s23] =	ssyncadd.s32 $0xFFFFFFFF  }
0xa5: {  	s5 =	sld [smem:$0x0]  }
0xa6: {  	s6 =	sand.u32 $0xFFFFFFFE, s1  }
0xa7: {  	p0 =	sne.s32 s1, s6  }
0xa8: {  	s6 =	sshll.u32 @p0 s6, $0xE  }
0xa9: {  	s6 =	sadd.s32 @p0 $0x11B8D, s6;
	s7 =	sshll.u32 @p0 s5, $0x11  }
0xaa: {  	s6 =	sor.u32 @p0 s7, s6  }
0xab: {  	[sflag:s6] =	ssyncadd.remote.s32 @p0 $0x1;
	_ =	sdelay $0x1  }
0xac: {  	s6 =	simm.s32 @p0 $0x1B8D  }
0xad: {  	_ =	swait.eq @p0 [sflag:s6], $0x1  }
0xae: {  	[sflag:s6] =	ssyncadd.s32 @p0 $0xFFFFFFFF  }
0xaf: {  	s7 =	sshll.u32 @!p0 s1, $0xE  }
0xb0: {  	s7 =	sor.u32 @!p0 $0x4000, s7;
	s6 =	simm.s32 @!p0 $0x1B8D  }
0xb1: {  	s5 =	sshll.u32 @!p0 s5, $0x11;
	s7 =	sadd.s32 @!p0 $0x11B8D, s7;
	_ =	swait.eq @!p0 [sflag:s6], $0x1  }
0xb2: {  	s5 =	sor.u32 @!p0 s5, s7;
	[sflag:s6] =	ssyncadd.s32 @!p0 $0xFFFFFFFF  }
0xb3: {  	s25 =	simm.s32 $0x1B8E;
	s24 =	sld [smem:$0x3FFE];
	[sflag:s5] =	ssyncadd.remote.s32 @!p0 $0x1  }
0xb4: {  	s26 =	simm.s32 $execute0_lowered;
	[smem:$0x3FD2] =	sst s25  }
0xb5: {  	s6 =	sshll.u32 s26, $0x1;
	_ =	strace $0x80000049;
	[dreg:$0x1] =	wrdreg $0xFFFFFFFF  }
0xb6: {  	s28 =	simm.s32 $_size_execute0_lowered;
	s4 =	sadd.s32 s4, s6;
	[dreg:$0x0] =	wrdreg $0x0  }
0xb7: {  	s6 =	sshll.u32 s28, $0x1;
	[dreg:$0x2] =	wrdreg s4  }
0xb8: {  	[dreg:$0x3] =	wrdreg s6  }
0xb9: {  	[dreg:$0x4] =	wrdreg $0xC0  }
0xba: {  	_ =	task [dreg:s22], $0x5FFFF  }
0xbb: {  	[dreg:$0x1] =	wrdreg $0xFFFFFFFF  }
0xbc: {  	[dreg:$0x0] =	wrdreg $0x60  }
0xbd: {  	[dreg:$0x2] =	wrdreg s24  }
0xbe: {  	[dreg:$0x3] =	wrdreg s18  }
0xbf: {  	[dreg:$0x4] =	wrdreg $0x85200  }
0xc0: {  	[dreg:$0x5] =	wrdreg $0x9  }
0xc1: {  	_ =	task.clear_ibuf [dreg:s22], $0x6FFFF;
	_ =	strace $0x90000049  }
0xc2: {  	s29 =	simm.s32 $0x9;
	_ =	strace $0x8000004B  }
0xc3: {  	_ =	swait.ge [sflag:s29], $0x1  }
0xc4: {  	[sflag:s29] =	ssyncadd.s32 $0xFFFFFFFF  }
0xc5: {  	_ =	strace $0x9000004B  }
0xc6: {  	_ =	sfence  }
0xc7: {  	s30 =	sld [smem:$0x0];
	_ =	sdelay $0x2  }
0xc8: {  	s31 =	sshll.u32 s1, $0xD;
	s1 =	sshrl.u32 s1, $0x2  }
0xc9: {  	s4 =	sand.u32 $0x4000, s31;
	s1 =	sadd.s32 s1, s30  }
0xca: {  	s0 =	sor.u32 s4, s0;
	s1 =	sshll.u32 s1, $0x11  }
0xcb: {  	s0 =	sor.u32 s1, s0  }
0xcc: {  	s0 =	sadd.s32 $0x8F2B, s0  }
0xcd: {  	[sflag:s0] =	ssyncadd.remote.s32 $0x1  }
0xce: {  	_ =	sfence.sel $0xFFFF  }
0xcf: {  	[dreg:$0x0] =	wrdreg $0xFFFFFFFF;
	(pc) =	sbr.abs _section_cstart, $3  }
0xd0: {  	[dreg:$0x1] =	wrdreg $0xFFFFFFFF  }
0xd1: {  	_ =	task.clear_ibuf [dreg:s22], $0x2FFFF;
	_ =	strace $0x9FFFFFFF  }
0xd2: {  	(tm) =	ssettm $0x7FFFFFFF  }
0xd3: {  	_ =	shalt  }
tec
execute0_lowered:
.L_overlay_start_1:
0x0: {  	(tag) =	ssettag $0x1  }
0x1: {  	s0 =	rddreg [dreg:$0x0]  }
0x2: {  	s1 =	rddreg [dreg:$0x1]  }
0x3: {  	s31 =	rddreg [dreg:$0x2];
	s2 =	simm.s32 $0x0  }
0x4: {  	s3 =	srdreg.scid;
	s16 =	stileid.u32;
	s30 =	simm.s32 $0x78  }
0x5: {  	[smem:$0x7FF] =	sst s2;
	s3 =	sand.u32 $0x1, s3;
	s12 =	smul.u32 $0x271, s16  }
0x6: {  	s4 =	sadd.s32 $0xCE00, s0;
	s5 =	sadd.s32 $0x3000, s0;
	s13 =	smul.u32 $0x4E200, s16  }
0x7: {  	s25 =	smul.u32 $0x2710, s16;
	_ =	strace $0x8000004A;
	s6 =	sshll.u32 s3, $0x4  }
0x8: {  	s8 =	ssub.s32 $0x2, s3;
	p0 =	seq.s32 s3, $0x0;
	s7 =	sor.u32 s16, s6  }
0x9: {  	s6 =	sadd.s32 $0x16C00, s0;
	s10 =	sshrl.u32 s8, $0x1;
	s18 =	sadd.s32 $0x7D, s12  }
0xa: {  	s20 =	sshrl.u32 s13, $0x2;
	s22 =	sadd.s32 $0xFA, s12;
	s23 =	sadd.s32 $0x177, s12  }
0xb: {  	s12 =	sadd.s32 $0x1F4, s12;
	s13 =	simm.s32 $0x46A0;
	s16 =	simm.s32 $0x0  }
0xc: {  	s9 =	smul.u32 $0x2710, s7;
	s7 =	sadd.s32 $0x64E00, s0;
	s0 =	sadd.s32 $0x78E00, s0  }
0xd: {  	s8 =	ssub.s32 s8, s10;
	s21 =	sshll.u32 s18, $0x7;
	s24 =	sshll.u32 s22, $0x7  }
0xe: {  	s14 =	sshll.u32 s23, $0x7;
	s3 =	sshll.u32 s22, $0x4;
	s8 =	smax.u32 s8, $0x1  }
0xf: {  	s19 =	sadd.s32 s24, s31;
	s14 =	sadd.s32 s14, s31;
	[dreg:$0x7] =	wrdreg s8  }
0x10: {  	s0 =	smov.u32 @p0 s1;
	s24 =	simm.s32 $0x5;
	[dreg:$0xa] =	wrdreg s19  }
0x11: {  	s15 =	sshrl.u32 s9, $0x3;
	s17 =	sadd.s32 $0x28, s9;
	[dreg:$0xb] =	wrdreg s14  }
0x12: {  	s8 =	sshll.u32 s23, $0x4;
	s1 =	sadd.s32 s0, s25;
	[dreg:$0x6] =	wrdreg s17  }
0x13: {  	s28 =	sadd.s32 s0, s3;
	s25 =	simm.s32 $0x50;
	[dreg:$0xd] =	wrdreg s1  }
0x14: {  	s3 =	simm.s32 $0x1;
	s11 =	sadd.s32 s4, s15;
	[dreg:$0xf] =	wrdreg s28  }
0x15: {  	s10 =	sadd.s32 s5, s15;
	s17 =	sadd.s32 s21, s31;
	[dreg:$0x4] =	wrdreg s11  }
0x16: {  	s15 =	sshll.u32 s12, $0x7;
	s29 =	sadd.s32 s0, s8;
	[dreg:$0x5] =	wrdreg s10  }
0x17: {  	s12 =	sshll.u32 s12, $0x4;
	s8 =	simm.s32 $0x3;
	[dreg:$0x10] =	wrdreg s29  }
0x18: {  	s11 =	sadd.s32 $0x50, s9;
	s10 =	sadd.s32 s20, s31;
	[dreg:$0x9] =	wrdreg s17  }
0x19: {  	s15 =	sadd.s32 s15, s31;
	s9 =	sshll.u32 s18, $0x4;
	[dreg:$0x8] =	wrdreg s10  }
0x1a: {  	s18 =	simm.s32 $0x4;
	s26 =	sadd.s32 s0, s9;
	[dreg:$0xc] =	wrdreg s15  }
0x1b: {  	s0 =	sadd.s32 s0, s12;
	s9 =	simm.s32 $0x32A0;
	[dreg:$0xe] =	wrdreg s26  }
0x1c: {  	v0 =	vimm.f32 $0.0e+00;
	s12 =	simm.s32 $0x2;
	[dreg:$0x11] =	wrdreg s0;
	s26 =	simm.s32 $0x28  }
.LBB2_1:
0x1d: {  	s0 =	simm.s32 $0x0;
	s1 =	simm.s32 $0x200  }
.LBB2_2:
0x1e: {  	p1 =	sne.s32 s1, $0xF800;
	[tilespmem:s0+$0x4710] =	vst v0  }
0x1f: {  	[tilespmem:s0+$0x46A0] =	vst v0  }
0x20: {  	[tilespmem:s0+$0x46B0] =	vst v0  }
.Ltmp0:
0x21: {  	[tilespmem:s0+$0x46C0] =	vst v0;
	(pc) =	sbr.rel @p1 .LBB2_2-.Ltmp0, $4  }
0x22: {  	[tilespmem:s0+$0x46D0] =	vst v0  }
0x23: {  	[tilespmem:s0+$0x46E0] =	vst v0  }
0x24: {  	[tilespmem:s0+$0x46F0] =	vst v0  }
0x25: {  	[tilespmem:s0+$0x4700] =	vst v0;
	s0 =	sshra.s32 s1, $0x2;
	s1 =	sadd.s32 $0x200, s1  }
0x26: {  	[tilespmem:s0+$0x4710] =	vst v0  }
0x27: {  	[tilespmem:s0+$0x46A0] =	vst v0  }
0x28: {  	[tilespmem:s0+$0x46B0] =	vst v0  }
0x29: {  	[tilespmem:s0+$0x46C0] =	vst v0  }
0x2a: {  	[tilespmem:s0+$0x46D0] =	vst v0  }
0x2b: {  	[tilespmem:s0+$0x46E0] =	vst v0  }
0x2c: {  	[tilespmem:s0+$0x46F0] =	vst v0  }
0x2d: {  	[dreg:$0x12] =	wrdreg s16;
	[tilespmem:s0+$0x4700] =	vst v0  }
0x2e: {  	[spmem:s10] =	stream.linear.scatter [tilespmem:s13], [sflag:$0x5], $0x3E80, $0x38;
	[tilespmem:$0x1BDA0] =	vst v63  }
0x2f: {  	_ =	swait.ge [sflag:s24], $0x3E80  }
0x30: {  	[sflag:s24] =	ssyncset.done $0x0  }
0x31: {  	[sflag:s24] =	ssyncadd.s32 $0xFFFFC180  }
0x32: {  	[spmem:s17] =	stream.linear.scatter [tilespmem:s13], [sflag:$0x5], $0x3E80, $0x38;
	[tilespmem:$0x1BDA0] =	vst v63  }
0x33: {  	_ =	swait.ge [sflag:s24], $0x3E80  }
0x34: {  	[sflag:s24] =	ssyncset.done $0x0  }
0x35: {  	[sflag:s24] =	ssyncadd.s32 $0xFFFFC180  }
0x36: {  	[spmem:s19] =	stream.linear.scatter [tilespmem:s13], [sflag:$0x5], $0x3E80, $0x38;
	[tilespmem:$0x1BDA0] =	vst v63  }
0x37: {  	_ =	swait.ge [sflag:s24], $0x3E80  }
0x38: {  	[sflag:s24] =	ssyncset.done $0x0  }
0x39: {  	[sflag:s24] =	ssyncadd.s32 $0xFFFFC180  }
0x3a: {  	[spmem:s14] =	stream.linear.scatter [tilespmem:s13], [sflag:$0x5], $0x3E80, $0x38;
	[tilespmem:$0x1BDA0] =	vst v63  }
0x3b: {  	_ =	swait.ge [sflag:s24], $0x3E80  }
0x3c: {  	[sflag:s24] =	ssyncset.done $0x0  }
0x3d: {  	[sflag:s24] =	ssyncadd.s32 $0xFFFFC180  }
0x3e: {  	[spmem:s15] =	stream.linear.scatter [tilespmem:s13], [sflag:$0x5], $0x3E80, $0x38;
	[tilespmem:$0x1BDA0] =	vst v63  }
0x3f: {  	_ =	swait.ge [sflag:s24], $0x3E80  }
0x40: {  	[sflag:s24] =	ssyncset.done $0x0  }
0x41: {  	[sflag:s24] =	ssyncadd.s32 $0xFFFFC180  }
0x42: {  	[bflag:$0x0] =	sbarrier.arrive $0xFFFF  }
0x43: {  	s21 =	simm.s32 $0x0;
	s22 =	rddreg [dreg:$0x4]  }
0x44: {  	[tilespmem:s21], [sflag:$0x5] =	stream.linear.gather [hbm4b:s22+s21], $0x28, $0x38;
	[tilespmem:$0x1BDA0] =	vst v63  }
0x45: {  	_ =	swait.ge [sflag:s24], $0x28  }
0x46: {  	[sflag:s24] =	ssyncset.done $0x0  }
0x47: {  	s23 =	rddreg [dreg:$0x5];
	[sflag:s24] =	ssyncadd.s32 $0xFFFFFFD8  }
0x48: {  	[tilespmem:s25], [sflag:$0x5] =	stream.linear.gather [hbm4b:s23+s21], $0x28, $0x38;
	[tilespmem:$0x1BDA0] =	vst v63  }
0x49: {  	_ =	swait.ge [sflag:s24], $0x28  }
0x4a: {  	[sflag:s24] =	ssyncset.done $0x0  }
0x4b: {  	s28 =	simm.s32 $0xA0;
	[sflag:s24] =	ssyncadd.s32 $0xFFFFFFD8  }
0x4c: {  	[tilespmem:s28], [sflag:$0x1] =	stream.indirect.gather [hbm4b:s6+s26], $0x90, s21, s26, $0xb8;
	[tilespmem:$0x1BDA0] =	vst v63  }
0x4d: {  	s29 =	simm.s32 $0x2DA0  }
0x4e: {  	[tilespmem:s29], [sflag:$0x3] =	stream.indirect.gather [hbm4b:s7+s26], $0x10, s25, s26, $0xb8;
	[tilespmem:$0x1BDA0] =	vst v63  }
.LBB2_4:
0x4f: {  	s22 =	smul.u32 $0x50, s21  }
0x50: {  	s0 =	rddreg [dreg:$0x6]  }
0x51: {  	s0 =	sadd.s32 s22, s0  }
0x52: {  	s0 =	sshrl.u32 s0, $0x3  }
0x53: {  	s1 =	sadd.s32 s4, s0  }
0x54: {  	[tilespmem:s26], [sflag:$0x5] =	stream.linear.gather [hbm4b:s1+s2], $0x28, $0x38;
	[tilespmem:$0x1BDA0] =	vst v63  }
0x55: {  	_ =	swait.ge [sflag:s24], $0x28  }
0x56: {  	[sflag:s24] =	ssyncset.done $0x0  }
0x57: {  	s0 =	sadd.s32 s5, s0;
	[sflag:s24] =	ssyncadd.s32 $0xFFFFFFD8  }
0x58: {  	[tilespmem:s30], [sflag:$0x5] =	stream.linear.gather [hbm4b:s0+s2], $0x28, $0x38;
	[tilespmem:$0x1BDA0] =	vst v63  }
0x59: {  	_ =	swait.ge [sflag:s24], $0x28  }
0x5a: {  	[sflag:s24] =	ssyncset.done $0x0  }
0x5b: {  	s13 =	simm.s32 $0x1720;
	[sflag:s24] =	ssyncadd.s32 $0xFFFFFFD8  }
0x5c: {  	[tilespmem:s13], [sflag:$0x2] =	stream.indirect.gather [hbm4b:s6+s26], $0x90, s26, s26, $0xb8;
	[tilespmem:$0x1BDA0] =	vst v63  }
0x5d: {  	s14 =	simm.s32 $0x3020  }
0x5e: {  	[tilespmem:s14], [sflag:$0x4] =	stream.indirect.gather [hbm4b:s7+s26], $0x10, s30, s26, $0xb8;
	[tilespmem:$0x1BDA0] =	vst v63  }
0x5f: {  	_ =	swait.ge [sflag:s3], $0x1680  }
0x60: {  	[sflag:s3] =	ssyncset.done $0x0  }
0x61: {  	[sflag:s3] =	ssyncadd.s32 $0xFFFFE980  }
0x62: {  	_ =	swait.ge [sflag:s8], $0x280  }
0x63: {  	[sflag:s8] =	ssyncset.done $0x0  }
0x64: {  	s23 =	simm.s32 $0x1C0;
	[sflag:s8] =	ssyncadd.s32 $0xFFFFFD80  }
0x65: {  	s15 =	simm.s32 $0x2DC0;
	v1 =	vld [tilespmem:s23+$0x110]  }
0x66: {  	v2 =	vld [tilespmem:s15+$0x10];
	_ =	sdelay $0x4  }
0x67: {  	v1 =	vadd.f32 v2, v1;
	_ =	sdelay $0x1  }
0x68: {  	v2 =	vmul.f32 $2.000000030e-01, v1  }
0x69: {  	vm0 =	vgt.f32 v1, $0.0e+00  }
0x6a: {  	v1 =	vsel vm0, v1, v2  }
0x6b: {  	v1 =	vmul.f32 $1.442695020e+00, v1  }
0x6c: {  	v2 =	vld [tilespmem:s23+$0xFFFFFFF0]  }
0x6d: {  	(erf) = vpow2.f32 v1;
	v1 =	vld [tilespmem:s15+$0xFFFFFFF0];
	_ =	sdelay $0x4  }
0x6e: {  	v3 =	vld [tilespmem:s23+$0x90];
	v1 =	vadd.f32 v1, v2  }
0x6f: {  	v6 =	vld [tilespmem:s23+$0x80]  }
0x70: {  	v7 =	vld [tilespmem:s15+$0x0];
	v5 =	vmul.f32 $2.000000030e-01, v1  }
0x71: {  	vm10 =	vgt.f32 v1, $0.0e+00  }
0x72: {  	v2 =	vpop (erf);
	v1 =	vsel vm10, v1, v5  }
0x73: {  	v4 =	vld [tilespmem:s15+$0xFFFFFFE0];
	v5 =	vbroadcast v2, $0x0;
	v1 =	vmul.f32 $1.442695020e+00, v1  }
0x74: {  	v8 =	vld [tilespmem:s23+$0xFFFFFF60]  }
0x75: {  	v3 =	vmul.f32 v5, v3;
	(erf) = vpow2.f32 v1;
	v1 =	vadd.f32 v7, v6  }
0x76: {  	s14 =	simm.s32 $0x33A0  }
0x77: {  	[tilespmem:s14+$0x80] =	vst v3;
	v5 =	vmul.f32 $2.000000030e-01, v1  }
0x78: {  	vm11 =	vgt.f32 v1, $0.0e+00;
	v3 =	vld [tilespmem:s23+$0xA0]  }
0x79: {  	v4 =	vadd.f32 v4, v8;
	v1 =	vsel vm11, v1, v5  }
0x7a: {  	v1 =	vmul.f32 $1.442695020e+00, v1  }
0x7b: {  	v6 =	vmul.f32 $2.000000030e-01, v4;
	v7 =	vbroadcast v2, $0x1  }
0x7c: {  	vm1 =	vgt.f32 v4, $0.0e+00;
	v5 =	vld [tilespmem:s23+$0xFFFFFF70]  }
0x7d: {  	v4 =	vsel vm1, v4, v6;
	v3 =	vmul.f32 v7, v3  }
0x7e: {  	s13 =	simm.s32 $0x400;
	v4 =	vmul.f32 $1.442695020e+00, v4;
	(erf) = vpow2.f32 v1;
	v1 =	vpop (erf)  }
0x7f: {  	v6 =	vld [tilespmem:s13+$0x110];
	[tilespmem:s14+$0x90] =	vst v3;
	v3 =	vbroadcast v1, $0x0  }
0x80: {  	s16 =	simm.s32 $0x2E00;
	(erf) = vpow2.f32 v4;
	v4 =	vld [tilespmem:s23+$0xB0]  }
0x81: {  	v3 =	vmul.f32 v3, v5;
	v5 =	vld [tilespmem:s16+$0x10]  }
0x82: {  	v11 =	vld [tilespmem:s13+$0xFFFFFFF0]  }
0x83: {  	v20 =	vld [tilespmem:s13+$0x80];
	[tilespmem:s14+$0xFFFFFF80] =	vst v3;
	v3 =	vbroadcast v2, $0x2  }
0x84: {  	v8 =	vld [tilespmem:s23+$0x0];
	v31 =	vbroadcast v2, $0x6  }
0x85: {  	v7 =	vld [tilespmem:s23+$0xFFFFFEE0];
	v10 =	vbroadcast v1, $0x1;
	v3 =	vmul.f32 v3, v4  }
0x86: {  	v17 =	vbroadcast v1, $0x3;
	v25 =	vbroadcast v1, $0x4;
	v9 =	vld [tilespmem:s23+$0xFFFFFF80];
	v5 =	vadd.f32 v5, v6  }
0x87: {  	v27 =	vbroadcast v1, $0x7;
	v18 =	vpop (erf);
	v6 =	vbroadcast v1, $0x2;
	[tilespmem:s14+$0xA0] =	vst v3;
	v3 =	vld [tilespmem:s16+$0xFFFFFFF0]  }
0x88: {  	v4 =	vld [tilespmem:s16+$0xFFFFFFE0];
	v12 =	vbroadcast v18, $0x0;
	v14 =	vmul.f32 $2.000000030e-01, v5  }
0x89: {  	v19 =	vpop (erf);
	v15 =	vbroadcast v18, $0x1;
	v23 =	vbroadcast v18, $0x2;
	v13 =	vld [tilespmem:s23+$0xC0];
	vm12 =	vgt.f32 v5, $0.0e+00  }
0x8a: {  	v16 =	vbroadcast v19, $0x0;
	v8 =	vmul.f32 v12, v8;
	v12 =	vld [tilespmem:s16+$0x0];
	v5 =	vsel vm12, v5, v14  }
0x8b: {  	v21 =	vbroadcast v19, $0x1;
	v14 =	vld [tilespmem:s13+$0xFFFFFF60];
	v5 =	vmul.f32 $1.442695020e+00, v5  }
0x8c: {  	v7 =	vmul.f32 v16, v7;
	[tilespmem:s14+$0x0] =	vst v8;
	v8 =	vbroadcast v2, $0x3;
	v3 =	vadd.f32 v3, v11  }
0x8d: {  	v22 =	vbroadcast v19, $0x2;
	v11 =	vld [tilespmem:s23+$0x10];
	(erf) = vpow2.f32 v5  }
0x8e: {  	[tilespmem:s14+$0xFFFFFF00] =	vst v7;
	v5 =	vmul.f32 v13, v8;
	v8 =	vmul.f32 $2.000000030e-01, v3  }
0x8f: {  	v24 =	vbroadcast v19, $0x3;
	v7 =	vadd.f32 v12, v20;
	v12 =	vld [tilespmem:s23+$0xFFFFFEF0];
	vm13 =	vgt.f32 v3, $0.0e+00  }
0x90: {  	v9 =	vmul.f32 v10, v9;
	[tilespmem:s14+$0xB0] =	vst v5;
	v4 =	vadd.f32 v4, v14;
	v3 =	vsel vm13, v3, v8  }
0x91: {  	s17 =	simm.s32 $0x2E40;
	vm14 =	vgt.f32 v7, $0.0e+00;
	v5 =	vld [tilespmem:s23+$0xD0];
	v8 =	vmul.f32 $2.000000030e-01, v7;
	v3 =	vmul.f32 $1.442695020e+00, v3  }
0x92: {  	v36 =	vld [tilespmem:s17+$0x10];
	v10 =	vmul.f32 v15, v11;
	v11 =	vmul.f32 $2.000000030e-01, v4;
	vm15 =	vgt.f32 v4, $0.0e+00  }
0x93: {  	v39 =	vld [tilespmem:s17+$0xFFFFFFF0];
	v7 =	vsel vm14, v7, v8;
	(erf) = vpow2.f32 v3;
	v3 =	vbroadcast v2, $0x4  }
0x94: {  	v8 =	vld [tilespmem:s13+$0x90];
	v4 =	vsel vm15, v4, v11;
	v7 =	vmul.f32 $1.442695020e+00, v7;
	v11 =	vmul.f32 v21, v12;
	[tilespmem:s14+$0x10] =	vst v10  }
0x95: {  	v28 =	vbroadcast v19, $0x7;
	[tilespmem:s14+$0xFFFFFF90] =	vst v9;
	v4 =	vmul.f32 $1.442695020e+00, v4;
	v14 =	vld [tilespmem:s23+$0x20]  }
0x96: {  	v3 =	vmul.f32 v5, v3;
	(erf) = vpow2.f32 v7;
	v5 =	vld [tilespmem:s23+$0xFFFFFF90];
	[tilespmem:s14+$0xFFFFFF10] =	vst v11;
	v9 =	vpop (erf)  }
0x97: {  	(erf) = vpow2.f32 v4;
	v10 =	vld [tilespmem:s23+$0xFFFFFF00];
	v4 =	vbroadcast v9, $0x0  }
0x98: {  	v41 =	vld [tilespmem:s17+$0xFFFFFFE0];
	v16 =	vbroadcast v19, $0x6;
	v20 =	vbroadcast v18, $0x3;
	[tilespmem:s14+$0xC0] =	vst v3  }
0x99: {  	v13 =	vbroadcast v18, $0x4;
	v3 =	vmul.f32 v4, v8;
	v4 =	vld [tilespmem:s23+$0xE0]  }
0x9a: {  	s15 =	simm.s32 $0x35A0;
	v15 =	vld [tilespmem:s13+$0xFFFFFF70];
	v12 =	vbroadcast v19, $0x4;
	v23 =	vmul.f32 v23, v14  }
0x9b: {  	v21 =	vld [tilespmem:s13+$0x0];
	v7 =	vbroadcast v19, $0x5;
	v5 =	vmul.f32 v6, v5;
	[tilespmem:s15+$0x80] =	vst v3  }
0x9c: {  	v10 =	vmul.f32 v22, v10;
	v22 =	vbroadcast v2, $0x5;
	[tilespmem:s14+$0x20] =	vst v23;
	v6 =	vld [tilespmem:s13+$0xA0]  }
0x9d: {  	v11 =	vbroadcast v1, $0x5;
	v43 =	vbroadcast v9, $0x3;
	[tilespmem:s14+$0xFFFFFFA0] =	vst v5;
	v32 =	vld [tilespmem:s23+$0x30]  }
0x9e: {  	v51 =	vbroadcast v9, $0x5;
	v3 =	vpop (erf);
	v29 =	vld [tilespmem:s23+$0xFFFFFFA0];
	[tilespmem:s14+$0xFFFFFF20] =	vst v10;
	v10 =	vmul.f32 v4, v22  }
0x9f: {  	v8 =	vbroadcast v18, $0x5;
	v5 =	vld [tilespmem:s13+$0xFFFFFEE0];
	v26 =	vbroadcast v3, $0x0  }
0xa0: {  	v2 =	vbroadcast v2, $0x7;
	v14 =	vpop (erf);
	v22 =	vbroadcast v9, $0x1;
	v23 =	vld [tilespmem:s23+$0xFFFFFF10];
	[tilespmem:s14+$0xD0] =	vst v10  }
0xa1: {  	v15 =	vmul.f32 v26, v15;
	v26 =	vbroadcast v14, $0x0;
	v30 =	vld [tilespmem:s23+$0xF0]  }
0xa2: {  	s16 =	simm.s32 $0x640;
	v4 =	vpop (erf);
	v22 =	vmul.f32 v22, v6;
	v60 =	vmul.f32 v32, v20;
	v20 =	vld [tilespmem:s17+$0x0]  }
0xa3: {  	v10 =	vbroadcast v4, $0x0;
	[tilespmem:s15+$0xFFFFFF80] =	vst v15;
	v17 =	vmul.f32 v29, v17;
	v29 =	vld [tilespmem:s16+$0x110]  }
0xa4: {  	v19 =	vbroadcast v3, $0x2;
	v21 =	vmul.f32 v26, v21;
	v26 =	vld [tilespmem:s13+$0xFFFFFF80];
	[tilespmem:s15+$0x90] =	vst v22  }
0xa5: {  	v33 =	vbroadcast v3, $0x3;
	v5 =	vmul.f32 v10, v5;
	v10 =	vld [tilespmem:s13+$0xB0]  }
0xa6: {  	v34 =	vbroadcast v14, $0x1;
	v24 =	vmul.f32 v23, v24;
	v23 =	vld [tilespmem:s16+$0x80];
	[tilespmem:s15+$0x0] =	vst v21  }
0xa7: {  	v38 =	vbroadcast v14, $0x2;
	v35 =	vbroadcast v4, $0x1;
	[tilespmem:s14+$0xFFFFFFB0] =	vst v17;
	v17 =	vld [tilespmem:s16+$0xFFFFFF60]  }
0xa8: {  	v37 =	vbroadcast v4, $0x2;
	[tilespmem:s15+$0xFFFFFF00] =	vst v5;
	v21 =	vbroadcast v9, $0x2;
	v5 =	vld [tilespmem:s13+$0x10]  }
0xa9: {  	v6 =	vbroadcast v1, $0x6;
	v1 =	vbroadcast v18, $0x7;
	v22 =	vld [tilespmem:s13+$0xFFFFFEF0]  }
0xaa: {  	v32 =	vbroadcast v3, $0x4;
	v10 =	vmul.f32 v21, v10;
	v21 =	vld [tilespmem:s16+$0xFFFFFFF0]  }
0xab: {  	v15 =	vbroadcast v18, $0x6;
	v18 =	vbroadcast v3, $0x1;
	[tilespmem:s14+$0x30] =	vst v60;
	v44 =	vld [tilespmem:s23+$0xFFFFFFB0]  }
0xac: {  	v60 =	vbroadcast v9, $0x6;
	v40 =	vmul.f32 v30, v31;
	v29 =	vadd.f32 v36, v29;
	[tilespmem:s15+$0xA0] =	vst v10  }
0xad: {  	[tilespmem:s14+$0xFFFFFF30] =	vst v24;
	v30 =	vbroadcast v4, $0x3;
	v18 =	vmul.f32 v18, v26;
	v26 =	vld [tilespmem:s13+$0xC0]  }
0xae: {  	v31 =	vbroadcast v14, $0x3;
	v49 =	vld [tilespmem:s23+$0xFFFFFF20];
	v20 =	vadd.f32 v20, v23;
	v42 =	vmul.f32 $2.000000030e-01, v29  }
0xaf: {  	[tilespmem:s14+$0xE0] =	vst v40;
	vm4 =	vgt.f32 v29, $0.0e+00;
	v22 =	vmul.f32 v35, v22;
	v39 =	vadd.f32 v39, v21  }
0xb0: {  	v5 =	vmul.f32 v34, v5;
	[tilespmem:s15+$0xFFFFFF90] =	vst v18;
	v18 =	vadd.f32 v41, v17;
	v25 =	vmul.f32 v44, v25  }
0xb1: {  	v62 =	vld [tilespmem:s23+$0x100];
	v10 =	vbroadcast v4, $0x4;
	v29 =	vsel vm4, v29, v42;
	[tilespmem:s15+$0xFFFFFF10] =	vst v22;
	v61 =	vmul.f32 $2.000000030e-01, v39  }
0xb2: {  	v29 =	vmul.f32 $1.442695020e+00, v29;
	[tilespmem:s15+$0x10] =	vst v5;
	v5 =	vld [tilespmem:s13+$0xFFFFFF00];
	vm5 =	vgt.f32 v39, $0.0e+00;
	v26 =	vmul.f32 v26, v43  }
0xb3: {  	v12 =	vmul.f32 v49, v12;
	v44 =	vmul.f32 $2.000000030e-01, v18;
	v47 =	vld [tilespmem:s13+$0x20];
	v23 =	vsel vm5, v39, v61  }
0xb4: {  	vm7 =	vgt.f32 v18, $0.0e+00;
	(erf) = vpow2.f32 v29;
	[tilespmem:s15+$0xB0] =	vst v26;
	v17 =	vmul.f32 $1.442695020e+00, v23;
	v23 =	vld [tilespmem:s13+$0xFFFFFF90]  }
0xb5: {  	[tilespmem:s14+$0xFFFFFFC0] =	vst v25;
	v21 =	vbroadcast v14, $0x4;
	v29 =	vmul.f32 $2.000000030e-01, v20;
	v18 =	vsel vm7, v18, v44;
	v26 =	vld [tilespmem:s13+$0xD0]  }
0xb6: {  	vm6 =	vgt.f32 v20, $0.0e+00;
	v52 =	vld [tilespmem:s23+$0xFFFFFFC0];
	[tilespmem:s14+$0xFFFFFF40] =	vst v12;
	v22 =	vmul.f32 $1.442695020e+00, v18;
	v18 =	vmul.f32 v62, v2  }
0xb7: {  	v40 =	vld [tilespmem:s23+$0xFFFFFF30];
	v20 =	vsel vm6, v20, v29;
	v29 =	vbroadcast v9, $0x4;
	(erf) = vpow2.f32 v17  }
0xb8: {  	v63 =	vld [tilespmem:s16+$0xFFFFFEE0];
	v9 =	vbroadcast v9, $0x7;
	v20 =	vmul.f32 $1.442695020e+00, v20  }
0xb9: {  	v45 =	vld [tilespmem:s16+$0xFFFFFF70];
	v5 =	vmul.f32 v37, v5;
	v19 =	vmul.f32 v19, v23  }
0xba: {  	v46 =	vld [tilespmem:s16+$0x0];
	(erf) = vpow2.f32 v20;
	v26 =	vmul.f32 v26, v29  }
0xbb: {  	s20 =	simm.s32 $0x880;
	v2 =	vld [tilespmem:s16+$0x90];
	v34 =	vmul.f32 v38, v47;
	[tilespmem:s15+$0xFFFFFF20] =	vst v5;
	(erf) = vpow2.f32 v22  }
0xbc: {  	v35 =	vld [tilespmem:s20+$0xFFFFFF60];
	v62 =	vmul.f32 v52, v11;
	v40 =	vmul.f32 v40, v7;
	[tilespmem:s15+$0xC0] =	vst v26  }
0xbd: {  	v5 =	vbroadcast v14, $0x6;
	v17 =	vbroadcast v4, $0x5;
	[tilespmem:s15+$0xFFFFFFA0] =	vst v19;
	v26 =	vld [tilespmem:s13+$0xE0];
	v19 =	vpop (erf)  }
0xbe: {  	[tilespmem:s15+$0x20] =	vst v34;
	v54 =	vld [tilespmem:s13+$0xFFFFFF10];
	v20 =	vbroadcast v14, $0x5;
	v50 =	vbroadcast v19, $0x0  }
0xbf: {  	v55 =	vld [tilespmem:s13+$0x30];
	v22 =	vbroadcast v3, $0x6;
	v23 =	vbroadcast v3, $0x5  }
0xc0: {  	v25 =	vld [tilespmem:s23+$0x40];
	v3 =	vbroadcast v3, $0x7;
	v24 =	vpop (erf);
	v2 =	vmul.f32 v50, v2  }
0xc1: {  	s19 =	simm.s32 $0x2E80;
	s17 =	simm.s32 $0x37A0;
	v49 =	vld [tilespmem:s20+$0x110];
	v29 =	vbroadcast v4, $0x6;
	v53 =	vbroadcast v24, $0x0  }
0xc2: {  	v52 =	vld [tilespmem:s19+$0xFFFFFFF0];
	v4 =	vbroadcast v4, $0x7;
	v26 =	vmul.f32 v26, v51;
	[tilespmem:s17+$0x80] =	vst v2  }
0xc3: {  	v43 =	vmul.f32 v54, v30;
	v34 =	vpop (erf);
	v2 =	vmul.f32 v53, v45;
	v57 =	vld [tilespmem:s16+$0xA0]  }
0xc4: {  	v38 =	vmul.f32 v55, v31;
	v48 =	vld [tilespmem:s13+$0xFFFFFFA0];
	v37 =	vpop (erf);
	[tilespmem:s15+$0xD0] =	vst v26;
	v26 =	vbroadcast v34, $0x0  }
0xc5: {  	[tilespmem:s17+$0xFFFFFF80] =	vst v2;
	v2 =	vmul.f32 v25, v13;
	v13 =	vbroadcast v37, $0x0;
	v58 =	vld [tilespmem:s13+$0xF0]  }
0xc6: {  	v55 =	vld [tilespmem:s20+$0x80];
	v59 =	vbroadcast v19, $0x1;
	v26 =	vmul.f32 v26, v46  }
0xc7: {  	v61 =	vbroadcast v24, $0x1;
	v50 =	vld [tilespmem:s19+$0x10];
	[tilespmem:s14+$0x40] =	vst v2;
	v13 =	vmul.f32 v13, v63  }
0xc8: {  	v42 =	vbroadcast v24, $0x3;
	v25 =	vld [tilespmem:s16+$0xFFFFFF80];
	[tilespmem:s17+$0x0] =	vst v26;
	v26 =	vmul.f32 v59, v57  }
0xc9: {  	v36 =	vbroadcast v24, $0x4;
	v33 =	vmul.f32 v48, v33;
	v51 =	vld [tilespmem:s20+$0xFFFFFFF0];
	[tilespmem:s17+$0xFFFFFF00] =	vst v13  }
0xca: {  	v2 =	vbroadcast v14, $0x7;
	v13 =	vld [tilespmem:s16+$0x10];
	v14 =	vmul.f32 v58, v60;
	[tilespmem:s17+$0x90] =	vst v26  }
0xcb: {  	v47 =	vbroadcast v34, $0x2;
	v31 =	vbroadcast v34, $0x4;
	[tilespmem:s15+$0xFFFFFFB0] =	vst v33;
	v56 =	vld [tilespmem:s16+$0xB0]  }
0xcc: {  	v30 =	vbroadcast v37, $0x4;
	v7 =	vbroadcast v37, $0x6;
	v12 =	vld [tilespmem:s13+$0xFFFFFFB0];
	[tilespmem:s15+$0xE0] =	vst v14  }
0xcd: {  	v63 =	vbroadcast v24, $0x2;
	v25 =	vmul.f32 v61, v25;
	v45 =	vld [tilespmem:s13+$0x100]  }
0xce: {  	v41 =	vld [tilespmem:s23+$0x50];
	v58 =	vbroadcast v19, $0x2;
	v14 =	vbroadcast v34, $0x1  }
0xcf: {  	v49 =	vadd.f32 v50, v49;
	v46 =	vbroadcast v37, $0x2;
	v57 =	vbroadcast v37, $0x1;
	v11 =	vld [tilespmem:s16+$0xFFFFFEF0]  }
0xd0: {  	[tilespmem:s17+$0xFFFFFF90] =	vst v25;
	v13 =	vmul.f32 v14, v13;
	v14 =	vld [tilespmem:s19+$0xFFFFFFE0];
	v33 =	vmul.f32 v58, v56  }
0xd1: {  	v51 =	vadd.f32 v52, v51;
	v59 =	vmul.f32 $2.000000030e-01, v49;
	v54 =	vmul.f32 v12, v32;
	v48 =	vld [tilespmem:s16+$0xFFFFFF90]  }
0xd2: {  	vm8 =	vgt.f32 v49, $0.0e+00;
	v32 =	vbroadcast v24, $0x5;
	[tilespmem:s17+$0xA0] =	vst v33;
	v33 =	vmul.f32 v45, v9;
	v9 =	vld [tilespmem:s19+$0x0]  }
0xd3: {  	[tilespmem:s14+$0xFFFFFFD0] =	vst v62;
	v12 =	vbroadcast v34, $0x5;
	v62 =	vmul.f32 $2.000000030e-01, v51;
	vm9 =	vgt.f32 v51, $0.0e+00;
	v53 =	vld [tilespmem:s16+$0xC0]  }
0xd4: {  	v52 =	vld [tilespmem:s23+$0xFFFFFFD0];
	v26 =	vbroadcast v34, $0x3;
	[tilespmem:s15+$0xFFFFFFC0] =	vst v54;
	v44 =	vmul.f32 v57, v11;
	v45 =	vsel vm8, v49, v59  }
0xd5: {  	[tilespmem:s14+$0xFFFFFF50] =	vst v40;
	v60 =	vbroadcast v19, $0x3;
	v54 =	vld [tilespmem:s13+$0xFFFFFFC0];
	v45 =	vmul.f32 $1.442695020e+00, v45;
	v14 =	vadd.f32 v14, v35  }
0xd6: {  	v25 =	vbroadcast v37, $0x3;
	v56 =	vld [tilespmem:s20+$0x0];
	[tilespmem:s17+$0xFFFFFF10] =	vst v44;
	v39 =	vmul.f32 v63, v48;
	v63 =	vsel vm9, v51, v62  }
0xd7: {  	[tilespmem:s17+$0x10] =	vst v13;
	v57 =	vld [tilespmem:s16+$0xFFFFFF00];
	(erf) = vpow2.f32 v45;
	v59 =	vmul.f32 $2.000000030e-01, v14;
	v9 =	vadd.f32 v9, v55  }
0xd8: {  	[tilespmem:s15+$0xFFFFFF30] =	vst v43;
	v58 =	vld [tilespmem:s16+$0x20];
	vm11 =	vgt.f32 v14, $0.0e+00;
	v55 =	vmul.f32 $1.442695020e+00, v63;
	v61 =	vmul.f32 v53, v60  }
0xd9: {  	v41 =	vmul.f32 v41, v8;
	[tilespmem:s17+$0xFFFFFFA0] =	vst v39;
	v14 =	vsel vm11, v14, v59;
	v59 =	vld [tilespmem:s23+$0xFFFFFF40];
	v8 =	vmul.f32 $2.000000030e-01, v9  }
0xda: {  	v23 =	vmul.f32 v54, v23;
	v60 =	vld [tilespmem:s16+$0xFFFFFFA0];
	vm10 =	vgt.f32 v9, $0.0e+00;
	(erf) = vpow2.f32 v55;
	[tilespmem:s17+$0xB0] =	vst v61  }
0xdb: {  	[tilespmem:s15+$0x30] =	vst v38;
	v40 =	vmul.f32 v52, v6;
	v11 =	vbroadcast v37, $0x5;
	v35 =	vld [tilespmem:s16+$0xD0];
	v8 =	vsel vm10, v9, v8  }
0xdc: {  	[tilespmem:s15+$0xFFFFFFD0] =	vst v23;
	v14 =	vmul.f32 $1.442695020e+00, v14;
	v61 =	vld [tilespmem:s13+$0xFFFFFF20];
	v62 =	vmul.f32 $1.442695020e+00, v8  }
0xdd: {  	[tilespmem:s14+$0x50] =	vst v41;
	v41 =	vld [tilespmem:s13+$0xFFFFFFD0];
	v6 =	vmul.f32 v47, v58;
	v55 =	vmul.f32 v46, v57  }
0xde: {  	[tilespmem:s14+$0xFFFFFFE0] =	vst v40;
	v57 =	vld [tilespmem:s20+$0x90];
	v9 =	vbroadcast v19, $0x4;
	(erf) = vpow2.f32 v62  }
0xdf: {  	v63 =	vld [tilespmem:s13+$0x40];
	[tilespmem:s17+$0x20] =	vst v6;
	v16 =	vmul.f32 v59, v16;
	v42 =	vmul.f32 v60, v42  }
0xe0: {  	v53 =	vld [tilespmem:s20+$0xFFFFFF70];
	[tilespmem:s17+$0xFFFFFF20] =	vst v55;
	(erf) = vpow2.f32 v14;
	v14 =	vpop (erf);
	v9 =	vmul.f32 v35, v9  }
0xe1: {  	v38 =	vld [tilespmem:s16+$0xFFFFFF10];
	[tilespmem:s14+$0xFFFFFF60] =	vst v16;
	v6 =	vmul.f32 v61, v10;
	v10 =	vbroadcast v14, $0x0  }
0xe2: {  	v13 =	vbroadcast v24, $0x6;
	v48 =	vld [tilespmem:s20+$0xFFFFFEE0];
	v40 =	vmul.f32 v41, v22;
	[tilespmem:s17+$0xC0] =	vst v9  }
0xe3: {  	v8 =	vbroadcast v34, $0x6;
	[tilespmem:s17+$0xFFFFFFB0] =	vst v42;
	v44 =	vpop (erf);
	v45 =	vmul.f32 v10, v57;
	v58 =	vld [tilespmem:s16+$0xE0]  }
0xe4: {  	s19 =	simm.s32 $0x39A0;
	v21 =	vmul.f32 v63, v21;
	v16 =	vld [tilespmem:s23+$0x60];
	[tilespmem:s15+$0xFFFFFF40] =	vst v6;
	v61 =	vbroadcast v44, $0x0  }
0xe5: {  	v60 =	vbroadcast v19, $0x5;
	v42 =	vld [tilespmem:s16+$0x30];
	v6 =	vbroadcast v34, $0x7;
	[tilespmem:s19+$0x80] =	vst v45  }
0xe6: {  	v38 =	vmul.f32 v38, v25;
	v62 =	vmul.f32 v61, v53;
	v63 =	vld [tilespmem:s20+$0xA0]  }
0xe7: {  	[tilespmem:s15+$0x40] =	vst v21;
	v9 =	vbroadcast v37, $0x7;
	v10 =	vbroadcast v24, $0x7;
	v21 =	vld [tilespmem:s13+$0xFFFFFF30];
	v37 =	vpop (erf)  }
0xe8: {  	v39 =	vld [tilespmem:s13+$0x50];
	[tilespmem:s19+$0xFFFFFF80] =	vst v62;
	v24 =	vmul.f32 v58, v60;
	v59 =	vbroadcast v37, $0x0  }
0xe9: {  	v23 =	vbroadcast v44, $0x2;
	v61 =	vbroadcast v14, $0x1;
	v58 =	vld [tilespmem:s20+$0xFFFFFF80]  }
0xea: {  	v46 =	vld [tilespmem:s16+$0xFFFFFFB0];
	v51 =	vbroadcast v44, $0x3;
	v45 =	vpop (erf);
	[tilespmem:s17+$0xD0] =	vst v24;
	v43 =	vmul.f32 v59, v56  }
0xeb: {  	s10 =	smov.u32 s31;
	s31 =	simm.s32 $0xAC0;
	v57 =	vbroadcast v45, $0x0;
	v35 =	vmul.f32 v61, v63;
	v60 =	vld [tilespmem:s16+$0xF0]  }
0xec: {  	v24 =	vbroadcast v44, $0x1;
	v56 =	vmul.f32 v21, v17;
	v17 =	vld [tilespmem:s31+$0x80];
	[tilespmem:s19+$0x0] =	vst v43  }
0xed: {  	v42 =	vmul.f32 v42, v26;
	v34 =	vmul.f32 v57, v48;
	[tilespmem:s19+$0x90] =	vst v35;
	v63 =	vld [tilespmem:s20+$0x10]  }
0xee: {  	v62 =	vbroadcast v19, $0x6;
	v24 =	vmul.f32 v24, v58;
	v61 =	vld [tilespmem:s20+$0xB0]  }
0xef: {  	v39 =	vmul.f32 v39, v20;
	v36 =	vmul.f32 v46, v36;
	[tilespmem:s19+$0xFFFFFF00] =	vst v34;
	v58 =	vld [tilespmem:s31+$0x110]  }
0xf0: {  	v43 =	vbroadcast v37, $0x1;
	[tilespmem:s19+$0xFFFFFF90] =	vst v24;
	v59 =	vmul.f32 v60, v62;
	v60 =	vld [tilespmem:s20+$0xFFFFFEF0]  }
0xf1: {  	s0 =	simm.s32 $0x2EC0;
	v53 =	vbroadcast v37, $0x2;
	v57 =	vbroadcast v14, $0x2;
	v62 =	vld [tilespmem:s20+$0xFFFFFF90]  }
0xf2: {  	v47 =	vbroadcast v45, $0x1;
	[tilespmem:s17+$0xE0] =	vst v59;
	v43 =	vmul.f32 v43, v63;
	v63 =	vld [tilespmem:s0+$0x10]  }
0xf3: {  	v49 =	vbroadcast v45, $0x2;
	v54 =	vmul.f32 v57, v61;
	v55 =	vld [tilespmem:s16+$0x100]  }
0xf4: {  	[tilespmem:s14+$0xF0] =	vst v18;
	v25 =	vbroadcast v45, $0x4;
	v18 =	vbroadcast v45, $0x6;
	v59 =	vld [tilespmem:s31+$0xFFFFFFF0]  }
0xf5: {  	v21 =	vbroadcast v37, $0x5;
	v61 =	vld [tilespmem:s0+$0xFFFFFFF0];
	[tilespmem:s19+$0xA0] =	vst v54;
	v47 =	vmul.f32 v47, v60  }
0xf6: {  	v60 =	vbroadcast v19, $0x7;
	v54 =	vmul.f32 v23, v62;
	v62 =	vld [tilespmem:s20+$0xC0]  }
0xf7: {  	v35 =	vbroadcast v37, $0x3;
	v34 =	vbroadcast v45, $0x3;
	v20 =	vadd.f32 v63, v58;
	v63 =	vld [tilespmem:s0+$0x0]  }
0xf8: {  	v57 =	vld [tilespmem:s0+$0xFFFFFFE0];
	v58 =	vmul.f32 v16, v15;
	v48 =	vmul.f32 v55, v60  }
0xf9: {  	[tilespmem:s15+$0xF0] =	vst v33;
	v16 =	vld [tilespmem:s31+$0xFFFFFF60];
	v60 =	vbroadcast v14, $0x3;
	v15 =	vmul.f32 $2.000000030e-01, v20  }
0xfa: {  	v33 =	vld [tilespmem:s23+$0xFFFFFFE0];
	[tilespmem:s17+$0xFFFFFF30] =	vst v38;
	v24 =	vbroadcast v37, $0x4;
	v61 =	vadd.f32 v61, v59;
	vm12 =	vgt.f32 v20, $0.0e+00  }
0xfb: {  	v52 =	vld [tilespmem:s23+$0xFFFFFF50];
	[tilespmem:s17+$0xFFFFFFC0] =	vst v36;
	v19 =	vbroadcast v45, $0x5;
	v15 =	vsel vm12, v20, v15;
	v20 =	vmul.f32 v62, v60  }
0xfc: {  	v46 =	vld [tilespmem:s31+$0xFFFFFF70];
	[tilespmem:s19+$0x10] =	vst v43;
	v62 =	vmul.f32 $2.000000030e-01, v61;
	v63 =	vadd.f32 v63, v17;
	v17 =	vmul.f32 $1.442695020e+00, v15  }
0xfd: {  	v38 =	vld [tilespmem:s16+$0xFFFFFFC0];
	vm13 =	vgt.f32 v61, $0.0e+00;
	[tilespmem:s17+$0xF0] =	vst v48;
	v48 =	vbroadcast v14, $0x4;
	v15 =	vbroadcast v37, $0x6  }
0xfe: {  	v43 =	vld [tilespmem:s20+$0x20];
	[tilespmem:s19+$0xFFFFFF10] =	vst v47;
	v50 =	vadd.f32 v57, v16;
	v16 =	vsel vm13, v61, v62;
	(erf) = vpow2.f32 v17  }
0xff: {  	v57 =	vld [tilespmem:s20+$0xFFFFFF00];
	[tilespmem:s19+$0xB0] =	vst v20;
	v61 =	vmul.f32 $2.000000030e-01, v63;
	v16 =	vmul.f32 $1.442695020e+00, v16  }
0x100: {  	v60 =	vld [tilespmem:s20+$0xD0];
	v17 =	vbroadcast v45, $0x7;
	vm14 =	vgt.f32 v63, $0.0e+00;
	v62 =	vmul.f32 $2.000000030e-01, v50  }
0x101: {  	[tilespmem:s19+$0xFFFFFFA0] =	vst v54;
	vm15 =	vgt.f32 v50, $0.0e+00;
	v45 =	vld [tilespmem:s16+$0xFFFFFF20];
	v41 =	vsel vm14, v63, v61;
	(erf) = vpow2.f32 v16  }
0x102: {  	[tilespmem:s15+$0xFFFFFFE0] =	vst v40;
	v63 =	vld [tilespmem:s20+$0xFFFFFFA0];
	v16 =	vbroadcast v37, $0x7;
	v50 =	vsel vm15, v50, v62;
	v62 =	vmul.f32 v52, v28  }
0x103: {  	[tilespmem:s17+$0x30] =	vst v42;
	v59 =	vld [tilespmem:s31+$0xFFFFFEE0];
	v41 =	vmul.f32 $1.442695020e+00, v41;
	v37 =	vmul.f32 $1.442695020e+00, v50  }
0x104: {  	[tilespmem:s15+$0xFFFFFF50] =	vst v56;
	v54 =	vld [tilespmem:s16+$0x40];
	v56 =	vmul.f32 v49, v57;
	v50 =	vmul.f32 v33, v27  }
0x105: {  	v47 =	vld [tilespmem:s31+$0x0];
	[tilespmem:s14+$0x60] =	vst v58;
	v36 =	vmul.f32 v60, v48;
	(erf) = vpow2.f32 v41  }
0x106: {  	v61 =	vld [tilespmem:s31+$0x90];
	v60 =	vmul.f32 v53, v43;
	[tilespmem:s19+$0xFFFFFF20] =	vst v56;
	v27 =	vmul.f32 v45, v30  }
0x107: {  	v57 =	vld [tilespmem:s13+$0xFFFFFF40];
	(erf) = vpow2.f32 v37;
	[tilespmem:s19+$0xC0] =	vst v36;
	v28 =	vmul.f32 v63, v51  }
0x108: {  	v22 =	vbroadcast v44, $0x6;
	v26 =	vbroadcast v44, $0x4;
	[tilespmem:s19+$0x20] =	vst v60;
	v63 =	vld [tilespmem:s20+$0xE0];
	v33 =	vpop (erf)  }
0x109: {  	v37 =	vld [tilespmem:s13+$0xFFFFFFE0];
	[tilespmem:s19+$0xFFFFFFB0] =	vst v28;
	v28 =	vmul.f32 v54, v31;
	v30 =	vbroadcast v33, $0x0  }
0x10a: {  	v23 =	vbroadcast v44, $0x5;
	v45 =	vbroadcast v14, $0x5;
	v51 =	vld [tilespmem:s20+$0xFFFFFF10];
	[tilespmem:s17+$0xFFFFFF40] =	vst v27  }
0x10b: {  	v36 =	vld [tilespmem:s23+$0x70];
	v31 =	vmul.f32 v38, v32;
	[tilespmem:s17+$0x40] =	vst v28;
	v27 =	vpop (erf);
	v28 =	vmul.f32 v30, v61  }
0x10c: {  	v20 =	vbroadcast v44, $0x7;
	[tilespmem:s14+$0xFFFFFF70] =	vst v62;
	v53 =	vld [tilespmem:s20+$0x30];
	v30 =	vbroadcast v27, $0x0  }
0x10d: {  	s28 =	simm.s32 $0x3BA0;
	v62 =	vbroadcast v14, $0x6;
	v41 =	vld [tilespmem:s16+$0xFFFFFF30];
	[tilespmem:s17+$0xFFFFFFD0] =	vst v31;
	v31 =	vmul.f32 v63, v45  }
0x10e: {  	v29 =	vmul.f32 v57, v29;
	v44 =	vld [tilespmem:s20+$0xFFFFFFB0];
	v52 =	vbroadcast v27, $0x1;
	[tilespmem:s28+$0x80] =	vst v28  }
0x10f: {  	v32 =	vbroadcast v27, $0x3;
	v46 =	vmul.f32 v30, v46;
	v57 =	vld [tilespmem:s31+$0xA0];
	[tilespmem:s19+$0xD0] =	vst v31;
	v28 =	vpop (erf)  }
0x110: {  	[tilespmem:s15+$0xFFFFFF60] =	vst v29;
	v45 =	vbroadcast v27, $0x2;
	v49 =	vld [tilespmem:s20+$0xF0];
	v31 =	vbroadcast v28, $0x0;
	v30 =	vpop (erf)  }
0x111: {  	v43 =	vld [tilespmem:s13+$0xFFFFFF50];
	v53 =	vmul.f32 v53, v35;
	[tilespmem:s28+$0xFFFFFF80] =	vst v46;
	v60 =	vbroadcast v30, $0x0  }
0x112: {  	v55 =	vld [tilespmem:s31+$0xFFFFFF80];
	v29 =	vmul.f32 v31, v47;
	v31 =	vbroadcast v33, $0x1  }
0x113: {  	[tilespmem:s15+$0x50] =	vst v39;
	v42 =	vld [tilespmem:s16+$0x50];
	v54 =	vbroadcast v28, $0x1;
	v61 =	vmul.f32 v60, v59  }
0x114: {  	v39 =	vld [tilespmem:s16+$0xFFFFFFD0];
	v38 =	vbroadcast v28, $0x2;
	[tilespmem:s28+$0x0] =	vst v29;
	v63 =	vmul.f32 v31, v57  }
0x115: {  	v35 =	vbroadcast v28, $0x4;
	[tilespmem:s28+$0xFFFFFF00] =	vst v61;
	v60 =	vld [tilespmem:s31+$0x10];
	v61 =	vmul.f32 v49, v62  }
0x116: {  	v48 =	vbroadcast v30, $0x1;
	v40 =	vbroadcast v30, $0x2;
	v49 =	vld [tilespmem:s31+$0xFFFFFEF0];
	[tilespmem:s28+$0x90] =	vst v63  }
0x117: {  	v47 =	vbroadcast v27, $0x4;
	v62 =	vmul.f32 v52, v55;
	v52 =	vld [tilespmem:s31+$0xB0];
	[tilespmem:s19+$0xE0] =	vst v61  }
0x118: {  	[tilespmem:s14+$0xFFFFFFF0] =	vst v50;
	v31 =	vbroadcast v30, $0x3;
	v63 =	vmul.f32 v51, v34;
	v50 =	vld [tilespmem:s20+$0x100]  }
0x119: {  	v46 =	vld [tilespmem:s13+$0x60];
	v29 =	vbroadcast v28, $0x3;
	v55 =	vbroadcast v33, $0x2;
	[tilespmem:s28+$0xFFFFFF90] =	vst v62  }
0x11a: {  	s29 =	simm.s32 $0x10;
	s1 =	simm.s32 $0xD00;
	s23 =	simm.s32 $0x3BA0;
	v34 =	vbroadcast v30, $0x4;
	v51 =	vld [tilespmem:s31+$0xFFFFFF90];
	[tilespmem:s19+$0xFFFFFF30] =	vst v63;
	v54 =	vmul.f32 v54, v60  }
.LBB2_5:
0x11b: {  	v56 =	vld [tilespmem:s1+$0x110];
	v48 =	vmul.f32 v48, v49;
	s0 =	sadd.s32 $0x40, s0;
	[tilespmem:s19+$0x30] =	vst v53;
	v49 =	vbroadcast v14, $0x7;
	v14 =	vmov v33  }
0x11c: {  	v44 =	vmul.f32 v44, v26;
	v26 =	vmov v47;
	v33 =	vld [tilespmem:s0+$0x10];
	[tilespmem:s28+$0x10] =	vst v54;
	v52 =	vmul.f32 v55, v52  }
0x11d: {  	s29 =	sadd.s32 $0x4, s29;
	v47 =	vbroadcast v30, $0x5;
	v53 =	vld [tilespmem:s0+$0xFFFFFFE0];
	[tilespmem:s28+$0xFFFFFF10] =	vst v48;
	v48 =	vmul.f32 v50, v49  }
0x11e: {  	p1 =	slt.u32 s29, $0x24;
	v54 =	vbroadcast v28, $0x5;
	v50 =	vbroadcast v27, $0x5;
	v49 =	vld [tilespmem:s1+$0xFFFFFFF0];
	[tilespmem:s28+$0xA0] =	vst v52  }
0x11f: {  	v41 =	vmul.f32 v41, v11;
	v11 =	vmovc v19;
	v19 =	vmov v47;
	v52 =	vld [tilespmem:s0+$0xFFFFFFF0];
	v45 =	vmul.f32 v45, v51;
	[tilespmem:s19+$0xF0] =	vst v48  }
0x120: {  	v42 =	vmul.f32 v42, v12;
	v12 =	vmovc v21;
	v21 =	vmov v54;
	v48 =	vbroadcast v30, $0x6;
	v51 =	vld [tilespmem:s31+$0xC0];
	[tilespmem:s19+$0xFFFFFFC0] =	vst v44  }
0x121: {  	v47 =	vbroadcast v28, $0x6;
	v44 =	vld [tilespmem:s1+$0x80];
	v33 =	vadd.f32 v33, v56;
	[tilespmem:s28+$0xFFFFFFA0] =	vst v45;
	v45 =	vbroadcast v27, $0x6  }
0x122: {  	v39 =	vmul.f32 v39, v13;
	v13 =	vmovc v22;
	v54 =	vld [tilespmem:s0+$0x0];
	[tilespmem:s17+$0xFFFFFF50] =	vst v41;
	v41 =	vmul.f32 v46, v5;
	v5 =	vmov v8  }
0x123: {  	v56 =	vbroadcast v14, $0x3;
	v8 =	vmovc v15;
	v15 =	vmovc v47;
	v46 =	vld [tilespmem:s1+$0xFFFFFF60];
	v55 =	vmul.f32 $2.000000030e-01, v33;
	[tilespmem:s17+$0x50] =	vst v42;
	v22 =	vmov v45  }
0x124: {  	v30 =	vbroadcast v30, $0x7;
	vm0 =	vgt.f32 v33, $0.0e+00;
	v47 =	vld [tilespmem:s1+$0xFFFFFEE0];
	v42 =	vadd.f32 v52, v49;
	[tilespmem:s17+$0xFFFFFFE0] =	vst v39  }
0x125: {  	v27 =	vbroadcast v27, $0x7;
	v49 =	vld [tilespmem:s1+$0xFFFFFF70];
	v33 =	vsel vm0, v33, v55;
	v39 =	vmul.f32 v51, v56;
	[tilespmem:s15+$0x60] =	vst v41  }
0x126: {  	vm0 =	vgt.f32 v42, $0.0e+00;
	v41 =	vmul.f32 $2.000000030e-01, v42;
	v51 =	vld [tilespmem:s1+$0x0];
	v33 =	vmul.f32 $1.442695020e+00, v33  }
0x127: {  	v28 =	vbroadcast v28, $0x7;
	v44 =	vadd.f32 v54, v44;
	v45 =	vld [tilespmem:s31+$0xFFFFFF00];
	[tilespmem:s28+$0xB0] =	vst v39;
	v39 =	vmul.f32 v43, v4;
	v4 =	vmovc v9  }
0x128: {  	v9 =	vmovc v17;
	v17 =	vmovc v30;
	v43 =	vadd.f32 v53, v46;
	v41 =	vsel vm0, v42, v41;
	(erf) = vpow2.f32 v33;
	v33 =	vld [tilespmem:s31+$0xD0]  }
0x129: {  	v30 =	vmul.f32 $1.442695020e+00, v41;
	vm0 =	vgt.f32 v44, $0.0e+00;
	v41 =	vmul.f32 $2.000000030e-01, v44;
	v42 =	vld [tilespmem:s31+$0x20];
	[tilespmem:s15+$0xFFFFFF70] =	vst v39  }
0x12a: {  	v37 =	vmul.f32 v37, v3;
	v3 =	vmovc v10;
	v10 =	vmovc v20;
	vm1 =	vgt.f32 v43, $0.0e+00;
	v39 =	vmul.f32 $2.000000030e-01, v43;
	v46 =	vld [tilespmem:s31+$0xFFFFFFA0]  }
0x12b: {  	v20 =	vmovc v27;
	v41 =	vsel vm0, v44, v41;
	(erf) = vpow2.f32 v30;
	v30 =	vbroadcast v14, $0x4;
	v44 =	vld [tilespmem:s20+$0xFFFFFF20]  }
0x12c: {  	v27 =	vsel vm1, v43, v39;
	v39 =	vmul.f32 $1.442695020e+00, v41;
	v40 =	vmul.f32 v40, v45;
	v41 =	vld [tilespmem:s20+$0x40];
	[tilespmem:s15+$0xFFFFFFF0] =	vst v37  }
0x12d: {  	v27 =	vmul.f32 $1.442695020e+00, v27;
	v30 =	vmul.f32 v33, v30;
	v37 =	vld [tilespmem:s20+$0xFFFFFFC0]  }
0x12e: {  	(erf) = vpow2.f32 v39;
	[tilespmem:s28+$0xFFFFFF20] =	vst v40;
	v40 =	vmul.f32 v38, v42;
	v38 =	vld [tilespmem:s16+$0xFFFFFF40]  }
0x12f: {  	v39 =	vld [tilespmem:s1+$0x90];
	(erf) = vpow2.f32 v27;
	v27 =	vmul.f32 v46, v32;
	[tilespmem:s28+$0xC0] =	vst v30  }
0x130: {  	v36 =	vmul.f32 v36, v1;
	v1 =	vmovc v2;
	v2 =	vmov v6;
	[tilespmem:s28+$0x20] =	vst v40;
	v30 =	vld [tilespmem:s31+$0xE0];
	v40 =	vmul.f32 v44, v25  }
0x131: {  	v6 =	vmov v16;
	v16 =	vmov v28;
	v33 =	vpop (erf);
	v53 =	vld [tilespmem:s31+$0xFFFFFF10];
	[tilespmem:s28+$0xFFFFFFB0] =	vst v27;
	v41 =	vmul.f32 v41, v24  }
0x132: {  	v25 =	vmovc v34;
	v24 =	vmovc v35;
	v28 =	vbroadcast v33, $0x0;
	v54 =	vld [tilespmem:s31+$0x30];
	[tilespmem:s19+$0xFFFFFF40] =	vst v40;
	v32 =	vmul.f32 v37, v23;
	v23 =	vmov v50  }
0x133: {  	v34 =	vbroadcast v14, $0x5;
	v44 =	vld [tilespmem:s31+$0xFFFFFFB0];
	[tilespmem:s19+$0x40] =	vst v41;
	v35 =	vmul.f32 v38, v7;
	v7 =	vmovc v18;
	v18 =	vmov v48  }
0x134: {  	v38 =	vmul.f32 v28, v39;
	v27 =	vpop (erf);
	v41 =	vld [tilespmem:s20+$0xFFFFFF30];
	[tilespmem:s19+$0xFFFFFFD0] =	vst v32  }
0x135: {  	s28 =	sadd.s32 $0x200, s28;
	v32 =	vbroadcast v27, $0x0;
	v40 =	vmul.f32 v30, v34;
	v42 =	vld [tilespmem:s20+$0x50];
	[tilespmem:s17+$0xFFFFFF60] =	vst v35  }
0x136: {  	v34 =	vbroadcast v27, $0x1;
	v45 =	vbroadcast v27, $0x2;
	[tilespmem:s28+$0x80] =	vst v38;
	v39 =	vld [tilespmem:s20+$0xFFFFFFD0]  }
0x137: {  	v35 =	vmul.f32 v32, v49;
	v32 =	vbroadcast v27, $0x3;
	v37 =	vld [tilespmem:s1+$0xA0];
	v28 =	vpop (erf);
	[tilespmem:s23+$0xD0] =	vst v40  }
0x138: {  	v38 =	vbroadcast v28, $0x0;
	v55 =	vbroadcast v28, $0x1;
	v30 =	vpop (erf);
	v49 =	vld [tilespmem:s31+$0xF0];
	[tilespmem:s14+$0x70] =	vst v36;
	s14 =	smov.u32 s15;
	s15 =	smov.u32 s17;
	s17 =	smov.u32 s19  }
0x139: {  	s19 =	smov.u32 s23;
	s23 =	smov.u32 s28;
	v36 =	vbroadcast v30, $0x0;
	v48 =	vbroadcast v30, $0x1;
	[tilespmem:s28+$0xFFFFFF80] =	vst v35;
	v46 =	vld [tilespmem:s16+$0x60]  }
0x13a: {  	v50 =	vbroadcast v33, $0x1;
	v35 =	vld [tilespmem:s1+$0xFFFFFF80];
	v38 =	vmul.f32 v38, v51  }
0x13b: {  	v36 =	vmul.f32 v36, v47;
	v47 =	vbroadcast v14, $0x6;
	v43 =	vld [tilespmem:s16+$0xFFFFFF50]  }
0x13c: {  	v40 =	vbroadcast v30, $0x2;
	[tilespmem:s28+$0x0] =	vst v38;
	v50 =	vmul.f32 v50, v37;
	v37 =	vld [tilespmem:s16+$0xFFFFFFE0]  }
0x13d: {  	v38 =	vbroadcast v28, $0x2;
	[tilespmem:s28+$0xFFFFFF00] =	vst v36;
	v56 =	vld [tilespmem:s1+$0x10];
	v36 =	vmul.f32 v49, v47  }
.Ltmp1:
0x13e: {  	v51 =	vbroadcast v28, $0x3;
	v47 =	vbroadcast v30, $0x3;
	v49 =	vld [tilespmem:s1+$0xFFFFFEF0];
	[tilespmem:s28+$0x90] =	vst v50;
	(pc) =	sbr.rel @p1 .LBB2_5-.Ltmp1, $4  }
0x13f: {  	v57 =	vmul.f32 v53, v31;
	v35 =	vmul.f32 v34, v35;
	v52 =	vld [tilespmem:s1+$0xB0];
	[tilespmem:s19+$0xE0] =	vst v36  }
0x140: {  	v53 =	vmul.f32 v54, v29;
	v29 =	vmovc v51;
	v34 =	vbroadcast v30, $0x4;
	v31 =	vmov v47;
	v50 =	vld [tilespmem:s31+$0x100]  }
0x141: {  	v47 =	vbroadcast v27, $0x4;
	[tilespmem:s28+$0xFFFFFF90] =	vst v35;
	v35 =	vbroadcast v28, $0x4;
	v36 =	vld [tilespmem:s13+$0x70];
	s13 =	smov.u32 s16;
	s16 =	smov.u32 s20;
	s20 =	smov.u32 s31  }
0x142: {  	s31 =	smov.u32 s1;
	v51 =	vld [tilespmem:s1+$0xFFFFFF90];
	v54 =	vmul.f32 v55, v56;
	v55 =	vbroadcast v33, $0x2;
	[tilespmem:s19+$0xFFFFFF30] =	vst v57;
	s1 =	sadd.s32 $0x240, s1  }
0x143: {  	_ = 	snop  }
0x144: {  	v52 =	vmul.f32 v55, v52;
	_ =	sdelay $0x1  }
0x145: {  	[tilespmem:s28+$0xA0] =	vst v52  }
0x146: {  	v52 =	vld [tilespmem:s31+$0xC0];
	_ =	sdelay $0x2  }
0x147: {  	v62 =	vbroadcast v33, $0x3;
	_ =	sdelay $0x1  }
0x148: {  	v52 =	vmul.f32 v52, v62;
	_ =	sdelay $0x1  }
0x149: {  	v48 =	vmul.f32 v48, v49;
	[tilespmem:s28+$0xB0] =	vst v52  }
0x14a: {  	v63 =	vld [tilespmem:s31+$0xD0]  }
0x14b: {  	v14 =	vbroadcast v14, $0x7;
	[tilespmem:s28+$0xFFFFFF10] =	vst v48  }
0x14c: {  	v48 =	vld [tilespmem:s31+$0xFFFFFF00]  }
0x14d: {  	[tilespmem:s19+$0x30] =	vst v53;
	v14 =	vmul.f32 v50, v14;
	v52 =	vbroadcast v33, $0x4  }
0x14e: {  	v26 =	vmul.f32 v44, v26;
	[tilespmem:s28+$0x10] =	vst v54  }
0x14f: {  	[tilespmem:s19+$0xF0] =	vst v14;
	v14 =	vld [tilespmem:s31+$0x20];
	v53 =	vmul.f32 v63, v52  }
0x150: {  	v11 =	vmul.f32 v41, v11;
	[tilespmem:s19+$0xFFFFFFC0] =	vst v26  }
0x151: {  	v26 =	vmul.f32 v40, v48;
	[tilespmem:s28+$0xC0] =	vst v53  }
0x152: {  	[tilespmem:s17+$0xFFFFFF50] =	vst v11;
	v45 =	vmul.f32 v45, v51;
	v54 =	vld [tilespmem:s31+$0xE0]  }
0x153: {  	v12 =	vmul.f32 v42, v12;
	[tilespmem:s28+$0xFFFFFF20] =	vst v26  }
0x154: {  	[tilespmem:s28+$0xFFFFFFA0] =	vst v45;
	v11 =	vmul.f32 v38, v14;
	v14 =	vld [tilespmem:s31+$0xFFFFFF10]  }
0x155: {  	v13 =	vmul.f32 v39, v13;
	[tilespmem:s17+$0x50] =	vst v12;
	v12 =	vld [tilespmem:s31+$0xFFFFFFA0];
	v26 =	vbroadcast v33, $0x5  }
0x156: {  	v5 =	vmul.f32 v46, v5;
	[tilespmem:s28+$0x20] =	vst v11  }
0x157: {  	[tilespmem:s17+$0xFFFFFFE0] =	vst v13;
	v11 =	vld [tilespmem:s31+$0x30];
	v13 =	vmul.f32 v54, v26  }
0x158: {  	v4 =	vmul.f32 v43, v4;
	[tilespmem:s15+$0x60] =	vst v5;
	v5 =	vld [tilespmem:s20+$0xFFFFFF20]  }
0x159: {  	v26 =	vld [tilespmem:s20+$0x40];
	[tilespmem:s23+$0xD0] =	vst v13;
	v13 =	vmul.f32 v14, v31  }
0x15a: {  	[tilespmem:s15+$0xFFFFFF70] =	vst v4;
	v4 =	vmul.f32 v12, v32;
	v12 =	vld [tilespmem:s31+$0xF0]  }
0x15b: {  	v3 =	vmul.f32 v37, v3;
	v14 =	vld [tilespmem:s20+$0xFFFFFFC0];
	[tilespmem:s23+$0xFFFFFF30] =	vst v13  }
0x15c: {  	[tilespmem:s28+$0xFFFFFFB0] =	vst v4;
	v4 =	vmul.f32 v11, v29;
	v11 =	vld [tilespmem:s31+$0xFFFFFF20]  }
0x15d: {  	[tilespmem:s15+$0xFFFFFFF0] =	vst v3;
	v3 =	vmul.f32 v5, v25;
	v5 =	vld [tilespmem:s31+$0xFFFFFFB0];
	v13 =	vbroadcast v33, $0x6  }
0x15e: {  	v25 =	vld [tilespmem:s16+$0xFFFFFF40];
	[tilespmem:s23+$0x30] =	vst v4;
	v24 =	vmul.f32 v26, v24  }
0x15f: {  	[tilespmem:s19+$0xFFFFFF40] =	vst v3;
	v4 =	vld [tilespmem:s31+$0x40];
	v3 =	vmul.f32 v12, v13  }
0x160: {  	[tilespmem:s19+$0x40] =	vst v24;
	v12 =	vmul.f32 v14, v23  }
0x161: {  	v13 =	vld [tilespmem:s20+$0xFFFFFF30];
	[tilespmem:s23+$0xE0] =	vst v3;
	v3 =	vmul.f32 v11, v34  }
0x162: {  	v5 =	vmul.f32 v5, v47;
	[tilespmem:s19+$0xFFFFFFD0] =	vst v12;
	v11 =	vld [tilespmem:s31+$0x100]  }
0x163: {  	v7 =	vmul.f32 v25, v7;
	v12 =	vld [tilespmem:s20+$0x50];
	[tilespmem:s23+$0xFFFFFF40] =	vst v3  }
0x164: {  	[tilespmem:s23+$0xFFFFFFC0] =	vst v5;
	v3 =	vmul.f32 v4, v35;
	v4 =	vld [tilespmem:s31+$0xFFFFFF30]  }
0x165: {  	v1 =	vmul.f32 v36, v1;
	[tilespmem:s17+$0xFFFFFF60] =	vst v7;
	v5 =	vbroadcast v33, $0x7;
	v7 =	vld [tilespmem:s31+$0xFFFFFFC0]  }
0x166: {  	v14 =	vld [tilespmem:s20+$0xFFFFFFD0];
	v13 =	vmul.f32 v13, v19;
	[tilespmem:s23+$0x40] =	vst v3  }
0x167: {  	[tilespmem:s14+$0x70] =	vst v1;
	v3 =	vbroadcast v30, $0x5;
	v1 =	vmul.f32 v11, v5;
	v5 =	vld [tilespmem:s31+$0x50]  }
0x168: {  	v19 =	vld [tilespmem:s16+$0x60];
	v12 =	vmul.f32 v12, v21;
	[tilespmem:s19+$0xFFFFFF50] =	vst v13;
	v11 =	vbroadcast v27, $0x5  }
0x169: {  	[tilespmem:s23+$0xF0] =	vst v1;
	v1 =	vld [tilespmem:s20+$0xFFFFFF40];
	v3 =	vmul.f32 v4, v3  }
0x16a: {  	v13 =	vld [tilespmem:s16+$0xFFFFFF50];
	[tilespmem:s19+$0x50] =	vst v12;
	v4 =	vbroadcast v28, $0x5;
	v7 =	vmul.f32 v7, v11  }
0x16b: {  	v12 =	vmul.f32 v14, v22;
	v11 =	vld [tilespmem:s16+$0xFFFFFFE0];
	[tilespmem:s23+$0xFFFFFF50] =	vst v3  }
0x16c: {  	[tilespmem:s23+$0xFFFFFFD0] =	vst v7;
	v3 =	vmul.f32 v5, v4;
	v4 =	vld [tilespmem:s31+$0xFFFFFF40]  }
0x16d: {  	[tilespmem:s19+$0xFFFFFFE0] =	vst v12;
	v5 =	vmul.f32 v19, v8;
	v7 =	vld [tilespmem:s31+$0xFFFFFFD0]  }
0x16e: {  	v8 =	vld [tilespmem:s20+$0x60];
	v1 =	vmul.f32 v1, v18;
	[tilespmem:s23+$0x50] =	vst v3  }
0x16f: {  	v3 =	vbroadcast v30, $0x6;
	[tilespmem:s17+$0x60] =	vst v5;
	v5 =	vmul.f32 v13, v9;
	v9 =	vld [tilespmem:s31+$0x60]  }
0x170: {  	v12 =	vbroadcast v27, $0x6;
	v13 =	vld [tilespmem:s13+$0x70];
	v10 =	vmul.f32 v11, v10;
	[tilespmem:s19+$0xFFFFFF60] =	vst v1  }
0x171: {  	[tilespmem:s17+$0xFFFFFF70] =	vst v5;
	v1 =	vld [tilespmem:s20+$0xFFFFFF50];
	v3 =	vmul.f32 v4, v3  }
0x172: {  	[tilespmem:s17+$0xFFFFFFF0] =	vst v10;
	v5 =	vld [tilespmem:s20+$0xFFFFFFE0];
	v4 =	vbroadcast v28, $0x6;
	v7 =	vmul.f32 v7, v12  }
0x173: {  	v10 =	vld [tilespmem:s16+$0x70];
	v8 =	vmul.f32 v8, v15;
	[tilespmem:s23+$0xFFFFFF60] =	vst v3  }
0x174: {  	[tilespmem:s23+$0xFFFFFFE0] =	vst v7;
	v3 =	vld [tilespmem:s31+$0xFFFFFF50];
	v4 =	vmul.f32 v9, v4  }
0x175: {  	v2 =	vmul.f32 v13, v2;
	[tilespmem:s19+$0x60] =	vst v8;
	v7 =	vld [tilespmem:s31+$0xFFFFFFE0]  }
0x176: {  	v8 =	vld [tilespmem:s20+$0x70];
	v1 =	vmul.f32 v1, v17;
	[tilespmem:s23+$0x60] =	vst v4  }
0x177: {  	[tilespmem:s15+$0x70] =	vst v2;
	v2 =	vmul.f32 v5, v20;
	v4 =	vbroadcast v30, $0x7;
	v5 =	vld [tilespmem:s31+$0x70]  }
0x178: {  	v9 =	vbroadcast v27, $0x7;
	[tilespmem:s19+$0xFFFFFF70] =	vst v1;
	v1 =	vmul.f32 v10, v6  }
0x179: {  	[tilespmem:s19+$0xFFFFFFF0] =	vst v2;
	v2 =	vmul.f32 v3, v4  }
0x17a: {  	v3 =	vbroadcast v28, $0x7;
	[tilespmem:s17+$0x70] =	vst v1;
	v1 =	vmul.f32 v7, v9  }
0x17b: {  	[tilespmem:s23+$0xFFFFFF70] =	vst v2;
	v2 =	vmul.f32 v8, v16  }
0x17c: {  	[tilespmem:s23+$0xFFFFFFF0] =	vst v1;
	v1 =	vmul.f32 v5, v3  }
0x17d: {  	s0 =	sadd.s32 s22, s11;
	[tilespmem:s19+$0x70] =	vst v2  }
0x17e: {  	p1 =	slt.s32 s0, $0x4E1D8;
	[tilespmem:s23+$0x70] =	vst v1  }
0x17f: {  	[spmem:s10] =	stream.indirect.scatter.add.f32 [tilespmem:s9], [sflag:$0x5], $0x80, s25, s26, $0xb8;
	[tilespmem:$0x1BDA0] =	vst v63  }
0x180: {  	s0 =	simm.s32 @!p1 $0x4E1D8;
	_ =	swait.ge [sflag:s24], $0x1400  }
0x181: {  	s0 =	sshrl.u32 s0, $0x3;
	[sflag:s24] =	ssyncset.done $0x0  }
0x182: {  	s1 =	sadd.s32 s4, s0;
	[sflag:s24] =	ssyncadd.s32 $0xFFFFEC00  }
0x183: {  	[tilespmem:s2], [sflag:$0x5] =	stream.linear.gather [hbm4b:s1+s2], $0x28, $0x38;
	[tilespmem:$0x1BDA0] =	vst v63  }
0x184: {  	_ =	swait.ge [sflag:s24], $0x28  }
0x185: {  	[sflag:s24] =	ssyncset.done $0x0  }
0x186: {  	s0 =	sadd.s32 s5, s0;
	[sflag:s24] =	ssyncadd.s32 $0xFFFFFFD8  }
0x187: {  	[tilespmem:s25], [sflag:$0x5] =	stream.linear.gather [hbm4b:s0+s2], $0x28, $0x38;
	[tilespmem:$0x1BDA0] =	vst v63  }
0x188: {  	_ =	swait.ge [sflag:s24], $0x28  }
0x189: {  	[sflag:s24] =	ssyncset.done $0x0  }
0x18a: {  	s23 =	simm.s32 $0xA0;
	[sflag:s24] =	ssyncadd.s32 $0xFFFFFFD8  }
0x18b: {  	[tilespmem:s23], [sflag:$0x1] =	stream.indirect.gather [hbm4b:s6+s26], $0x90, s2, s26, $0xb8;
	[tilespmem:$0x1BDA0] =	vst v63  }
0x18c: {  	s1 =	simm.s32 $0x2DA0  }
0x18d: {  	[tilespmem:s1], [sflag:$0x3] =	stream.indirect.gather [hbm4b:s7+s26], $0x10, s25, s26, $0xb8;
	[tilespmem:$0x1BDA0] =	vst v63  }
0x18e: {  	_ =	swait.ge [sflag:s12], $0x1680  }
0x18f: {  	[sflag:s12] =	ssyncset.done $0x0  }
0x190: {  	[sflag:s12] =	ssyncadd.s32 $0xFFFFE980  }
0x191: {  	_ =	swait.ge [sflag:s18], $0x280  }
0x192: {  	[sflag:s18] =	ssyncset.done $0x0  }
0x193: {  	s31 =	smov.u32 s10;
	s10 =	simm.s32 $0x1840;
	[sflag:s18] =	ssyncadd.s32 $0xFFFFFD80  }
0x194: {  	s17 =	simm.s32 $0x3040;
	v1 =	vld [tilespmem:s10+$0x110]  }
0x195: {  	v2 =	vld [tilespmem:s17+$0x10];
	_ =	sdelay $0x4  }
0x196: {  	v1 =	vadd.f32 v2, v1;
	_ =	sdelay $0x1  }
0x197: {  	v2 =	vmul.f32 $2.000000030e-01, v1  }
0x198: {  	vm0 =	vgt.f32 v1, $0.0e+00  }
0x199: {  	v1 =	vsel vm0, v1, v2  }
0x19a: {  	v1 =	vmul.f32 $1.442695020e+00, v1  }
0x19b: {  	v2 =	vld [tilespmem:s10+$0xFFFFFFF0]  }
0x19c: {  	(erf) = vpow2.f32 v1;
	v1 =	vld [tilespmem:s17+$0xFFFFFFF0];
	_ =	sdelay $0x4  }
0x19d: {  	v3 =	vld [tilespmem:s10+$0x90];
	v1 =	vadd.f32 v1, v2  }
0x19e: {  	v6 =	vld [tilespmem:s10+$0x80]  }
0x19f: {  	v7 =	vld [tilespmem:s17+$0x0];
	v5 =	vmul.f32 $2.000000030e-01, v1  }
0x1a0: {  	vm10 =	vgt.f32 v1, $0.0e+00  }
0x1a1: {  	v2 =	vpop (erf);
	v1 =	vsel vm10, v1, v5  }
0x1a2: {  	v4 =	vld [tilespmem:s17+$0xFFFFFFE0];
	v5 =	vbroadcast v2, $0x0;
	v1 =	vmul.f32 $1.442695020e+00, v1  }
0x1a3: {  	v8 =	vld [tilespmem:s10+$0xFFFFFF60]  }
0x1a4: {  	v3 =	vmul.f32 v5, v3;
	(erf) = vpow2.f32 v1;
	v1 =	vadd.f32 v7, v6  }
0x1a5: {  	s14 =	simm.s32 $0x33A0  }
0x1a6: {  	[tilespmem:s14+$0x80] =	vst v3;
	v5 =	vmul.f32 $2.000000030e-01, v1  }
0x1a7: {  	vm11 =	vgt.f32 v1, $0.0e+00;
	v3 =	vld [tilespmem:s10+$0xA0]  }
0x1a8: {  	v4 =	vadd.f32 v4, v8;
	v1 =	vsel vm11, v1, v5  }
0x1a9: {  	v1 =	vmul.f32 $1.442695020e+00, v1  }
0x1aa: {  	v6 =	vmul.f32 $2.000000030e-01, v4;
	v7 =	vbroadcast v2, $0x1  }
0x1ab: {  	vm1 =	vgt.f32 v4, $0.0e+00;
	v5 =	vld [tilespmem:s10+$0xFFFFFF70]  }
0x1ac: {  	v4 =	vsel vm1, v4, v6;
	v3 =	vmul.f32 v7, v3  }
0x1ad: {  	s13 =	simm.s32 $0x1A80;
	v4 =	vmul.f32 $1.442695020e+00, v4;
	(erf) = vpow2.f32 v1;
	v1 =	vpop (erf)  }
0x1ae: {  	v6 =	vld [tilespmem:s13+$0x110];
	[tilespmem:s14+$0x90] =	vst v3;
	v3 =	vbroadcast v1, $0x0  }
0x1af: {  	s19 =	simm.s32 $0x3080;
	(erf) = vpow2.f32 v4;
	v4 =	vld [tilespmem:s10+$0xB0]  }
0x1b0: {  	v3 =	vmul.f32 v3, v5;
	v5 =	vld [tilespmem:s19+$0x10]  }
0x1b1: {  	v11 =	vld [tilespmem:s13+$0xFFFFFFF0]  }
0x1b2: {  	v20 =	vld [tilespmem:s13+$0x80];
	[tilespmem:s14+$0xFFFFFF80] =	vst v3;
	v3 =	vbroadcast v2, $0x2  }
0x1b3: {  	v8 =	vld [tilespmem:s10+$0x0];
	v31 =	vbroadcast v2, $0x6  }
0x1b4: {  	v7 =	vld [tilespmem:s10+$0xFFFFFEE0];
	v10 =	vbroadcast v1, $0x1;
	v3 =	vmul.f32 v3, v4  }
0x1b5: {  	v17 =	vbroadcast v1, $0x3;
	v25 =	vbroadcast v1, $0x4;
	v9 =	vld [tilespmem:s10+$0xFFFFFF80];
	v5 =	vadd.f32 v5, v6  }
0x1b6: {  	v27 =	vbroadcast v1, $0x7;
	v18 =	vpop (erf);
	v6 =	vbroadcast v1, $0x2;
	[tilespmem:s14+$0xA0] =	vst v3;
	v3 =	vld [tilespmem:s19+$0xFFFFFFF0]  }
0x1b7: {  	v4 =	vld [tilespmem:s19+$0xFFFFFFE0];
	v12 =	vbroadcast v18, $0x0;
	v14 =	vmul.f32 $2.000000030e-01, v5  }
0x1b8: {  	v19 =	vpop (erf);
	v15 =	vbroadcast v18, $0x1;
	v23 =	vbroadcast v18, $0x2;
	v13 =	vld [tilespmem:s10+$0xC0];
	vm12 =	vgt.f32 v5, $0.0e+00  }
0x1b9: {  	v16 =	vbroadcast v19, $0x0;
	v8 =	vmul.f32 v12, v8;
	v12 =	vld [tilespmem:s19+$0x0];
	v5 =	vsel vm12, v5, v14  }
0x1ba: {  	v21 =	vbroadcast v19, $0x1;
	v14 =	vld [tilespmem:s13+$0xFFFFFF60];
	v5 =	vmul.f32 $1.442695020e+00, v5  }
0x1bb: {  	v7 =	vmul.f32 v16, v7;
	[tilespmem:s14+$0x0] =	vst v8;
	v8 =	vbroadcast v2, $0x3;
	v3 =	vadd.f32 v3, v11  }
0x1bc: {  	v22 =	vbroadcast v19, $0x2;
	v11 =	vld [tilespmem:s10+$0x10];
	(erf) = vpow2.f32 v5  }
0x1bd: {  	[tilespmem:s14+$0xFFFFFF00] =	vst v7;
	v5 =	vmul.f32 v13, v8;
	v8 =	vmul.f32 $2.000000030e-01, v3  }
0x1be: {  	v24 =	vbroadcast v19, $0x3;
	v7 =	vadd.f32 v12, v20;
	v12 =	vld [tilespmem:s10+$0xFFFFFEF0];
	vm13 =	vgt.f32 v3, $0.0e+00  }
0x1bf: {  	v9 =	vmul.f32 v10, v9;
	[tilespmem:s14+$0xB0] =	vst v5;
	v4 =	vadd.f32 v4, v14;
	v3 =	vsel vm13, v3, v8  }
0x1c0: {  	s20 =	simm.s32 $0x30C0;
	vm14 =	vgt.f32 v7, $0.0e+00;
	v5 =	vld [tilespmem:s10+$0xD0];
	v8 =	vmul.f32 $2.000000030e-01, v7;
	v3 =	vmul.f32 $1.442695020e+00, v3  }
0x1c1: {  	v49 =	vld [tilespmem:s20+$0x10];
	v10 =	vmul.f32 v15, v11;
	v11 =	vmul.f32 $2.000000030e-01, v4;
	vm15 =	vgt.f32 v4, $0.0e+00  }
0x1c2: {  	v57 =	vld [tilespmem:s20+$0xFFFFFFF0];
	v7 =	vsel vm14, v7, v8;
	(erf) = vpow2.f32 v3;
	v3 =	vbroadcast v2, $0x4  }
0x1c3: {  	v8 =	vld [tilespmem:s13+$0x90];
	v4 =	vsel vm15, v4, v11;
	v7 =	vmul.f32 $1.442695020e+00, v7;
	v11 =	vmul.f32 v21, v12;
	[tilespmem:s14+$0x10] =	vst v10  }
0x1c4: {  	v28 =	vbroadcast v19, $0x7;
	[tilespmem:s14+$0xFFFFFF90] =	vst v9;
	v4 =	vmul.f32 $1.442695020e+00, v4;
	v14 =	vld [tilespmem:s10+$0x20]  }
0x1c5: {  	v3 =	vmul.f32 v5, v3;
	(erf) = vpow2.f32 v7;
	v5 =	vld [tilespmem:s10+$0xFFFFFF90];
	[tilespmem:s14+$0xFFFFFF10] =	vst v11;
	v9 =	vpop (erf)  }
0x1c6: {  	(erf) = vpow2.f32 v4;
	v10 =	vld [tilespmem:s10+$0xFFFFFF00];
	v4 =	vbroadcast v9, $0x0  }
0x1c7: {  	v59 =	vld [tilespmem:s20+$0xFFFFFFE0];
	v16 =	vbroadcast v19, $0x6;
	v20 =	vbroadcast v18, $0x3;
	[tilespmem:s14+$0xC0] =	vst v3  }
0x1c8: {  	v13 =	vbroadcast v18, $0x4;
	v3 =	vmul.f32 v4, v8;
	v4 =	vld [tilespmem:s10+$0xE0]  }
0x1c9: {  	s15 =	simm.s32 $0x35A0;
	v15 =	vld [tilespmem:s13+$0xFFFFFF70];
	v12 =	vbroadcast v19, $0x4;
	v23 =	vmul.f32 v23, v14  }
0x1ca: {  	v21 =	vld [tilespmem:s13+$0x0];
	v7 =	vbroadcast v19, $0x5;
	v5 =	vmul.f32 v6, v5;
	[tilespmem:s15+$0x80] =	vst v3  }
0x1cb: {  	v10 =	vmul.f32 v22, v10;
	v22 =	vbroadcast v2, $0x5;
	[tilespmem:s14+$0x20] =	vst v23;
	v6 =	vld [tilespmem:s13+$0xA0]  }
0x1cc: {  	v11 =	vbroadcast v1, $0x5;
	v62 =	vbroadcast v9, $0x3;
	[tilespmem:s14+$0xFFFFFFA0] =	vst v5;
	v55 =	vld [tilespmem:s10+$0x30];
	v3 =	vpop (erf)  }
0x1cd: {  	v29 =	vld [tilespmem:s10+$0xFFFFFFA0];
	[tilespmem:s14+$0xFFFFFF20] =	vst v10;
	v26 =	vbroadcast v3, $0x0;
	v10 =	vmul.f32 v4, v22  }
0x1ce: {  	v8 =	vbroadcast v18, $0x5;
	v5 =	vld [tilespmem:s13+$0xFFFFFEE0];
	v22 =	vbroadcast v9, $0x1  }
0x1cf: {  	v2 =	vbroadcast v2, $0x7;
	v14 =	vpop (erf);
	v23 =	vld [tilespmem:s10+$0xFFFFFF10];
	v15 =	vmul.f32 v26, v15;
	[tilespmem:s14+$0xD0] =	vst v10  }
0x1d0: {  	v4 =	vpop (erf);
	v26 =	vbroadcast v14, $0x0;
	v22 =	vmul.f32 v22, v6;
	v30 =	vld [tilespmem:s10+$0xF0]  }
0x1d1: {  	s16 =	simm.s32 $0x1CC0;
	v10 =	vbroadcast v4, $0x0;
	v60 =	vmul.f32 v55, v20;
	v20 =	vld [tilespmem:s20+$0x0]  }
0x1d2: {  	v19 =	vbroadcast v3, $0x2;
	v17 =	vmul.f32 v29, v17;
	v29 =	vld [tilespmem:s16+$0x110];
	[tilespmem:s15+$0x90] =	vst v22  }
0x1d3: {  	[tilespmem:s15+$0xFFFFFF80] =	vst v15;
	v21 =	vmul.f32 v26, v21;
	v5 =	vmul.f32 v10, v5;
	v10 =	vld [tilespmem:s13+$0xB0]  }
0x1d4: {  	v33 =	vbroadcast v3, $0x3;
	v32 =	vbroadcast v3, $0x4;
	v26 =	vld [tilespmem:s13+$0xFFFFFF80]  }
0x1d5: {  	v56 =	vbroadcast v14, $0x1;
	v24 =	vmul.f32 v23, v24;
	v23 =	vld [tilespmem:s16+$0x80];
	[tilespmem:s15+$0x0] =	vst v21  }
0x1d6: {  	v51 =	vbroadcast v14, $0x2;
	[tilespmem:s15+$0xFFFFFF00] =	vst v5;
	v21 =	vbroadcast v9, $0x2;
	v5 =	vld [tilespmem:s13+$0x10]  }
0x1d7: {  	v48 =	vbroadcast v4, $0x1;
	v6 =	vbroadcast v1, $0x6;
	v22 =	vld [tilespmem:s13+$0xFFFFFEF0]  }
0x1d8: {  	v1 =	vbroadcast v18, $0x7;
	[tilespmem:s14+$0xFFFFFFB0] =	vst v17;
	v10 =	vmul.f32 v21, v10;
	v21 =	vld [tilespmem:s16+$0xFFFFFFF0]  }
0x1d9: {  	v15 =	vbroadcast v18, $0x6;
	v18 =	vbroadcast v3, $0x1;
	v63 =	vld [tilespmem:s10+$0xFFFFFFB0]  }
0x1da: {  	v50 =	vbroadcast v4, $0x2;
	v17 =	vld [tilespmem:s16+$0xFFFFFF60];
	v58 =	vmul.f32 v30, v31;
	v29 =	vadd.f32 v49, v29;
	[tilespmem:s15+$0xA0] =	vst v10  }
0x1db: {  	v30 =	vbroadcast v4, $0x3;
	v18 =	vmul.f32 v18, v26;
	v26 =	vld [tilespmem:s13+$0xC0]  }
0x1dc: {  	v31 =	vbroadcast v14, $0x3;
	v20 =	vadd.f32 v20, v23;
	v61 =	vmul.f32 $2.000000030e-01, v29  }
0x1dd: {  	[tilespmem:s14+$0xE0] =	vst v58;
	vm4 =	vgt.f32 v29, $0.0e+00;
	v22 =	vmul.f32 v48, v22;
	v39 =	vadd.f32 v57, v21  }
0x1de: {  	v53 =	vld [tilespmem:s16+$0xFFFFFF70];
	v5 =	vmul.f32 v56, v5;
	[tilespmem:s15+$0xFFFFFF90] =	vst v18;
	v25 =	vmul.f32 v63, v25;
	v29 =	vsel vm4, v29, v61  }
0x1df: {  	v48 =	vld [tilespmem:s10+$0x100];
	v18 =	vadd.f32 v59, v17;
	v29 =	vmul.f32 $1.442695020e+00, v29;
	[tilespmem:s15+$0xFFFFFF10] =	vst v22;
	v47 =	vmul.f32 $2.000000030e-01, v39  }
0x1e0: {  	vm6 =	vgt.f32 v20, $0.0e+00;
	[tilespmem:s15+$0x10] =	vst v5;
	v5 =	vld [tilespmem:s13+$0xFFFFFF00];
	vm5 =	vgt.f32 v39, $0.0e+00;
	v26 =	vmul.f32 v26, v62  }
0x1e1: {  	[tilespmem:s14+$0x30] =	vst v60;
	v52 =	vmul.f32 $2.000000030e-01, v18;
	v55 =	vld [tilespmem:s13+$0x20];
	(erf) = vpow2.f32 v29;
	v23 =	vsel vm5, v39, v47  }
0x1e2: {  	vm7 =	vgt.f32 v18, $0.0e+00;
	v29 =	vmul.f32 $2.000000030e-01, v20;
	[tilespmem:s15+$0xB0] =	vst v26;
	v17 =	vmul.f32 $1.442695020e+00, v23;
	v23 =	vld [tilespmem:s13+$0xFFFFFF90]  }
0x1e3: {  	v59 =	vbroadcast v9, $0x5;
	v10 =	vbroadcast v4, $0x4;
	[tilespmem:s14+$0xFFFFFFC0] =	vst v25;
	v18 =	vsel vm7, v18, v52;
	v26 =	vld [tilespmem:s13+$0xD0]  }
0x1e4: {  	[tilespmem:s14+$0xFFFFFF30] =	vst v24;
	v60 =	vld [tilespmem:s10+$0xFFFFFFC0];
	v21 =	vbroadcast v14, $0x4;
	v22 =	vmul.f32 $1.442695020e+00, v18;
	v20 =	vsel vm6, v20, v29  }
0x1e5: {  	v57 =	vld [tilespmem:s10+$0xFFFFFF20];
	v29 =	vbroadcast v9, $0x4;
	v20 =	vmul.f32 $1.442695020e+00, v20  }
0x1e6: {  	v54 =	vld [tilespmem:s16+$0x0];
	v5 =	vmul.f32 v50, v5;
	v34 =	vmul.f32 v51, v55  }
0x1e7: {  	v49 =	vld [tilespmem:s16+$0xFFFFFEE0];
	(erf) = vpow2.f32 v17;
	v19 =	vmul.f32 v19, v23  }
0x1e8: {  	v25 =	vld [tilespmem:s10+$0x40];
	[tilespmem:s15+$0xFFFFFF20] =	vst v5;
	(erf) = vpow2.f32 v20;
	v26 =	vmul.f32 v26, v29  }
0x1e9: {  	v18 =	vmul.f32 v48, v2;
	v2 =	vld [tilespmem:s16+$0x90];
	v35 =	vmul.f32 v60, v11;
	[tilespmem:s15+$0x20] =	vst v34  }
0x1ea: {  	v12 =	vmul.f32 v57, v12;
	v5 =	vbroadcast v14, $0x6;
	v62 =	vld [tilespmem:s13+$0xFFFFFF10];
	[tilespmem:s15+$0xC0] =	vst v26  }
0x1eb: {  	v17 =	vbroadcast v4, $0x5;
	(erf) = vpow2.f32 v22;
	[tilespmem:s15+$0xFFFFFFA0] =	vst v19;
	v26 =	vld [tilespmem:s13+$0xE0];
	v19 =	vpop (erf)  }
0x1ec: {  	v63 =	vld [tilespmem:s13+$0x30];
	v20 =	vbroadcast v14, $0x5;
	v58 =	vbroadcast v19, $0x0  }
0x1ed: {  	[tilespmem:s14+$0xFFFFFF40] =	vst v12;
	v22 =	vbroadcast v3, $0x6;
	v23 =	vbroadcast v3, $0x5;
	v56 =	vld [tilespmem:s13+$0xFFFFFFA0]  }
0x1ee: {  	s20 =	simm.s32 $0x1F00;
	v40 =	vld [tilespmem:s10+$0xFFFFFF30];
	v3 =	vbroadcast v3, $0x7;
	v2 =	vmul.f32 v58, v2  }
0x1ef: {  	s23 =	simm.s32 $0x3100;
	s17 =	simm.s32 $0x37A0;
	v60 =	vld [tilespmem:s20+$0x110];
	v29 =	vbroadcast v4, $0x6;
	v4 =	vbroadcast v4, $0x7  }
0x1f0: {  	v57 =	vld [tilespmem:s23+$0x10];
	v43 =	vmul.f32 v62, v30;
	v24 =	vpop (erf);
	v26 =	vmul.f32 v26, v59;
	[tilespmem:s17+$0x80] =	vst v2  }
0x1f1: {  	[tilespmem:s14+$0xFFFFFFD0] =	vst v35;
	v38 =	vmul.f32 v63, v31;
	v61 =	vbroadcast v24, $0x0;
	v34 =	vpop (erf);
	v50 =	vld [tilespmem:s16+$0xA0]  }
0x1f2: {  	v35 =	vld [tilespmem:s20+$0xFFFFFF60];
	v33 =	vmul.f32 v56, v33;
	[tilespmem:s15+$0xD0] =	vst v26;
	v26 =	vbroadcast v34, $0x0  }
0x1f3: {  	v40 =	vmul.f32 v40, v7;
	v2 =	vmul.f32 v61, v53;
	v51 =	vld [tilespmem:s13+$0xF0]  }
0x1f4: {  	v63 =	vld [tilespmem:s20+$0x80];
	v52 =	vbroadcast v19, $0x1;
	v37 =	vpop (erf);
	[tilespmem:s15+$0xFFFFFFB0] =	vst v33;
	v26 =	vmul.f32 v26, v54  }
0x1f5: {  	v58 =	vld [tilespmem:s20+$0xFFFFFFF0];
	[tilespmem:s17+$0xFFFFFF80] =	vst v2;
	v2 =	vmul.f32 v25, v13;
	v13 =	vbroadcast v37, $0x0  }
0x1f6: {  	v53 =	vbroadcast v9, $0x6;
	v61 =	vld [tilespmem:s23+$0xFFFFFFF0];
	[tilespmem:s17+$0x0] =	vst v26;
	v26 =	vmul.f32 v52, v50  }
0x1f7: {  	v39 =	vbroadcast v24, $0x2;
	v12 =	vld [tilespmem:s13+$0xFFFFFFB0];
	[tilespmem:s14+$0x40] =	vst v2;
	v13 =	vmul.f32 v13, v49  }
0x1f8: {  	v25 =	vld [tilespmem:s16+$0xFFFFFF80];
	v2 =	vbroadcast v14, $0x7;
	v14 =	vmul.f32 v51, v53;
	[tilespmem:s17+$0x90] =	vst v26  }
0x1f9: {  	v42 =	vbroadcast v24, $0x3;
	v36 =	vbroadcast v24, $0x4;
	[tilespmem:s17+$0xFFFFFF00] =	vst v13;
	v55 =	vld [tilespmem:s16+$0xB0]  }
0x1fa: {  	v47 =	vbroadcast v34, $0x2;
	v31 =	vbroadcast v34, $0x4;
	v13 =	vld [tilespmem:s16+$0x10];
	[tilespmem:s15+$0xE0] =	vst v14  }
0x1fb: {  	v56 =	vbroadcast v37, $0x1;
	v46 =	vbroadcast v37, $0x2;
	v45 =	vld [tilespmem:s13+$0x100]  }
0x1fc: {  	v59 =	vbroadcast v19, $0x2;
	v30 =	vbroadcast v37, $0x4;
	v41 =	vld [tilespmem:s10+$0x50]  }
0x1fd: {  	v54 =	vbroadcast v24, $0x1;
	v52 =	vld [tilespmem:s10+$0xFFFFFFD0];
	v14 =	vbroadcast v34, $0x1  }
0x1fe: {  	v9 =	vbroadcast v9, $0x7;
	v49 =	vadd.f32 v57, v60;
	v11 =	vld [tilespmem:s16+$0xFFFFFEF0];
	v33 =	vmul.f32 v59, v55  }
0x1ff: {  	v25 =	vmul.f32 v54, v25;
	v13 =	vmul.f32 v14, v13;
	v14 =	vld [tilespmem:s23+$0xFFFFFFE0]  }
0x200: {  	v59 =	vmul.f32 $2.000000030e-01, v49;
	[tilespmem:s17+$0xA0] =	vst v33;
	v33 =	vmul.f32 v45, v9;
	v9 =	vld [tilespmem:s23+$0x0]  }
0x201: {  	v7 =	vbroadcast v37, $0x6;
	v60 =	vbroadcast v19, $0x3;
	vm8 =	vgt.f32 v49, $0.0e+00;
	[tilespmem:s17+$0xFFFFFF90] =	vst v25;
	v62 =	vld [tilespmem:s16+$0xC0]  }
0x202: {  	v26 =	vbroadcast v34, $0x3;
	v54 =	vmul.f32 v12, v32;
	v48 =	vld [tilespmem:s16+$0xFFFFFF90];
	v45 =	vsel vm8, v49, v59  }
0x203: {  	v32 =	vbroadcast v24, $0x5;
	v45 =	vmul.f32 $1.442695020e+00, v45  }
0x204: {  	v51 =	vadd.f32 v61, v58;
	v53 =	vld [tilespmem:s20+$0xFFFFFF70];
	v41 =	vmul.f32 v41, v8;
	[tilespmem:s15+$0xFFFFFFC0] =	vst v54;
	v44 =	vmul.f32 v56, v11  }
0x205: {  	[tilespmem:s14+$0xFFFFFF50] =	vst v40;
	v54 =	vld [tilespmem:s13+$0xFFFFFFC0];
	v40 =	vmul.f32 v52, v6;
	(erf) = vpow2.f32 v45;
	v9 =	vadd.f32 v9, v63  }
0x206: {  	v56 =	vld [tilespmem:s20+$0x0];
	[tilespmem:s17+$0xFFFFFF10] =	vst v44;
	v14 =	vadd.f32 v14, v35;
	v61 =	vmul.f32 v62, v60;
	v62 =	vmul.f32 $2.000000030e-01, v51  }
0x207: {  	vm9 =	vgt.f32 v51, $0.0e+00;
	[tilespmem:s17+$0x10] =	vst v13;
	v57 =	vld [tilespmem:s16+$0xFFFFFF00];
	v39 =	vmul.f32 v39, v48;
	v8 =	vmul.f32 $2.000000030e-01, v9  }
0x208: {  	v58 =	vld [tilespmem:s16+$0x20];
	v59 =	vmul.f32 $2.000000030e-01, v14;
	vm10 =	vgt.f32 v9, $0.0e+00;
	[tilespmem:s17+$0xB0] =	vst v61;
	v63 =	vsel vm9, v51, v62  }
0x209: {  	vm11 =	vgt.f32 v14, $0.0e+00;
	v35 =	vld [tilespmem:s16+$0xD0];
	v55 =	vmul.f32 $1.442695020e+00, v63;
	v8 =	vsel vm10, v9, v8  }
0x20a: {  	[tilespmem:s15+$0xFFFFFF30] =	vst v43;
	v23 =	vmul.f32 v54, v23;
	v14 =	vsel vm11, v14, v59;
	v59 =	vld [tilespmem:s10+$0xFFFFFF40];
	v62 =	vmul.f32 $1.442695020e+00, v8  }
0x20b: {  	[tilespmem:s17+$0xFFFFFFA0] =	vst v39;
	v14 =	vmul.f32 $1.442695020e+00, v14;
	v61 =	vld [tilespmem:s13+$0xFFFFFF20];
	(erf) = vpow2.f32 v55  }
0x20c: {  	[tilespmem:s15+$0x30] =	vst v38;
	v60 =	vld [tilespmem:s16+$0xFFFFFFA0];
	v9 =	vbroadcast v19, $0x4;
	(erf) = vpow2.f32 v62  }
0x20d: {  	[tilespmem:s14+$0x50] =	vst v41;
	v6 =	vmul.f32 v47, v58;
	v55 =	vmul.f32 v46, v57;
	v57 =	vld [tilespmem:s20+$0x90]  }
0x20e: {  	v12 =	vbroadcast v34, $0x5;
	v48 =	vld [tilespmem:s20+$0xFFFFFEE0];
	[tilespmem:s15+$0xFFFFFFD0] =	vst v23;
	v9 =	vmul.f32 v35, v9  }
0x20f: {  	[tilespmem:s17+$0x20] =	vst v6;
	v63 =	vld [tilespmem:s13+$0x40];
	v16 =	vmul.f32 v59, v16;
	(erf) = vpow2.f32 v14;
	v14 =	vpop (erf)  }
0x210: {  	v41 =	vld [tilespmem:s13+$0xFFFFFFD0];
	v6 =	vmul.f32 v61, v10;
	v10 =	vbroadcast v14, $0x0;
	[tilespmem:s17+$0xC0] =	vst v9  }
0x211: {  	v25 =	vbroadcast v37, $0x3;
	v42 =	vmul.f32 v60, v42;
	[tilespmem:s14+$0xFFFFFF60] =	vst v16;
	v58 =	vld [tilespmem:s16+$0xE0]  }
0x212: {  	v11 =	vbroadcast v37, $0x5;
	v16 =	vld [tilespmem:s10+$0x60];
	[tilespmem:s17+$0xFFFFFF20] =	vst v55;
	v45 =	vmul.f32 v10, v57  }
0x213: {  	s19 =	simm.s32 $0x39A0;
	v13 =	vbroadcast v24, $0x6;
	v60 =	vbroadcast v19, $0x5;
	[tilespmem:s17+$0xFFFFFFB0] =	vst v42;
	v42 =	vld [tilespmem:s16+$0x30]  }
0x214: {  	v38 =	vld [tilespmem:s16+$0xFFFFFF10];
	v21 =	vmul.f32 v63, v21;
	v9 =	vbroadcast v37, $0x7;
	[tilespmem:s19+$0x80] =	vst v45;
	v44 =	vpop (erf)  }
0x215: {  	[tilespmem:s14+$0xFFFFFFE0] =	vst v40;
	v10 =	vbroadcast v24, $0x7;
	v63 =	vld [tilespmem:s20+$0xA0];
	v61 =	vbroadcast v44, $0x0;
	v37 =	vpop (erf)  }
0x216: {  	v46 =	vld [tilespmem:s16+$0xFFFFFFB0];
	[tilespmem:s15+$0xFFFFFF40] =	vst v6;
	v24 =	vmul.f32 v58, v60;
	v59 =	vbroadcast v37, $0x0  }
0x217: {  	v40 =	vmul.f32 v41, v22;
	[tilespmem:s15+$0x40] =	vst v21;
	v21 =	vld [tilespmem:s13+$0xFFFFFF30];
	v62 =	vmul.f32 v61, v53  }
0x218: {  	v39 =	vld [tilespmem:s13+$0x50];
	v45 =	vpop (erf);
	v61 =	vbroadcast v14, $0x1;
	[tilespmem:s17+$0xD0] =	vst v24;
	v43 =	vmul.f32 v59, v56  }
0x219: {  	v8 =	vbroadcast v34, $0x6;
	v57 =	vbroadcast v45, $0x0;
	v60 =	vld [tilespmem:s16+$0xF0];
	[tilespmem:s19+$0xFFFFFF80] =	vst v62  }
0x21a: {  	v6 =	vbroadcast v34, $0x7;
	v35 =	vmul.f32 v61, v63;
	v58 =	vld [tilespmem:s20+$0xFFFFFF80];
	[tilespmem:s19+$0x0] =	vst v43  }
0x21b: {  	s23 =	simm.s32 $0x2140;
	v42 =	vmul.f32 v42, v26;
	v34 =	vmul.f32 v57, v48;
	v63 =	vld [tilespmem:s20+$0x10]  }
0x21c: {  	v56 =	vmul.f32 v21, v17;
	v17 =	vld [tilespmem:s23+$0x80];
	v62 =	vbroadcast v19, $0x6;
	[tilespmem:s19+$0x90] =	vst v35  }
0x21d: {  	v38 =	vmul.f32 v38, v25;
	v24 =	vbroadcast v44, $0x1;
	[tilespmem:s19+$0xFFFFFF00] =	vst v34;
	v61 =	vld [tilespmem:s20+$0xB0]  }
0x21e: {  	v43 =	vbroadcast v37, $0x1;
	v59 =	vmul.f32 v60, v62;
	v60 =	vld [tilespmem:s20+$0xFFFFFEF0]  }
0x21f: {  	s0 =	simm.s32 $0x3140;
	v36 =	vmul.f32 v46, v36;
	v24 =	vmul.f32 v24, v58;
	v58 =	vld [tilespmem:s23+$0x110]  }
0x220: {  	v23 =	vbroadcast v44, $0x2;
	v43 =	vmul.f32 v43, v63;
	v63 =	vld [tilespmem:s0+$0x10]  }
0x221: {  	v51 =	vbroadcast v44, $0x3;
	v26 =	vbroadcast v44, $0x4;
	[tilespmem:s17+$0xE0] =	vst v59;
	v59 =	vld [tilespmem:s23+$0xFFFFFFF0]  }
0x222: {  	v39 =	vmul.f32 v39, v20;
	v57 =	vbroadcast v14, $0x2;
	v55 =	vld [tilespmem:s16+$0x100];
	[tilespmem:s19+$0xFFFFFF90] =	vst v24  }
0x223: {  	v47 =	vbroadcast v45, $0x1;
	v49 =	vbroadcast v45, $0x2;
	v62 =	vld [tilespmem:s20+$0xFFFFFF90]  }
0x224: {  	v53 =	vbroadcast v37, $0x2;
	v54 =	vmul.f32 v57, v61;
	v57 =	vld [tilespmem:s0+$0xFFFFFFE0]  }
0x225: {  	[tilespmem:s14+$0xF0] =	vst v18;
	v25 =	vbroadcast v45, $0x4;
	v18 =	vbroadcast v45, $0x6;
	v61 =	vld [tilespmem:s0+$0xFFFFFFF0]  }
0x226: {  	v21 =	vbroadcast v37, $0x5;
	v34 =	vbroadcast v45, $0x3;
	v20 =	vadd.f32 v63, v58;
	v63 =	vld [tilespmem:s0+$0x0]  }
0x227: {  	v47 =	vmul.f32 v47, v60;
	[tilespmem:s19+$0xA0] =	vst v54;
	v58 =	vmul.f32 v16, v15;
	v16 =	vld [tilespmem:s23+$0xFFFFFF60]  }
0x228: {  	v60 =	vbroadcast v19, $0x7;
	v54 =	vmul.f32 v23, v62;
	v62 =	vld [tilespmem:s20+$0xC0]  }
0x229: {  	[tilespmem:s15+$0xF0] =	vst v33;
	v35 =	vbroadcast v37, $0x3;
	v15 =	vmul.f32 $2.000000030e-01, v20  }
0x22a: {  	v33 =	vld [tilespmem:s10+$0xFFFFFFE0];
	[tilespmem:s17+$0xFFFFFF30] =	vst v38;
	v24 =	vbroadcast v37, $0x4;
	v48 =	vmul.f32 v55, v60;
	vm12 =	vgt.f32 v20, $0.0e+00  }
0x22b: {  	v52 =	vld [tilespmem:s10+$0xFFFFFF50];
	[tilespmem:s17+$0xFFFFFFC0] =	vst v36;
	v60 =	vbroadcast v14, $0x3;
	v61 =	vadd.f32 v61, v59;
	v15 =	vsel vm12, v20, v15  }
0x22c: {  	v46 =	vld [tilespmem:s23+$0xFFFFFF70];
	v19 =	vbroadcast v45, $0x5;
	[tilespmem:s19+$0xFFFFFF10] =	vst v47;
	v63 =	vadd.f32 v63, v17;
	v17 =	vmul.f32 $1.442695020e+00, v15  }
0x22d: {  	[tilespmem:s19+$0x10] =	vst v43;
	v50 =	vadd.f32 v57, v16;
	v57 =	vld [tilespmem:s20+$0xFFFFFF00];
	v20 =	vmul.f32 v62, v60;
	v62 =	vmul.f32 $2.000000030e-01, v61  }
0x22e: {  	v38 =	vld [tilespmem:s16+$0xFFFFFFC0];
	vm13 =	vgt.f32 v61, $0.0e+00;
	[tilespmem:s17+$0xF0] =	vst v48;
	v48 =	vbroadcast v14, $0x4;
	v15 =	vbroadcast v37, $0x6  }
0x22f: {  	v43 =	vld [tilespmem:s20+$0x20];
	(erf) = vpow2.f32 v17;
	v17 =	vbroadcast v45, $0x7;
	[tilespmem:s19+$0xB0] =	vst v20;
	v16 =	vsel vm13, v61, v62  }
0x230: {  	[tilespmem:s15+$0xFFFFFFE0] =	vst v40;
	v61 =	vmul.f32 $2.000000030e-01, v63;
	v60 =	vld [tilespmem:s20+$0xD0];
	v16 =	vmul.f32 $1.442695020e+00, v16  }
0x231: {  	[tilespmem:s19+$0xFFFFFFA0] =	vst v54;
	vm14 =	vgt.f32 v63, $0.0e+00;
	vm15 =	vgt.f32 v50, $0.0e+00;
	v45 =	vld [tilespmem:s16+$0xFFFFFF20];
	v62 =	vmul.f32 $2.000000030e-01, v50  }
0x232: {  	[tilespmem:s15+$0xFFFFFF50] =	vst v56;
	v56 =	vmul.f32 v49, v57;
	v41 =	vsel vm14, v63, v61;
	v63 =	vld [tilespmem:s20+$0xFFFFFFA0];
	(erf) = vpow2.f32 v16  }
0x233: {  	[tilespmem:s17+$0x30] =	vst v42;
	v47 =	vld [tilespmem:s23+$0x0];
	v50 =	vsel vm15, v50, v62;
	v62 =	vmul.f32 v52, v28;
	v16 =	vbroadcast v37, $0x7  }
0x234: {  	[tilespmem:s14+$0x60] =	vst v58;
	v54 =	vld [tilespmem:s16+$0x40];
	v41 =	vmul.f32 $1.442695020e+00, v41;
	v37 =	vmul.f32 $1.442695020e+00, v50  }
0x235: {  	v57 =	vld [tilespmem:s13+$0xFFFFFF40];
	[tilespmem:s19+$0xFFFFFF20] =	vst v56;
	v50 =	vmul.f32 v33, v27;
	v36 =	vmul.f32 v60, v48  }
0x236: {  	v61 =	vld [tilespmem:s23+$0x90];
	v27 =	vmul.f32 v45, v30;
	[tilespmem:s14+$0xFFFFFF70] =	vst v62;
	(erf) = vpow2.f32 v41  }
0x237: {  	v59 =	vld [tilespmem:s23+$0xFFFFFEE0];
	(erf) = vpow2.f32 v37;
	v28 =	vmul.f32 v63, v51;
	[tilespmem:s19+$0xC0] =	vst v36  }
0x238: {  	v22 =	vbroadcast v44, $0x6;
	[tilespmem:s17+$0xFFFFFF40] =	vst v27;
	v60 =	vmul.f32 v53, v43;
	v33 =	vpop (erf);
	v63 =	vld [tilespmem:s20+$0xE0]  }
0x239: {  	v41 =	vld [tilespmem:s16+$0xFFFFFF30];
	v30 =	vbroadcast v33, $0x0;
	[tilespmem:s19+$0xFFFFFFB0] =	vst v28;
	v28 =	vmul.f32 v54, v31  }
0x23a: {  	v45 =	vbroadcast v14, $0x5;
	v29 =	vmul.f32 v57, v29;
	v37 =	vld [tilespmem:s13+$0xFFFFFFE0];
	[tilespmem:s19+$0x20] =	vst v60  }
0x23b: {  	v51 =	vld [tilespmem:s20+$0xFFFFFF10];
	v31 =	vmul.f32 v38, v32;
	[tilespmem:s17+$0x40] =	vst v28;
	v28 =	vmul.f32 v30, v61;
	v27 =	vpop (erf)  }
0x23c: {  	v23 =	vbroadcast v44, $0x5;
	[tilespmem:s15+$0xFFFFFF60] =	vst v29;
	v53 =	vld [tilespmem:s20+$0x30];
	v30 =	vbroadcast v27, $0x0  }
0x23d: {  	s28 =	simm.s32 $0x3BA0;
	v20 =	vbroadcast v44, $0x7;
	v36 =	vld [tilespmem:s10+$0x70];
	[tilespmem:s17+$0xFFFFFFD0] =	vst v31;
	v31 =	vmul.f32 v63, v45  }
0x23e: {  	v62 =	vbroadcast v14, $0x6;
	v43 =	vld [tilespmem:s13+$0xFFFFFF50];
	v52 =	vbroadcast v27, $0x1;
	[tilespmem:s28+$0x80] =	vst v28  }
0x23f: {  	v32 =	vbroadcast v27, $0x3;
	v57 =	vld [tilespmem:s23+$0xA0];
	v46 =	vmul.f32 v30, v46;
	v28 =	vpop (erf);
	[tilespmem:s19+$0xD0] =	vst v31  }
0x240: {  	v45 =	vbroadcast v27, $0x2;
	v31 =	vbroadcast v28, $0x0;
	v30 =	vpop (erf);
	v49 =	vld [tilespmem:s20+$0xF0]  }
0x241: {  	v44 =	vld [tilespmem:s20+$0xFFFFFFB0];
	v53 =	vmul.f32 v53, v35;
	[tilespmem:s28+$0xFFFFFF80] =	vst v46;
	v60 =	vbroadcast v30, $0x0  }
0x242: {  	v55 =	vld [tilespmem:s23+$0xFFFFFF80];
	v29 =	vmul.f32 v31, v47;
	v31 =	vbroadcast v33, $0x1  }
0x243: {  	[tilespmem:s15+$0x50] =	vst v39;
	v42 =	vld [tilespmem:s16+$0x50];
	v54 =	vbroadcast v28, $0x1;
	v61 =	vmul.f32 v60, v59  }
0x244: {  	v39 =	vld [tilespmem:s16+$0xFFFFFFD0];
	v38 =	vbroadcast v28, $0x2;
	[tilespmem:s28+$0x0] =	vst v29;
	v63 =	vmul.f32 v31, v57  }
0x245: {  	v35 =	vbroadcast v28, $0x4;
	v60 =	vld [tilespmem:s23+$0x10];
	[tilespmem:s28+$0xFFFFFF00] =	vst v61;
	v61 =	vmul.f32 v49, v62  }
0x246: {  	v48 =	vbroadcast v30, $0x1;
	v40 =	vbroadcast v30, $0x2;
	[tilespmem:s28+$0x90] =	vst v63;
	v49 =	vld [tilespmem:s23+$0xFFFFFEF0]  }
0x247: {  	v47 =	vbroadcast v27, $0x4;
	v62 =	vmul.f32 v52, v55;
	v52 =	vld [tilespmem:s23+$0xB0];
	[tilespmem:s19+$0xE0] =	vst v61  }
0x248: {  	[tilespmem:s14+$0xFFFFFFF0] =	vst v50;
	v31 =	vbroadcast v30, $0x3;
	v63 =	vmul.f32 v51, v34;
	v50 =	vld [tilespmem:s20+$0x100]  }
0x249: {  	v46 =	vld [tilespmem:s13+$0x60];
	v29 =	vbroadcast v28, $0x3;
	v34 =	vbroadcast v30, $0x4;
	[tilespmem:s28+$0xFFFFFF90] =	vst v62  }
0x24a: {  	s29 =	simm.s32 $0x10;
	s22 =	simm.s32 $0x3BA0;
	s1 =	simm.s32 $0x2380;
	v55 =	vbroadcast v33, $0x2;
	[tilespmem:s19+$0xFFFFFF30] =	vst v63;
	v51 =	vld [tilespmem:s23+$0xFFFFFF90];
	v54 =	vmul.f32 v54, v60  }
.LBB2_7:
0x24b: {  	v56 =	vld [tilespmem:s1+$0x110];
	v48 =	vmul.f32 v48, v49;
	s0 =	sadd.s32 $0x40, s0;
	[tilespmem:s19+$0x30] =	vst v53;
	v49 =	vbroadcast v14, $0x7;
	v14 =	vmov v33  }
0x24c: {  	v44 =	vmul.f32 v44, v26;
	v26 =	vmov v47;
	v33 =	vld [tilespmem:s0+$0x10];
	[tilespmem:s28+$0x10] =	vst v54;
	v52 =	vmul.f32 v55, v52  }
0x24d: {  	s29 =	sadd.s32 $0x4, s29;
	v47 =	vbroadcast v30, $0x5;
	v53 =	vld [tilespmem:s0+$0xFFFFFFE0];
	[tilespmem:s28+$0xFFFFFF10] =	vst v48;
	v48 =	vmul.f32 v50, v49  }
0x24e: {  	p1 =	slt.u32 s29, $0x24;
	v54 =	vbroadcast v28, $0x5;
	v50 =	vbroadcast v27, $0x5;
	v49 =	vld [tilespmem:s1+$0xFFFFFFF0];
	[tilespmem:s28+$0xA0] =	vst v52  }
0x24f: {  	v41 =	vmul.f32 v41, v11;
	v11 =	vmovc v19;
	v19 =	vmov v47;
	v52 =	vld [tilespmem:s0+$0xFFFFFFF0];
	v45 =	vmul.f32 v45, v51;
	[tilespmem:s19+$0xF0] =	vst v48  }
0x250: {  	v42 =	vmul.f32 v42, v12;
	v12 =	vmovc v21;
	v21 =	vmov v54;
	v48 =	vbroadcast v30, $0x6;
	v51 =	vld [tilespmem:s23+$0xC0];
	[tilespmem:s19+$0xFFFFFFC0] =	vst v44  }
0x251: {  	v47 =	vbroadcast v28, $0x6;
	v44 =	vld [tilespmem:s1+$0x80];
	v33 =	vadd.f32 v33, v56;
	[tilespmem:s28+$0xFFFFFFA0] =	vst v45;
	v45 =	vbroadcast v27, $0x6  }
0x252: {  	v39 =	vmul.f32 v39, v13;
	v13 =	vmovc v22;
	v54 =	vld [tilespmem:s0+$0x0];
	[tilespmem:s17+$0xFFFFFF50] =	vst v41;
	v41 =	vmul.f32 v46, v5;
	v5 =	vmov v8  }
0x253: {  	v56 =	vbroadcast v14, $0x3;
	v8 =	vmovc v15;
	v15 =	vmovc v47;
	v46 =	vld [tilespmem:s1+$0xFFFFFF60];
	v55 =	vmul.f32 $2.000000030e-01, v33;
	[tilespmem:s17+$0x50] =	vst v42;
	v22 =	vmov v45  }
0x254: {  	v30 =	vbroadcast v30, $0x7;
	vm0 =	vgt.f32 v33, $0.0e+00;
	v47 =	vld [tilespmem:s1+$0xFFFFFEE0];
	v42 =	vadd.f32 v52, v49;
	[tilespmem:s17+$0xFFFFFFE0] =	vst v39  }
0x255: {  	v27 =	vbroadcast v27, $0x7;
	v49 =	vld [tilespmem:s1+$0xFFFFFF70];
	v33 =	vsel vm0, v33, v55;
	v39 =	vmul.f32 v51, v56;
	[tilespmem:s15+$0x60] =	vst v41  }
0x256: {  	vm0 =	vgt.f32 v42, $0.0e+00;
	v41 =	vmul.f32 $2.000000030e-01, v42;
	v51 =	vld [tilespmem:s1+$0x0];
	v33 =	vmul.f32 $1.442695020e+00, v33  }
0x257: {  	v28 =	vbroadcast v28, $0x7;
	v44 =	vadd.f32 v54, v44;
	v45 =	vld [tilespmem:s23+$0xFFFFFF00];
	[tilespmem:s28+$0xB0] =	vst v39;
	v39 =	vmul.f32 v43, v4;
	v4 =	vmovc v9  }
0x258: {  	v9 =	vmovc v17;
	v17 =	vmovc v30;
	v43 =	vadd.f32 v53, v46;
	v41 =	vsel vm0, v42, v41;
	(erf) = vpow2.f32 v33;
	v33 =	vld [tilespmem:s23+$0xD0]  }
0x259: {  	v30 =	vmul.f32 $1.442695020e+00, v41;
	vm0 =	vgt.f32 v44, $0.0e+00;
	v41 =	vmul.f32 $2.000000030e-01, v44;
	v42 =	vld [tilespmem:s23+$0x20];
	[tilespmem:s15+$0xFFFFFF70] =	vst v39  }
0x25a: {  	v37 =	vmul.f32 v37, v3;
	v3 =	vmovc v10;
	v10 =	vmovc v20;
	vm1 =	vgt.f32 v43, $0.0e+00;
	v39 =	vmul.f32 $2.000000030e-01, v43;
	v46 =	vld [tilespmem:s23+$0xFFFFFFA0]  }
0x25b: {  	v20 =	vmovc v27;
	v41 =	vsel vm0, v44, v41;
	(erf) = vpow2.f32 v30;
	v30 =	vbroadcast v14, $0x4;
	v44 =	vld [tilespmem:s20+$0xFFFFFF20]  }
0x25c: {  	v27 =	vsel vm1, v43, v39;
	v39 =	vmul.f32 $1.442695020e+00, v41;
	v40 =	vmul.f32 v40, v45;
	v41 =	vld [tilespmem:s20+$0x40];
	[tilespmem:s15+$0xFFFFFFF0] =	vst v37  }
0x25d: {  	v27 =	vmul.f32 $1.442695020e+00, v27;
	v30 =	vmul.f32 v33, v30;
	v37 =	vld [tilespmem:s20+$0xFFFFFFC0]  }
0x25e: {  	(erf) = vpow2.f32 v39;
	[tilespmem:s28+$0xFFFFFF20] =	vst v40;
	v40 =	vmul.f32 v38, v42;
	v38 =	vld [tilespmem:s16+$0xFFFFFF40]  }
0x25f: {  	v39 =	vld [tilespmem:s1+$0x90];
	(erf) = vpow2.f32 v27;
	v27 =	vmul.f32 v46, v32;
	[tilespmem:s28+$0xC0] =	vst v30  }
0x260: {  	v36 =	vmul.f32 v36, v1;
	v1 =	vmovc v2;
	v2 =	vmov v6;
	[tilespmem:s28+$0x20] =	vst v40;
	v30 =	vld [tilespmem:s23+$0xE0];
	v40 =	vmul.f32 v44, v25  }
0x261: {  	v6 =	vmov v16;
	v16 =	vmov v28;
	v33 =	vpop (erf);
	v53 =	vld [tilespmem:s23+$0xFFFFFF10];
	[tilespmem:s28+$0xFFFFFFB0] =	vst v27;
	v41 =	vmul.f32 v41, v24  }
0x262: {  	v25 =	vmovc v34;
	v24 =	vmovc v35;
	v28 =	vbroadcast v33, $0x0;
	v54 =	vld [tilespmem:s23+$0x30];
	[tilespmem:s19+$0xFFFFFF40] =	vst v40;
	v32 =	vmul.f32 v37, v23;
	v23 =	vmov v50  }
0x263: {  	v34 =	vbroadcast v14, $0x5;
	v44 =	vld [tilespmem:s23+$0xFFFFFFB0];
	[tilespmem:s19+$0x40] =	vst v41;
	v35 =	vmul.f32 v38, v7;
	v7 =	vmovc v18;
	v18 =	vmov v48  }
0x264: {  	v38 =	vmul.f32 v28, v39;
	v27 =	vpop (erf);
	v41 =	vld [tilespmem:s20+$0xFFFFFF30];
	[tilespmem:s19+$0xFFFFFFD0] =	vst v32  }
0x265: {  	s28 =	sadd.s32 $0x200, s28;
	v32 =	vbroadcast v27, $0x0;
	v40 =	vmul.f32 v30, v34;
	v42 =	vld [tilespmem:s20+$0x50];
	[tilespmem:s17+$0xFFFFFF60] =	vst v35  }
0x266: {  	v34 =	vbroadcast v27, $0x1;
	v45 =	vbroadcast v27, $0x2;
	[tilespmem:s28+$0x80] =	vst v38;
	v39 =	vld [tilespmem:s20+$0xFFFFFFD0]  }
0x267: {  	v35 =	vmul.f32 v32, v49;
	v32 =	vbroadcast v27, $0x3;
	v37 =	vld [tilespmem:s1+$0xA0];
	v28 =	vpop (erf);
	[tilespmem:s22+$0xD0] =	vst v40  }
0x268: {  	v38 =	vbroadcast v28, $0x0;
	v55 =	vbroadcast v28, $0x1;
	v30 =	vpop (erf);
	v49 =	vld [tilespmem:s23+$0xF0];
	[tilespmem:s14+$0x70] =	vst v36;
	s14 =	smov.u32 s15;
	s15 =	smov.u32 s17;
	s17 =	smov.u32 s19  }
0x269: {  	s19 =	smov.u32 s22;
	s22 =	smov.u32 s28;
	v36 =	vbroadcast v30, $0x0;
	v48 =	vbroadcast v30, $0x1;
	[tilespmem:s28+$0xFFFFFF80] =	vst v35;
	v46 =	vld [tilespmem:s16+$0x60]  }
0x26a: {  	v50 =	vbroadcast v33, $0x1;
	v35 =	vld [tilespmem:s1+$0xFFFFFF80];
	v38 =	vmul.f32 v38, v51  }
0x26b: {  	v36 =	vmul.f32 v36, v47;
	v47 =	vbroadcast v14, $0x6;
	v43 =	vld [tilespmem:s16+$0xFFFFFF50]  }
0x26c: {  	v40 =	vbroadcast v30, $0x2;
	[tilespmem:s28+$0x0] =	vst v38;
	v50 =	vmul.f32 v50, v37;
	v37 =	vld [tilespmem:s16+$0xFFFFFFE0]  }
0x26d: {  	v38 =	vbroadcast v28, $0x2;
	[tilespmem:s28+$0xFFFFFF00] =	vst v36;
	v56 =	vld [tilespmem:s1+$0x10];
	v36 =	vmul.f32 v49, v47  }
.Ltmp2:
0x26e: {  	v51 =	vbroadcast v28, $0x3;
	v47 =	vbroadcast v30, $0x3;
	v49 =	vld [tilespmem:s1+$0xFFFFFEF0];
	[tilespmem:s28+$0x90] =	vst v50;
	(pc) =	sbr.rel @p1 .LBB2_7-.Ltmp2, $4  }
0x26f: {  	v57 =	vmul.f32 v53, v31;
	v35 =	vmul.f32 v34, v35;
	v52 =	vld [tilespmem:s1+$0xB0];
	[tilespmem:s19+$0xE0] =	vst v36  }
0x270: {  	v53 =	vmul.f32 v54, v29;
	v29 =	vmovc v51;
	v34 =	vbroadcast v30, $0x4;
	v31 =	vmov v47;
	v50 =	vld [tilespmem:s23+$0x100]  }
0x271: {  	v47 =	vbroadcast v27, $0x4;
	[tilespmem:s28+$0xFFFFFF90] =	vst v35;
	v35 =	vbroadcast v28, $0x4;
	v36 =	vld [tilespmem:s13+$0x70];
	s13 =	smov.u32 s16;
	s16 =	smov.u32 s20;
	s20 =	smov.u32 s23  }
0x272: {  	s23 =	smov.u32 s1;
	v51 =	vld [tilespmem:s1+$0xFFFFFF90];
	v54 =	vmul.f32 v55, v56;
	v55 =	vbroadcast v33, $0x2;
	[tilespmem:s19+$0xFFFFFF30] =	vst v57;
	s1 =	sadd.s32 $0x240, s1  }
0x273: {  	_ = 	snop  }
0x274: {  	v52 =	vmul.f32 v55, v52;
	_ =	sdelay $0x1  }
0x275: {  	[tilespmem:s28+$0xA0] =	vst v52  }
0x276: {  	v52 =	vld [tilespmem:s23+$0xC0];
	_ =	sdelay $0x2  }
0x277: {  	v59 =	vbroadcast v33, $0x3;
	_ =	sdelay $0x1  }
0x278: {  	v52 =	vmul.f32 v52, v59;
	_ =	sdelay $0x1  }
0x279: {  	v48 =	vmul.f32 v48, v49;
	[tilespmem:s28+$0xB0] =	vst v52  }
0x27a: {  	v60 =	vld [tilespmem:s23+$0xD0]  }
0x27b: {  	[tilespmem:s28+$0xFFFFFF10] =	vst v48  }
0x27c: {  	v48 =	vld [tilespmem:s23+$0xFFFFFF00]  }
0x27d: {  	[tilespmem:s19+$0x30] =	vst v53;
	v61 =	vbroadcast v33, $0x4;
	v26 =	vmul.f32 v44, v26  }
0x27e: {  	v11 =	vmul.f32 v41, v11;
	[tilespmem:s28+$0x10] =	vst v54  }
0x27f: {  	v62 =	vld [tilespmem:s23+$0x20];
	[tilespmem:s19+$0xFFFFFFC0] =	vst v26;
	v63 =	vmul.f32 v60, v61  }
0x280: {  	v12 =	vmul.f32 v42, v12;
	[tilespmem:s17+$0xFFFFFF50] =	vst v11  }
0x281: {  	v48 =	vmul.f32 v40, v48;
	[tilespmem:s28+$0xC0] =	vst v63  }
0x282: {  	v14 =	vbroadcast v14, $0x7;
	[tilespmem:s17+$0x50] =	vst v12;
	v45 =	vmul.f32 v45, v51;
	v49 =	vld [tilespmem:s23+$0xE0]  }
0x283: {  	v13 =	vmul.f32 v39, v13;
	[tilespmem:s28+$0xFFFFFF20] =	vst v48  }
0x284: {  	v14 =	vmul.f32 v50, v14;
	[tilespmem:s28+$0xFFFFFFA0] =	vst v45;
	v50 =	vmul.f32 v38, v62;
	v51 =	vld [tilespmem:s23+$0xFFFFFF10]  }
0x285: {  	v53 =	vbroadcast v33, $0x5;
	v5 =	vmul.f32 v46, v5;
	[tilespmem:s17+$0xFFFFFFE0] =	vst v13;
	v52 =	vld [tilespmem:s23+$0xFFFFFFA0]  }
0x286: {  	v4 =	vmul.f32 v43, v4;
	v55 =	vld [tilespmem:s20+$0xFFFFFF20];
	[tilespmem:s28+$0x20] =	vst v50  }
0x287: {  	[tilespmem:s15+$0x60] =	vst v5;
	v11 =	vld [tilespmem:s23+$0x30];
	v54 =	vmul.f32 v49, v53  }
0x288: {  	v3 =	vmul.f32 v37, v3;
	v56 =	vld [tilespmem:s20+$0x40];
	[tilespmem:s15+$0xFFFFFF70] =	vst v4  }
0x289: {  	v57 =	vmul.f32 v51, v31;
	[tilespmem:s22+$0xD0] =	vst v54  }
0x28a: {  	[tilespmem:s15+$0xFFFFFFF0] =	vst v3;
	v58 =	vmul.f32 v52, v32;
	v59 =	vld [tilespmem:s23+$0xF0]  }
0x28b: {  	v3 =	vmul.f32 v55, v25;
	[tilespmem:s22+$0xFFFFFF30] =	vst v57  }
0x28c: {  	v61 =	vmul.f32 v11, v29;
	[tilespmem:s28+$0xFFFFFFB0] =	vst v58;
	v62 =	vld [tilespmem:s23+$0xFFFFFF20]  }
0x28d: {  	v24 =	vmul.f32 v56, v24;
	[tilespmem:s19+$0xFFFFFF40] =	vst v3;
	v29 =	vbroadcast v33, $0x6;
	v63 =	vld [tilespmem:s23+$0xFFFFFFB0]  }
0x28e: {  	v37 =	vld [tilespmem:s20+$0xFFFFFF30];
	[tilespmem:s22+$0x30] =	vst v61  }
0x28f: {  	[tilespmem:s19+$0x40] =	vst v24;
	v4 =	vld [tilespmem:s23+$0x40];
	v3 =	vmul.f32 v59, v29  }
0x290: {  	v1 =	vmul.f32 v36, v1;
	[tilespmem:s19+$0xF0] =	vst v14;
	v39 =	vld [tilespmem:s20+$0x50]  }
0x291: {  	v60 =	vld [tilespmem:s20+$0xFFFFFFC0];
	[tilespmem:s22+$0xE0] =	vst v3;
	v3 =	vmul.f32 v62, v34  }
0x292: {  	[tilespmem:s14+$0x70] =	vst v1;
	v5 =	vmul.f32 v63, v47;
	v38 =	vld [tilespmem:s23+$0x100]  }
0x293: {  	v13 =	vmul.f32 v37, v19;
	v31 =	vld [tilespmem:s16+$0xFFFFFF40];
	[tilespmem:s22+$0xFFFFFF40] =	vst v3  }
0x294: {  	[tilespmem:s22+$0xFFFFFFC0] =	vst v5;
	v3 =	vmul.f32 v4, v35;
	v40 =	vld [tilespmem:s23+$0xFFFFFF30]  }
0x295: {  	v41 =	vbroadcast v33, $0x7;
	v12 =	vmul.f32 v39, v21;
	[tilespmem:s19+$0xFFFFFF50] =	vst v13;
	v42 =	vld [tilespmem:s23+$0xFFFFFFC0]  }
0x296: {  	v46 =	vld [tilespmem:s16+$0x60];
	v32 =	vmul.f32 v60, v23;
	[tilespmem:s22+$0x40] =	vst v3  }
0x297: {  	[tilespmem:s19+$0x50] =	vst v12;
	v3 =	vbroadcast v30, $0x5;
	v44 =	vld [tilespmem:s23+$0x50];
	v1 =	vmul.f32 v38, v41  }
0x298: {  	v45 =	vbroadcast v27, $0x5;
	v57 =	vld [tilespmem:s13+$0x70];
	v7 =	vmul.f32 v31, v7;
	[tilespmem:s19+$0xFFFFFFD0] =	vst v32  }
0x299: {  	[tilespmem:s22+$0xF0] =	vst v1;
	v1 =	vld [tilespmem:s20+$0xFFFFFF40];
	v3 =	vmul.f32 v40, v3  }
0x29a: {  	[tilespmem:s17+$0xFFFFFF60] =	vst v7;
	v47 =	vbroadcast v28, $0x5;
	v43 =	vld [tilespmem:s20+$0xFFFFFFD0];
	v7 =	vmul.f32 v42, v45  }
0x29b: {  	v52 =	vmul.f32 v46, v8;
	v48 =	vld [tilespmem:s16+$0xFFFFFF50];
	[tilespmem:s22+$0xFFFFFF50] =	vst v3  }
0x29c: {  	[tilespmem:s22+$0xFFFFFFD0] =	vst v7;
	v3 =	vmul.f32 v44, v47;
	v51 =	vld [tilespmem:s23+$0xFFFFFF40]  }
0x29d: {  	[tilespmem:s17+$0x60] =	vst v52;
	v2 =	vmul.f32 v57, v2;
	v7 =	vld [tilespmem:s23+$0xFFFFFFD0]  }
0x29e: {  	v53 =	vld [tilespmem:s20+$0x60];
	[tilespmem:s22+$0x50] =	vst v3;
	v1 =	vmul.f32 v1, v18  }
0x29f: {  	[tilespmem:s15+$0x70] =	vst v2;
	v50 =	vmul.f32 v43, v22;
	v3 =	vbroadcast v30, $0x6;
	v55 =	vld [tilespmem:s23+$0x60]  }
0x2a0: {  	v56 =	vbroadcast v27, $0x6;
	v49 =	vld [tilespmem:s16+$0xFFFFFFE0];
	v54 =	vmul.f32 v48, v9;
	[tilespmem:s19+$0xFFFFFF60] =	vst v1  }
0x2a1: {  	[tilespmem:s19+$0xFFFFFFE0] =	vst v50;
	v1 =	vld [tilespmem:s20+$0xFFFFFF50];
	v3 =	vmul.f32 v51, v3  }
0x2a2: {  	v58 =	vbroadcast v28, $0x6;
	[tilespmem:s17+$0xFFFFFF70] =	vst v54;
	v59 =	vld [tilespmem:s20+$0xFFFFFFE0];
	v7 =	vmul.f32 v7, v56  }
0x2a3: {  	v60 =	vld [tilespmem:s16+$0x70];
	v8 =	vmul.f32 v53, v15;
	[tilespmem:s22+$0xFFFFFF60] =	vst v3  }
0x2a4: {  	[tilespmem:s22+$0xFFFFFFE0] =	vst v7;
	v4 =	vmul.f32 v55, v58;
	v3 =	vld [tilespmem:s23+$0xFFFFFF50]  }
0x2a5: {  	v10 =	vmul.f32 v49, v10;
	[tilespmem:s19+$0x60] =	vst v8;
	v7 =	vld [tilespmem:s23+$0xFFFFFFE0]  }
0x2a6: {  	v8 =	vld [tilespmem:s20+$0x70];
	[tilespmem:s22+$0x60] =	vst v4;
	v1 =	vmul.f32 v1, v17  }
0x2a7: {  	v61 =	vbroadcast v30, $0x7;
	[tilespmem:s17+$0xFFFFFFF0] =	vst v10;
	v2 =	vmul.f32 v59, v20;
	v62 =	vld [tilespmem:s23+$0x70]  }
0x2a8: {  	v63 =	vbroadcast v27, $0x7;
	[tilespmem:s19+$0xFFFFFF70] =	vst v1;
	v1 =	vmul.f32 v60, v6  }
0x2a9: {  	[tilespmem:s19+$0xFFFFFFF0] =	vst v2;
	v2 =	vmul.f32 v3, v61  }
0x2aa: {  	v3 =	vbroadcast v28, $0x7;
	[tilespmem:s17+$0x70] =	vst v1;
	v1 =	vmul.f32 v7, v63  }
0x2ab: {  	[tilespmem:s22+$0xFFFFFF70] =	vst v2;
	v2 =	vmul.f32 v8, v16  }
0x2ac: {  	s21 =	sadd.s32 $0x1, s21;
	[tilespmem:s22+$0xFFFFFFF0] =	vst v1;
	v1 =	vmul.f32 v62, v3  }
0x2ad: {  	p1 =	sne.s32 s21, $0x7D;
	[tilespmem:s19+$0x70] =	vst v2  }
.Ltmp3:
0x2ae: {  	[tilespmem:s22+$0x70] =	vst v1;
	(pc) =	sbr.rel @p1 .LBB2_4-.Ltmp3, $4  }
0x2af: {  	[spmem:s31] =	stream.indirect.scatter.add.f32 [tilespmem:s9], [sflag:$0x5], $0x80, s30, s26, $0xb8;
	[tilespmem:$0x1BDA0] =	vst v63  }
0x2b0: {  	_ =	swait.ge [sflag:s24], $0x1400  }
0x2b1: {  	[sflag:s24] =	ssyncset.done $0x0  }
0x2b2: {  	[sflag:s24] =	ssyncadd.s32 $0xFFFFEC00  }
0x2b3: {  	_ =	swait.ge [sflag:s3], $0x1680  }
0x2b4: {  	[sflag:s3] =	ssyncset.done $0x0  }
0x2b5: {  	[sflag:s3] =	ssyncadd.s32 $0xFFFFE980  }
0x2b6: {  	_ =	swait.ge [sflag:s8], $0x280  }
0x2b7: {  	[sflag:s8] =	ssyncset.done $0x0  }
0x2b8: {  	[sflag:s8] =	ssyncadd.s32 $0xFFFFFD80  }
0x2b9: {  	[bflag:$0x0] =	sbarrier.arrive $0xFFFF  }
0x2ba: {  	s13 =	simm.s32 $0x46A0;
	s16 =	simm.s32 $0x6;
	s10 =	rddreg [dreg:$0x8]  }
0x2bb: {  	[tilespmem:s13], [sflag:$0x6] =	stream.linear.gather [spmem:s10], $0x3E80, $0x38;
	[tilespmem:$0x1BDA0] =	vst v63  }
0x2bc: {  	_ =	swait.ge [sflag:s16], $0x3E80  }
0x2bd: {  	s0 =	simm.s32 $0x6;
	[sflag:s16] =	ssyncset.done $0x0  }
0x2be: {  	s0 =	simm.s32 @!p0 $0x5;
	s1 =	rddreg [dreg:$0xd];
	[sflag:s16] =	ssyncadd.s32 $0xFFFFC180  }
0x2bf: {  	[hbm4b:s1+s2] =	stream.linear.scatter [tilespmem:s13], [sflag:s0], $0x3E80, $0x38;
	[tilespmem:$0x1BDA0] =	vst v63  }
0x2c0: {  	_ =	swait.ge [sflag:s0], $0x3E80  }
0x2c1: {  	[sflag:s0] =	ssyncset.done $0x0  }
0x2c2: {  	s17 =	rddreg [dreg:$0x9];
	[sflag:s0] =	ssyncadd.s32 $0xFFFFC180  }
0x2c3: {  	[tilespmem:s13], [sflag:$0x6] =	stream.linear.gather [spmem:s17], $0x3E80, $0x38;
	[tilespmem:$0x1BDA0] =	vst v63  }
0x2c4: {  	_ =	swait.ge [sflag:s16], $0x3E80  }
0x2c5: {  	[sflag:s16] =	ssyncset.done $0x0  }
0x2c6: {  	s20 =	rddreg [dreg:$0xe];
	[sflag:s16] =	ssyncadd.s32 $0xFFFFC180  }
0x2c7: {  	[hbm4b:s20+s2] =	stream.linear.scatter [tilespmem:s13], [sflag:s0], $0x3E80, $0x38;
	[tilespmem:$0x1BDA0] =	vst v63  }
0x2c8: {  	_ =	swait.ge [sflag:s0], $0x3E80  }
0x2c9: {  	[sflag:s0] =	ssyncset.done $0x0  }
0x2ca: {  	s19 =	rddreg [dreg:$0xa];
	[sflag:s0] =	ssyncadd.s32 $0xFFFFC180  }
0x2cb: {  	[tilespmem:s13], [sflag:$0x6] =	stream.linear.gather [spmem:s19], $0x3E80, $0x38;
	[tilespmem:$0x1BDA0] =	vst v63  }
0x2cc: {  	_ =	swait.ge [sflag:s16], $0x3E80  }
0x2cd: {  	[sflag:s16] =	ssyncset.done $0x0  }
0x2ce: {  	s21 =	rddreg [dreg:$0xf];
	[sflag:s16] =	ssyncadd.s32 $0xFFFFC180  }
0x2cf: {  	[hbm4b:s21+s2] =	stream.linear.scatter [tilespmem:s13], [sflag:s0], $0x3E80, $0x38;
	[tilespmem:$0x1BDA0] =	vst v63  }
0x2d0: {  	_ =	swait.ge [sflag:s0], $0x3E80  }
0x2d1: {  	[sflag:s0] =	ssyncset.done $0x0  }
0x2d2: {  	s14 =	rddreg [dreg:$0xb];
	[sflag:s0] =	ssyncadd.s32 $0xFFFFC180  }
0x2d3: {  	[tilespmem:s13], [sflag:$0x6] =	stream.linear.gather [spmem:s14], $0x3E80, $0x38;
	[tilespmem:$0x1BDA0] =	vst v63  }
0x2d4: {  	_ =	swait.ge [sflag:s16], $0x3E80  }
0x2d5: {  	[sflag:s16] =	ssyncset.done $0x0  }
0x2d6: {  	s22 =	rddreg [dreg:$0x10];
	[sflag:s16] =	ssyncadd.s32 $0xFFFFC180  }
0x2d7: {  	[hbm4b:s22+s2] =	stream.linear.scatter [tilespmem:s13], [sflag:s0], $0x3E80, $0x38;
	[tilespmem:$0x1BDA0] =	vst v63  }
0x2d8: {  	_ =	swait.ge [sflag:s0], $0x3E80  }
0x2d9: {  	[sflag:s0] =	ssyncset.done $0x0  }
0x2da: {  	s15 =	rddreg [dreg:$0xc];
	[sflag:s0] =	ssyncadd.s32 $0xFFFFC180  }
0x2db: {  	[tilespmem:s13], [sflag:$0x6] =	stream.linear.gather [spmem:s15], $0x3E80, $0x38;
	[tilespmem:$0x1BDA0] =	vst v63  }
0x2dc: {  	_ =	swait.ge [sflag:s16], $0x3E80  }
0x2dd: {  	[sflag:s16] =	ssyncset.done $0x0  }
0x2de: {  	s23 =	rddreg [dreg:$0x11];
	[sflag:s16] =	ssyncadd.s32 $0xFFFFC180  }
0x2df: {  	[hbm4b:s23+s2] =	stream.linear.scatter [tilespmem:s13], [sflag:s0], $0x3E80, $0x38;
	[tilespmem:$0x1BDA0] =	vst v63  }
0x2e0: {  	_ =	swait.ge [sflag:s0], $0x3E80  }
0x2e1: {  	s28 =	rddreg [dreg:$0x12]  }
0x2e2: {  	s29 =	rddreg [dreg:$0x7];
	s16 =	sadd.s32 $0x1, s28  }
0x2e3: {  	p1 =	sne.s32 s16, s29  }
.Ltmp4:
0x2e4: {  	_ = 	snop;
	(pc) =	sbr.rel @p1 .LBB2_1-.Ltmp4, $3  }
0x2e5: {  	_ =	sdelay $0x1  }
0x2e6: {  	[sflag:s0] =	ssyncset.done $0x0  }
0x2e7: {  	[sflag:s0] =	ssyncadd.s32 $0xFFFFC180  }
0x2e8: {  	_ =	sfence.sel $0x180000  }
0x2e9: {  	[bflag:$0x0] =	sbarrier.arrive $0xFFFF  }
0x2ea: {  	_ =	strace $0x9000004A  }
0x2eb: {  	s0 =	stileid.u32;
	[bflag:$0x2] =	sbarrier.arrive $0xFFFF  }
0x2ec: {  	p0 =	sne.s32 s0, $0x0;
	s0 =	rddreg [dreg:$0x3]  }
0x2ed: {  	s0 =	sadd.s32 @!p0 $0x100000, s0  }
0x2ee: {  	[sflag:s0] =	ssyncadd.tile.s32 @!p0 $0x1;
	_ =	shalt  }
.Lfunc_end2:
_tile_overlayer_lowered:
.L_overlay_start_2:
0x2ef: {  	(tag) =	ssettag $0x2  }
0x2f0: {  	s0 =	rddreg [dreg:$0x0];
	s2 =	stileid.u32  }
0x2f1: {  	s1 =	rddreg [dreg:$0x1];
	p0 =	sne.s32 s2, $0x0  }
0x2f2: {  	s3 =	rddreg [dreg:$0x2];
	[bflag:$0x3] =	sbarrier.arrive $0xFFFF;
	s2 =	simm.s32 @!p0 $0x1C05  }
0x2f3: {  	[timem:s3], [sflag:s2] =	dma.local @!p0 [hbm:s0], s1  }
0x2f4: {  	s0 =	simm.s32 @!p0 $0x5  }
0x2f5: {  	_ =	swait.ge @!p0 [sflag:s0], s1  }
0x2f6: {  	s1 =	ssub.s32 @!p0 $0x0, s1;
	[sflag:s0] =	ssyncset.done @!p0 $0x0  }
0x2f7: {  	[sflag:s0] =	ssyncadd.s32 @!p0 s1  }
0x2f8: {  	[bflag:$0x3] =	sbarrier.arrive $0xFFFF  }
0x2f9: {  	_ =	shalt  }

// kernel: kernel.9.cloned.1.call-start
scs
__scs_entry_jumppad:
0x0: {  	(pc) =	sbr.rel $0x88, $3  }
0x1: {  	(tag) =	ssettag $0x0;
	lr =	simm.s32 $0x1  }
0x2: {  	[smem:$0x3F98] =	sst lr;
	_ =	strace $0xD0000000  }
0x3: {  	_ = 	snop  }
0x4: {  	_ = 	snop  }
0x5: {  	_ = 	snop  }
0x6: {  	_ = 	snop  }
0x7: {  	_ = 	snop  }
__scs_overlays_trampoline_lowered:
0x8: {  	[smem:$0x3FA7] =	sst s0  }
0x9: {  	[smem:$0x3FA8] =	sst s1  }
0xa: {  	[smem:$0x3FA9] =	sst s2  }
0xb: {  	[smem:$0x3FAA] =	sst s3  }
0xc: {  	[smem:$0x3FAB] =	sst s4  }
0xd: {  	[smem:$0x3FAC] =	sst s5  }
0xe: {  	[smem:$0x3FAD] =	sst s6  }
0xf: {  	[smem:$0x3FAE] =	sst s7  }
0x10: {  	[smem:$0x3FAF] =	sst s8  }
0x11: {  	[smem:$0x3FB0] =	sst s9;
	s0 =	simm.s32 @!p0 $0x0  }
0x12: {  	s1 =	sld [smem:$0x3F96];
	s0 =	simm.s32 @p0 $0x1  }
0x13: {  	[smem:$0x3FB1] =	sst s0;
	s0 =	simm.s32 @!p1 $0x0  }
0x14: {  	s2 =	sld [smem:$0x3F95];
	s0 =	simm.s32 @p1 $0x1  }
0x15: {  	[smem:$0x3FB2] =	sst s0;
	s0 =	simm.s32 @!p2 $0x0  }
0x16: {  	s3 =	sld [smem:$0x3FDB];
	s0 =	simm.s32 @p2 $0x1  }
0x17: {  	s4 =	simm.s32 $0x1BF5;
	[smem:$0x3FB4] =	sst s0  }
0x18: {  	s0 =	sld [smem:$0x3F97];
	_ =	swait.ge [sflag:s4], $0x0  }
0x19: {  	s7 =	sld [smem:$0x3F98]  }
0x1a: {  	s8 =	sadd.s32 $0xFFFFE003, lr  }
0x1b: {  	s9 =	sadd.s32 $0xFFFFFEF7, lr;
	s5 =	simm.s32 $0xFFFFFFFF;
	p2 =	slt.u32 s8, $0xFFFFF086  }
0x1c: {  	p1 =	slt.u32 s9, $0xF7A;
	s5 =	simm.s32 @!p2 $0x0  }
0x1d: {  	s5 =	simm.s32 @p1 $0x1;
	p0 =	seq.s32 s7, s2  }
0x1e: {  	s7 =	smul.u32 @!p0 $0xF7A, s2;
	p2 =	seq.s32 @!p0 s5, $0x0  }
0x1f: {  	s9 =	smul.u32 $0xF7A, s1;
	s8 =	simm.s32 @!p0 $0x1BF5;
	p2 =	por !p2, p0  }
0x20: {  	[sflag:s8] =	ssyncset.s32 @!p0 $0xFFFFF086;
	s6 =	sadd.s32 @!p0 s3, s7;
	s7 =	simm.s32 @!p0 $0x108  }
0x21: {  	s3 =	sadd.s32 s3, s9;
	s6 =	sadd.s32 @!p0 $0x88, s6;
	s7 =	simm.s32 @p2 $0x1082  }
0x22: {  	[simem:s7], [sflag:s8] =	dma.local @!p0 [hbm:s6], $0xF7A  }
0x23: {  	s9 =	sor.u32 $0xD0000000, s2;
	s6 =	simm.s32 $0x108;
	_ =	swait.ge @!p0 [sflag:s8], $0x0  }
0x24: {  	s3 =	sadd.s32 $0x88, s3;
	s6 =	simm.s32 @!p1 $0x1082;
	[sflag:s4] =	ssyncset.s32 $0xFFFFF086  }
0x25: {  	[simem:s6], [sflag:s4] =	dma.local [hbm:s3], $0xF7A  }
0x26: {  	[smem:$0x3F98] =	sst s1;
	(tag) =	ssettag s2;
	_ =	strace s9  }
0x27: {  	s1 =	sld [smem:$0x3FA8]  }
0x28: {  	s2 =	sld [smem:$0x3FA9]  }
0x29: {  	s4 =	sld [smem:$0x3FAB]  }
0x2a: {  	p0 =	seq.s32 s5, $0x0;
	s5 =	sld [smem:$0x3FAC]  }
0x2b: {  	s6 =	sld [smem:$0x3FAD]  }
0x2c: {  	s7 =	sld [smem:$0x3FAE]  }
0x2d: {  	s3 =	simm.s32 $0x108;
	s8 =	sld [smem:$0x3FAF]  }
0x2e: {  	s3 =	simm.s32 @!p0 $0x1082;
	s9 =	sld [smem:$0x3FB0]  }
0x2f: {  	lr =	sadd.s32 s0, s3;
	s0 =	sld [smem:$0x3FA7]  }
0x30: {  	s3 =	sld [smem:$0x3FAA]  }
0x31: {  	[smem:$0x3FB3] =	sst s10  }
0x32: {  	s10 =	sld [smem:$0x3FB1];
	_ =	sdelay $0x3  }
0x33: {  	p0 =	seq.s32 s10, $0x1;
	s10 =	sld [smem:$0x3FB3];
	_ =	sdelay $0x3  }
0x34: {  	[smem:$0x3FB3] =	sst s10  }
0x35: {  	s10 =	sld [smem:$0x3FB2];
	_ =	sdelay $0x3  }
0x36: {  	p1 =	seq.s32 s10, $0x1;
	s10 =	sld [smem:$0x3FB3];
	_ =	sdelay $0x3  }
0x37: {  	[smem:$0x3FB3] =	sst s10  }
0x38: {  	s10 =	sld [smem:$0x3FB4]  }
0x39: {  	_ = 	snop;
	(pc) =	sbr.ind lr, $3  }
0x3a: {  	_ = 	snop  }
0x3b: {  	_ = 	snop  }
0x3c: {  	p2 =	seq.s32 s10, $0x1;
	s10 =	sld [smem:$0x3FB3]  }
0x3d: {  	_ =	shalt  }
0x3e: {  	_ =	shalt  }
0x3f: {  	_ =	shalt  }
0x40: {  	_ =	shalt  }
0x41: {  	_ =	shalt  }
0x42: {  	_ =	shalt  }
0x43: {  	_ =	shalt  }
0x44: {  	_ =	shalt  }
0x45: {  	_ =	shalt  }
0x46: {  	_ =	shalt  }
0x47: {  	_ =	shalt  }
0x48: {  	_ =	shalt  }
0x49: {  	_ =	shalt  }
0x4a: {  	_ =	shalt  }
0x4b: {  	_ =	shalt  }
0x4c: {  	_ =	shalt  }
0x4d: {  	_ =	shalt  }
0x4e: {  	_ =	shalt  }
0x4f: {  	_ =	shalt  }
0x50: {  	_ =	shalt  }
0x51: {  	_ =	shalt  }
0x52: {  	_ =	shalt  }
0x53: {  	_ =	shalt  }
0x54: {  	_ =	shalt  }
0x55: {  	_ =	shalt  }
0x56: {  	_ =	shalt  }
0x57: {  	_ =	shalt  }
0x58: {  	_ =	shalt  }
0x59: {  	_ =	shalt  }
0x5a: {  	_ =	shalt  }
0x5b: {  	_ =	shalt  }
0x5c: {  	_ =	shalt  }
0x5d: {  	_ =	shalt  }
0x5e: {  	_ =	shalt  }
0x5f: {  	_ =	shalt  }
0x60: {  	_ =	shalt  }
0x61: {  	_ =	shalt  }
0x62: {  	_ =	shalt  }
0x63: {  	_ =	shalt  }
0x64: {  	_ =	shalt  }
0x65: {  	_ =	shalt  }
0x66: {  	_ =	shalt  }
0x67: {  	_ =	shalt  }
0x68: {  	_ =	shalt  }
0x69: {  	_ =	shalt  }
0x6a: {  	_ =	shalt  }
0x6b: {  	_ =	shalt  }
0x6c: {  	_ =	shalt  }
0x6d: {  	_ =	shalt  }
0x6e: {  	_ =	shalt  }
0x6f: {  	_ =	shalt  }
0x70: {  	_ =	shalt  }
0x71: {  	_ =	shalt  }
0x72: {  	_ =	shalt  }
0x73: {  	_ =	shalt  }
0x74: {  	_ =	shalt  }
0x75: {  	_ =	shalt  }
0x76: {  	_ =	shalt  }
0x77: {  	_ =	shalt  }
0x78: {  	_ =	shalt  }
0x79: {  	_ =	shalt  }
0x7a: {  	_ =	shalt  }
0x7b: {  	_ =	shalt  }
0x7c: {  	_ =	shalt  }
0x7d: {  	_ =	shalt  }
0x7e: {  	_ =	shalt  }
0x7f: {  	_ =	shalt  }
0x80: {  	_ =	shalt  }
0x81: {  	_ =	shalt  }
0x82: {  	_ =	shalt  }
0x83: {  	_ =	shalt  }
0x84: {  	_ =	shalt  }
0x85: {  	_ =	shalt  }
0x86: {  	_ =	shalt  }
0x87: {  	_ =	shalt  }
.Lfunc_end0:
.L_simem_size_0:
called_computation.1_lowered:
.L_overlay_start_0:
0x88: {  	s2 =	sld [smem:$0x3FD9]  }
0x89: {  	s3 =	sld [smem:$0x3FFE];
	_ =	sdelay $0x1  }
0x8a: {  	s1 =	srdreg.scid  }
0x8b: {  	s0 =	sand.u32 $0x1, s1  }
0x8c: {  	s16 =	sshll.u32 s0, $0xA;
	s2 =	sadd.s32 s3, s2  }
0x8d: {  	s2 =	sadd.s32 s2, s16  }
0x8e: {  	[smem:$0x3FBF] =	sst s2  }
0x8f: {  	_ = 	snop  }
0x90: {  	(tm) =	ssettm $0x1  }
0x91: {  	s17 =	sld [smem:$0x3FFB];
	_ =	sdelay $0x3  }
0x92: {  	_ =	strace s17  }
0x93: {  	s2 =	sld [smem:$0x3FFC];
	_ =	sdelay $0x3  }
0x94: {  	_ =	strace s2  }
0x95: {  	s2 =	sld [smem:$0x3FFD];
	_ =	sdelay $0x3  }
0x96: {  	_ =	strace s2  }
0x97: {  	_ =	strace $0x8FFFFFFF  }
0x98: {  	s18 =	sld [smem:$0x3FDB];
	_ =	sdelay $0x1  }
0x99: {  	s19 =	simm.s32 $_scs_section_size  }
0x9a: {  	s4 =	simm.s32 $_size__tile_overlayer_lowered;
	s5 =	simm.s32 $_tile_overlayer_lowered  }
0x9b: {  	s22 =	simm.s32 $0x1BFF;
	s21 =	sshll.u32 s5, $0x1;
	s2 =	sadd.s32 s19, s18  }
0x9c: {  	s6 =	simm.s32 $0x0;
	s20 =	sshll.u32 s4, $0x1;
	s4 =	sadd.s32 s21, s2  }
0x9d: {  	[timem:s6], [sflag:s22] =	dma.local [hbm:s4], s20  }
0x9e: {  	_ =	swait.ge [sflag:s22], s20  }
0x9f: {  	s3 =	ssub.s32 $0x0, s20;
	[sflag:s22] =	ssyncset.done $0x0  }
0xa0: {  	[sflag:s22] =	ssyncadd.s32 s3;
	_ =	sdelay $0x1  }
0xa1: {  	s23 =	simm.s32 $0x1B8B  }
0xa2: {  	_ =	swait.ge [sflag:s23], $0x1  }
0xa3: {  	[sflag:s23] =	ssyncset.done $0x0  }
0xa4: {  	s25 =	simm.s32 $0x1B8E;
	s24 =	sld [smem:$0x3FFE];
	[sflag:s23] =	ssyncadd.s32 $0xFFFFFFFF  }
0xa5: {  	s26 =	simm.s32 $execute0_lowered;
	[smem:$0x3FD2] =	sst s25  }
0xa6: {  	s4 =	sshll.u32 s26, $0x1;
	_ =	strace $0x80000046;
	[dreg:$0x1] =	wrdreg $0xFFFFFFFF  }
0xa7: {  	s28 =	simm.s32 $_size_execute0_lowered;
	s2 =	sadd.s32 s2, s4;
	[dreg:$0x0] =	wrdreg $0x0  }
0xa8: {  	s4 =	sshll.u32 s28, $0x1;
	[dreg:$0x2] =	wrdreg s2  }
0xa9: {  	[dreg:$0x3] =	wrdreg s4  }
0xaa: {  	[dreg:$0x4] =	wrdreg $0xC0  }
0xab: {  	_ =	task [dreg:s6], $0x5FFFF  }
0xac: {  	[dreg:$0x1] =	wrdreg $0xFFFFFFFF  }
0xad: {  	[dreg:$0x0] =	wrdreg $0x60  }
0xae: {  	[dreg:$0x2] =	wrdreg s24  }
0xaf: {  	[dreg:$0x3] =	wrdreg $0x41500  }
0xb0: {  	[dreg:$0x4] =	wrdreg $0xA  }
0xb1: {  	_ =	task.clear_ibuf [dreg:s6], $0x5FFFF;
	_ =	strace $0x90000046  }
0xb2: {  	s29 =	simm.s32 $0xA;
	_ =	strace $0x80000048  }
0xb3: {  	_ =	swait.ge [sflag:s29], $0x1  }
0xb4: {  	[sflag:s29] =	ssyncadd.s32 $0xFFFFFFFF  }
0xb5: {  	_ =	strace $0x90000048  }
0xb6: {  	_ =	sfence  }
0xb7: {  	s30 =	sld [smem:$0x0];
	_ =	sdelay $0x2  }
0xb8: {  	s31 =	sshll.u32 s1, $0xD;
	s1 =	sshrl.u32 s1, $0x2  }
0xb9: {  	s3 =	sand.u32 $0x4000, s31;
	s1 =	sadd.s32 s1, s30  }
0xba: {  	s0 =	sor.u32 s3, s0;
	s1 =	sshll.u32 s1, $0x11  }
0xbb: {  	s0 =	sor.u32 s1, s0  }
0xbc: {  	s0 =	sadd.s32 $0x8F2B, s0  }
0xbd: {  	[sflag:s0] =	ssyncadd.remote.s32 $0x1  }
0xbe: {  	_ =	sfence.sel $0xFFFF  }
0xbf: {  	[dreg:$0x0] =	wrdreg $0xFFFFFFFF;
	(pc) =	sbr.abs _section_cstart, $3  }
0xc0: {  	[dreg:$0x1] =	wrdreg $0xFFFFFFFF  }
0xc1: {  	_ =	task.clear_ibuf [dreg:s6], $0x2FFFF;
	_ =	strace $0x9FFFFFFF  }
0xc2: {  	(tm) =	ssettm $0x7FFFFFFF  }
0xc3: {  	_ =	shalt  }
tec
execute0_lowered:
.L_overlay_start_1:
0x0: {  	(tag) =	ssettag $0x1  }
0x1: {  	s0 =	rddreg [dreg:$0x0]  }
0x2: {  	s1 =	rddreg [dreg:$0x1];
	s2 =	simm.s32 $0x0  }
0x3: {  	s3 =	srdreg.scid;
	s9 =	stileid.u32;
	s15 =	simm.s32 $0x1A40  }
0x4: {  	s16 =	simm.s32 $0x5;
	s17 =	simm.s32 $0xA0;
	s18 =	simm.s32 $0x50  }
0x5: {  	s19 =	simm.s32 $0x140;
	s20 =	simm.s32 $0xB40;
	s21 =	simm.s32 $0xF0  }
0x6: {  	s22 =	simm.s32 $0x640;
	s23 =	simm.s32 $0x1040;
	s24 =	simm.s32 $0x1  }
0x7: {  	s25 =	simm.s32 $0x3;
	s26 =	simm.s32 $0x1540;
	s28 =	simm.s32 $0x2  }
0x8: {  	[smem:$0x7FF] =	sst s2;
	s4 =	sadd.s32 $0xCE00, s0;
	s3 =	sand.u32 $0x1, s3  }
0x9: {  	s5 =	sadd.s32 $0x3000, s0;
	_ =	strace $0x80000047;
	s6 =	sshll.u32 s3, $0x4  }
0xa: {  	s8 =	ssub.s32 $0x2, s3;
	p0 =	seq.s32 s3, $0x1;
	s3 =	simm.s32 $0x73E00  }
0xb: {  	s7 =	sor.u32 s9, s6;
	s9 =	smul.u32 $0x2710, s9;
	s6 =	sadd.s32 $0x69E00, s0  }
0xc: {  	s10 =	sshrl.u32 s8, $0x1;
	s3 =	simm.s32 @!p0 $0x6EE00;
	s12 =	smul.u32 $0x2710, s7  }
0xd: {  	s7 =	sadd.s32 $0x64E00, s0;
	s10 =	ssub.s32 s8, s10;
	s0 =	sadd.s32 s3, s0  }
0xe: {  	s8 =	sadd.s32 s9, s1;
	s9 =	sshrl.u32 s9, $0x3;
	s31 =	smax.u32 s10, $0x1  }
0xf: {  	s11 =	sshrl.u32 s12, $0x3;
	[dreg:$0x5] =	wrdreg s31;
	s0 =	sadd.s32 s0, s9  }
0x10: {  	s29 =	simm.s32 $0x4;
	s13 =	sadd.s32 s4, s11;
	[dreg:$0x6] =	wrdreg s0  }
0x11: {  	s30 =	simm.s32 $0x0;
	s11 =	sadd.s32 s5, s11;
	[dreg:$0x3] =	wrdreg s13  }
0x12: {  	v0 =	vimm.f32 $0.0e+00;
	[dreg:$0x4] =	wrdreg s11;
	s11 =	sadd.s32 $0x50, s12;
	s12 =	sadd.s32 $0xA0, s12  }
.LBB2_1:
0x13: {  	s0 =	simm.s32 $0x40;
	s3 =	simm.s32 $0x0  }
.LBB2_2:
0x14: {  	p0 =	sne.s32 s0, $0x9C00;
	[tilespmem:s3+$0x1A40] =	vst v0;
	s3 =	smov.u32 s0;
	s0 =	sadd.s32 $0x40, s0  }
.Ltmp0:
0x15: {  	(pc) =	sbr.rel @p0 .LBB2_2-.Ltmp0, $2  }
0x16: {  	_ =	sdelay $0x2  }
0x17: {  	s3 =	sshra.s32 s3, $0x2  }
0x18: {  	[tilespmem:s3+$0x1A40] =	vst v0  }
0x19: {  	[spmem:s8] =	stream.linear.scatter [tilespmem:s15], [sflag:$0x5], $0x2710, $0x38;
	[tilespmem:$0x6860] =	vst v63  }
0x1a: {  	_ =	swait.ge [sflag:s16], $0x2710  }
0x1b: {  	[sflag:s16] =	ssyncset.done $0x0  }
0x1c: {  	[sflag:s16] =	ssyncadd.s32 $0xFFFFD8F0  }
0x1d: {  	[bflag:$0x0] =	sbarrier.arrive $0xFFFF  }
0x1e: {  	s31 =	simm.s32 $0x0;
	s0 =	rddreg [dreg:$0x3]  }
0x1f: {  	[tilespmem:s31], [sflag:$0x5] =	stream.linear.gather [hbm4b:s0+s31], $0x50, $0x38;
	[tilespmem:$0x6860] =	vst v63  }
0x20: {  	_ =	swait.ge [sflag:s16], $0x50  }
0x21: {  	[sflag:s16] =	ssyncset.done $0x0  }
0x22: {  	s14 =	rddreg [dreg:$0x4];
	[sflag:s16] =	ssyncadd.s32 $0xFFFFFFB0  }
0x23: {  	[tilespmem:s17], [sflag:$0x5] =	stream.linear.gather [hbm4b:s14+s31], $0x50, $0x38;
	[tilespmem:$0x6860] =	vst v63  }
0x24: {  	_ =	swait.ge [sflag:s16], $0x50  }
0x25: {  	[sflag:s16] =	ssyncset.done $0x0  }
0x26: {  	[sflag:s16] =	ssyncadd.s32 $0xFFFFFFB0  }
0x27: {  	[tilespmem:s19], [sflag:$0x1] =	stream.indirect.gather [hbm4b:s6+s18], $0x10, s31, s18, $0xb8;
	[tilespmem:$0x6860] =	vst v63  }
0x28: {  	_ = 	snop  }
0x29: {  	[tilespmem:s20], [sflag:$0x3] =	stream.indirect.gather [hbm4b:s7+s18], $0x10, s17, s18, $0xb8;
	[tilespmem:$0x6860] =	vst v63  }
.LBB2_4:
0x2a: {  	s0 =	smul.u32 $0xA0, s31;
	_ =	sdelay $0x1  }
0x2b: {  	s3 =	sadd.s32 s0, s11  }
0x2c: {  	s3 =	sshrl.u32 s3, $0x3  }
0x2d: {  	s9 =	sadd.s32 s4, s3  }
0x2e: {  	[tilespmem:s18], [sflag:$0x5] =	stream.linear.gather [hbm4b:s9+s2], $0x50, $0x38;
	[tilespmem:$0x6860] =	vst v63  }
0x2f: {  	_ =	swait.ge [sflag:s16], $0x50  }
0x30: {  	[sflag:s16] =	ssyncset.done $0x0  }
0x31: {  	s3 =	sadd.s32 s5, s3;
	[sflag:s16] =	ssyncadd.s32 $0xFFFFFFB0  }
0x32: {  	[tilespmem:s21], [sflag:$0x5] =	stream.linear.gather [hbm4b:s3+s2], $0x50, $0x38;
	[tilespmem:$0x6860] =	vst v63  }
0x33: {  	_ =	swait.ge [sflag:s16], $0x50  }
0x34: {  	[sflag:s16] =	ssyncset.done $0x0  }
0x35: {  	[sflag:s16] =	ssyncadd.s32 $0xFFFFFFB0  }
0x36: {  	[tilespmem:s22], [sflag:$0x2] =	stream.indirect.gather [hbm4b:s6+s18], $0x10, s18, s18, $0xb8;
	[tilespmem:$0x6860] =	vst v63  }
0x37: {  	_ = 	snop  }
0x38: {  	[tilespmem:s23], [sflag:$0x4] =	stream.indirect.gather [hbm4b:s7+s18], $0x10, s21, s18, $0xb8;
	[tilespmem:$0x6860] =	vst v63  }
0x39: {  	_ =	swait.ge [sflag:s24], $0x500  }
0x3a: {  	[sflag:s24] =	ssyncset.done $0x0  }
0x3b: {  	[sflag:s24] =	ssyncadd.s32 $0xFFFFFB00  }
0x3c: {  	_ =	swait.ge [sflag:s25], $0x500  }
0x3d: {  	[sflag:s25] =	ssyncset.done $0x0  }
0x3e: {  	s10 =	simm.s32 $0x160;
	[sflag:s25] =	ssyncadd.s32 $0xFFFFFB00  }
0x3f: {  	s13 =	simm.s32 $0xB60;
	v1 =	vld [tilespmem:s10+$0x10]  }
0x40: {  	v2 =	vld [tilespmem:s13+$0x10]  }
0x41: {  	v3 =	vld [tilespmem:s13+$0xFFFFFFE0]  }
0x42: {  	v4 =	vld [tilespmem:s10+$0xFFFFFFF0]  }
0x43: {  	v6 =	vld [tilespmem:s10+$0x0]  }
0x44: {  	v7 =	vld [tilespmem:s13+$0x0]  }
0x45: {  	s14 =	simm.s32 $0x1A0;
	v5 =	vld [tilespmem:s13+$0xFFFFFFF0]  }
0x46: {  	v8 =	vld [tilespmem:s14+$0x10]  }
0x47: {  	v1 =	vadd.f32 v2, v1;
	v2 =	vld [tilespmem:s10+$0xFFFFFFE0]  }
0x48: {  	v13 =	vld [tilespmem:s14+$0xFFFFFFE0];
	s10 =	simm.s32 $0xBA0  }
0x49: {  	v6 =	vadd.f32 v7, v6;
	v10 =	vld [tilespmem:s10+$0x10];
	v9 =	vmul.f32 $2.000000030e-01, v1  }
0x4a: {  	v4 =	vadd.f32 v5, v4;
	v5 =	vld [tilespmem:s10+$0xFFFFFFE0];
	vm0 =	vgt.f32 v1, $0.0e+00  }
0x4b: {  	v11 =	vld [tilespmem:s10+$0xFFFFFFF0];
	v12 =	vmul.f32 $2.000000030e-01, v6;
	v1 =	vsel vm0, v1, v9  }
0x4c: {  	vm1 =	vgt.f32 v6, $0.0e+00;
	v9 =	vld [tilespmem:s14+$0xFFFFFFF0];
	v1 =	vmul.f32 $1.442695020e+00, v1;
	v2 =	vadd.f32 v3, v2  }
0x4d: {  	v7 =	vmul.f32 $2.000000030e-01, v4;
	vm0 =	vgt.f32 v4, $0.0e+00;
	v6 =	vsel vm1, v6, v12;
	v3 =	vld [tilespmem:s14+$0x0]  }
0x4e: {  	s13 =	simm.s32 $0x1E0;
	v8 =	vadd.f32 v10, v8;
	(erf) = vpow2.f32 v1;
	v1 =	vld [tilespmem:s10+$0x0];
	v10 =	vmul.f32 $2.000000030e-01, v2  }
0x4f: {  	v4 =	vsel vm0, v4, v7;
	v7 =	vld [tilespmem:s13+$0x10];
	s14 =	simm.s32 $0xBE0;
	v6 =	vmul.f32 $1.442695020e+00, v6;
	vm2 =	vgt.f32 v2, $0.0e+00  }
0x50: {  	v4 =	vmul.f32 $1.442695020e+00, v4;
	v5 =	vadd.f32 v5, v13;
	v2 =	vsel vm2, v2, v10;
	v10 =	vld [tilespmem:s14+$0x10]  }
0x51: {  	v58 =	vmul.f32 $2.000000030e-01, v8;
	vm0 =	vgt.f32 v8, $0.0e+00;
	v9 =	vadd.f32 v11, v9  }
0x52: {  	v60 =	vld [tilespmem:s13+$0x0];
	(erf) = vpow2.f32 v4;
	vm2 =	vgt.f32 v5, $0.0e+00;
	v2 =	vmul.f32 $1.442695020e+00, v2  }
0x53: {  	v4 =	vld [tilespmem:s13+$0xFFFFFFF0];
	v8 =	vsel vm0, v8, v58;
	v59 =	vmul.f32 $2.000000030e-01, v9;
	v1 =	vadd.f32 v1, v3  }
0x54: {  	vm0 =	vgt.f32 v9, $0.0e+00;
	v3 =	vmul.f32 $1.442695020e+00, v8;
	v8 =	vld [tilespmem:s14+$0xFFFFFFF0];
	(erf) = vpow2.f32 v2  }
0x55: {  	v14 =	vld [tilespmem:s13+$0xFFFFFFE0];
	v9 =	vsel vm0, v9, v59;
	v2 =	vmul.f32 $2.000000030e-01, v1;
	v7 =	vadd.f32 v10, v7  }
0x56: {  	v11 =	vld [tilespmem:s14+$0xFFFFFFE0];
	vm1 =	vgt.f32 v1, $0.0e+00;
	(erf) = vpow2.f32 v3;
	v10 =	vmul.f32 $2.000000030e-01, v5  }
0x57: {  	v3 =	vld [tilespmem:s14+$0x0];
	(erf) = vpow2.f32 v6;
	v2 =	vsel vm1, v1, v2;
	v6 =	vmul.f32 $2.000000030e-01, v7  }
0x58: {  	s14 =	simm.s32 $0x220;
	v1 =	vsel vm2, v5, v10;
	v5 =	vmul.f32 $1.442695020e+00, v9;
	vm0 =	vgt.f32 v7, $0.0e+00  }
0x59: {  	s10 =	simm.s32 $0xC20;
	v61 =	vld [tilespmem:s14+$0x10];
	v15 =	vadd.f32 v8, v4;
	v4 =	vsel vm0, v7, v6  }
0x5a: {  	v9 =	vld [tilespmem:s10+$0x10];
	v7 =	vmul.f32 $1.442695020e+00, v4  }
0x5b: {  	v8 =	vmul.f32 $1.442695020e+00, v1;
	v1 =	vld [tilespmem:s10+$0xFFFFFFE0];
	(erf) = vpow2.f32 v5;
	v6 =	vadd.f32 v11, v14  }
0x5c: {  	s3 =	simm.s32 $0x1560;
	v16 =	vmul.f32 $1.442695020e+00, v2;
	v2 =	vld [tilespmem:s14+$0xFFFFFFF0];
	v17 =	vmul.f32 $2.000000030e-01, v15;
	v13 =	vadd.f32 v3, v60;
	v5 =	vpop (erf)  }
0x5d: {  	v4 =	vld [tilespmem:s10+$0xFFFFFFF0];
	(erf) = vpow2.f32 v8;
	v10 =	vmul.f32 $2.000000030e-01, v6;
	[tilespmem:s3+$0x10] =	vst v5;
	v3 =	vpop (erf)  }
0x5e: {  	vm1 =	vgt.f32 v15, $0.0e+00;
	v62 =	vmul.f32 $2.000000030e-01, v13;
	(erf) = vpow2.f32 v7;
	v5 =	vld [tilespmem:s10+$0x0];
	[tilespmem:s3+$0xFFFFFFF0] =	vst v3;
	v7 =	vpop (erf)  }
0x5f: {  	s9 =	simm.s32 $0x15A0;
	vm2 =	vgt.f32 v13, $0.0e+00;
	v8 =	vadd.f32 v9, v61;
	v3 =	vld [tilespmem:s14+$0x0];
	(erf) = vpow2.f32 v16;
	v63 =	vpop (erf);
	[tilespmem:s3+$0xFFFFFFE0] =	vst v7  }
0x60: {  	s13 =	simm.s32 $0xC;
	vm0 =	vgt.f32 v6, $0.0e+00;
	v11 =	vsel vm1, v15, v17;
	v9 =	vsel vm2, v13, v62;
	v7 =	vld [tilespmem:s14+$0xFFFFFFE0];
	s14 =	simm.s32 $0x260;
	[tilespmem:s9+$0x10] =	vst v63  }
.LBB2_5:
0x61: {  	v12 =	vld [tilespmem:s14+$0x10];
	v13 =	vmul.f32 $2.000000030e-01, v8;
	s10 =	sadd.s32 $0x40, s10;
	v6 =	vsel vm0, v6, v10;
	v10 =	vmul.f32 $1.442695020e+00, v11;
	v11 =	vpop (erf)  }
0x62: {  	s13 =	sadd.s32 $0x4, s13;
	vm0 =	vgt.f32 v8, $0.0e+00;
	v14 =	vld [tilespmem:s10+$0x10];
	v15 =	vadd.f32 v4, v2;
	v16 =	vmul.f32 $1.442695020e+00, v6;
	[tilespmem:s3+$0x0] =	vst v11;
	s3 =	smov.u32 s9  }
0x63: {  	p0 =	slt.u32 s13, $0x4C;
	v17 =	vld [tilespmem:s10+$0xFFFFFFE0];
	v4 =	vsel vm0, v8, v13;
	v13 =	vmul.f32 $1.442695020e+00, v9;
	(erf) = vpow2.f32 v10  }
.Ltmp1:
0x64: {  	v2 =	vld [tilespmem:s14+$0xFFFFFFF0];
	v9 =	vmul.f32 $2.000000030e-01, v15;
	v18 =	vadd.f32 v5, v3;
	v5 =	vmul.f32 $1.442695020e+00, v4;
	v3 =	vpop (erf);
	(pc) =	sbr.rel @p0 .LBB2_5-.Ltmp1, $4  }
0x65: {  	vm1 =	vgt.f32 v15, $0.0e+00;
	v4 =	vld [tilespmem:s10+$0xFFFFFFF0];
	v6 =	vadd.f32 v1, v7;
	(erf) = vpow2.f32 v16;
	[tilespmem:s9+$0xFFFFFFF0] =	vst v3  }
0x66: {  	v3 =	vld [tilespmem:s14+$0x0];
	vm2 =	vgt.f32 v18, $0.0e+00;
	v16 =	vmul.f32 $2.000000030e-01, v18;
	(erf) = vpow2.f32 v5;
	v7 =	vpop (erf)  }
0x67: {  	s9 =	sadd.s32 $0x40, s9;
	v5 =	vld [tilespmem:s10+$0x0];
	v8 =	vadd.f32 v14, v12;
	vm0 =	vgt.f32 v6, $0.0e+00;
	v10 =	vmul.f32 $2.000000030e-01, v6;
	v12 =	vpop (erf);
	[tilespmem:s3+$0xFFFFFFE0] =	vst v7  }
0x68: {  	v11 =	vsel vm1, v15, v9;
	v7 =	vld [tilespmem:s14+$0xFFFFFFE0];
	s14 =	sadd.s32 $0x40, s14;
	v9 =	vsel vm2, v18, v16;
	[tilespmem:s9+$0x10] =	vst v12;
	(erf) = vpow2.f32 v13;
	v1 =	vmovc v17  }
0x69: {  	_ =	sdelay $0x1  }
0x6a: {  	v12 =	vmul.f32 $2.000000030e-01, v8;
	v6 =	vsel vm0, v6, v10;
	v10 =	vmul.f32 $1.442695020e+00, v11  }
0x6b: {  	vm0 =	vgt.f32 v8, $0.0e+00;
	v2 =	vadd.f32 v4, v2;
	v4 =	vmul.f32 $1.442695020e+00, v6  }
0x6c: {  	v6 =	vsel vm0, v8, v12;
	v8 =	vmul.f32 $1.442695020e+00, v9;
	v1 =	vadd.f32 v1, v7  }
0x6d: {  	(erf) = vpow2.f32 v10;
	v3 =	vadd.f32 v5, v3;
	v5 =	vmul.f32 $2.000000030e-01, v2  }
0x6e: {  	vm0 =	vgt.f32 v2, $0.0e+00;
	(erf) = vpow2.f32 v4;
	v4 =	vmul.f32 $2.000000030e-01, v1  }
0x6f: {  	v6 =	vmul.f32 $1.442695020e+00, v6;
	v2 =	vsel vm0, v2, v5;
	vm2 =	vgt.f32 v1, $0.0e+00  }
0x70: {  	v7 =	vmul.f32 $2.000000030e-01, v3;
	v2 =	vmul.f32 $1.442695020e+00, v2;
	v1 =	vsel vm2, v1, v4  }
0x71: {  	vm1 =	vgt.f32 v3, $0.0e+00;
	(erf) = vpow2.f32 v6;
	v1 =	vmul.f32 $1.442695020e+00, v1  }
0x72: {  	(erf) = vpow2.f32 v8;
	v3 =	vsel vm1, v3, v7  }
0x73: {  	v3 =	vmul.f32 $1.442695020e+00, v3;
	v4 =	vpop (erf);
	(erf) = vpow2.f32 v2  }
0x74: {  	[tilespmem:s3+$0x0] =	vst v4;
	v2 =	vpop (erf);
	(erf) = vpow2.f32 v1  }
0x75: {  	[tilespmem:s9+$0xFFFFFFF0] =	vst v2;
	v1 =	vpop (erf);
	(erf) = vpow2.f32 v3  }
0x76: {  	s13 =	sadd.s32 $0x40, s9;
	v2 =	vpop (erf);
	[tilespmem:s9+$0xFFFFFFE0] =	vst v1  }
0x77: {  	v1 =	vpop (erf);
	[tilespmem:s13+$0x10] =	vst v2  }
0x78: {  	v2 =	vpop (erf);
	[tilespmem:s9+$0x0] =	vst v1  }
0x79: {  	[tilespmem:s13+$0xFFFFFFF0] =	vst v2;
	v1 =	vpop (erf)  }
0x7a: {  	s14 =	sadd.s32 $0x40, s13;
	v2 =	vpop (erf);
	[tilespmem:s13+$0xFFFFFFE0] =	vst v1  }
0x7b: {  	[tilespmem:s14+$0x10] =	vst v2;
	v1 =	vpop (erf)  }
0x7c: {  	[tilespmem:s13+$0x0] =	vst v1;
	v1 =	vpop (erf)  }
0x7d: {  	[tilespmem:s14+$0xFFFFFFF0] =	vst v1;
	v1 =	vpop (erf)  }
0x7e: {  	[tilespmem:s14+$0xFFFFFFE0] =	vst v1;
	v1 =	vpop (erf)  }
0x7f: {  	[tilespmem:s14+$0x0] =	vst v1  }
0x80: {  	[spmem:s1] =	stream.indirect.scatter.add.f32 [tilespmem:s26], [sflag:$0x5], $0x10, s17, s18, $0xb8;
	[tilespmem:$0x6860] =	vst v63  }
0x81: {  	s0 =	sadd.s32 s0, s12;
	_ =	swait.ge [sflag:s16], $0x500  }
0x82: {  	s0 =	sshrl.u32 s0, $0x3;
	[sflag:s16] =	ssyncset.done $0x0  }
0x83: {  	s10 =	sadd.s32 s4, s0;
	[sflag:s16] =	ssyncadd.s32 $0xFFFFFB00  }
0x84: {  	[tilespmem:s2], [sflag:$0x5] =	stream.linear.gather [hbm4b:s10+s2], $0x50, $0x38;
	[tilespmem:$0x6860] =	vst v63  }
0x85: {  	_ =	swait.ge [sflag:s16], $0x50  }
0x86: {  	[sflag:s16] =	ssyncset.done $0x0  }
0x87: {  	s0 =	sadd.s32 s5, s0;
	[sflag:s16] =	ssyncadd.s32 $0xFFFFFFB0  }
0x88: {  	[tilespmem:s17], [sflag:$0x5] =	stream.linear.gather [hbm4b:s0+s2], $0x50, $0x38;
	[tilespmem:$0x6860] =	vst v63  }
0x89: {  	_ =	swait.ge [sflag:s16], $0x50  }
0x8a: {  	[sflag:s16] =	ssyncset.done $0x0  }
0x8b: {  	[sflag:s16] =	ssyncadd.s32 $0xFFFFFFB0  }
0x8c: {  	[tilespmem:s19], [sflag:$0x1] =	stream.indirect.gather [hbm4b:s6+s18], $0x10, s2, s18, $0xb8;
	[tilespmem:$0x6860] =	vst v63  }
0x8d: {  	_ = 	snop  }
0x8e: {  	[tilespmem:s20], [sflag:$0x3] =	stream.indirect.gather [hbm4b:s7+s18], $0x10, s17, s18, $0xb8;
	[tilespmem:$0x6860] =	vst v63  }
0x8f: {  	_ =	swait.ge [sflag:s28], $0x500  }
0x90: {  	[sflag:s28] =	ssyncset.done $0x0  }
0x91: {  	[sflag:s28] =	ssyncadd.s32 $0xFFFFFB00  }
0x92: {  	_ =	swait.ge [sflag:s29], $0x500  }
0x93: {  	[sflag:s29] =	ssyncset.done $0x0  }
0x94: {  	s13 =	simm.s32 $0x660;
	[sflag:s29] =	ssyncadd.s32 $0xFFFFFB00  }
0x95: {  	s14 =	simm.s32 $0x1060;
	v1 =	vld [tilespmem:s13+$0x10]  }
0x96: {  	v2 =	vld [tilespmem:s14+$0x10]  }
0x97: {  	v3 =	vld [tilespmem:s14+$0xFFFFFFE0]  }
0x98: {  	v4 =	vld [tilespmem:s13+$0xFFFFFFF0]  }
0x99: {  	v5 =	vld [tilespmem:s14+$0xFFFFFFF0]  }
0x9a: {  	v6 =	vld [tilespmem:s13+$0x0]  }
0x9b: {  	s9 =	simm.s32 $0x6A0;
	v7 =	vld [tilespmem:s14+$0x0]  }
0x9c: {  	s10 =	simm.s32 $0x10A0;
	v8 =	vld [tilespmem:s9+$0x10]  }
0x9d: {  	v10 =	vld [tilespmem:s10+$0x10]  }
0x9e: {  	v1 =	vadd.f32 v2, v1;
	v2 =	vld [tilespmem:s13+$0xFFFFFFE0];
	_ =	sdelay $0x1  }
0x9f: {  	v11 =	vld [tilespmem:s10+$0xFFFFFFF0];
	v9 =	vmul.f32 $2.000000030e-01, v1  }
0xa0: {  	v13 =	vld [tilespmem:s9+$0xFFFFFFE0];
	v4 =	vadd.f32 v5, v4;
	vm0 =	vgt.f32 v1, $0.0e+00  }
0xa1: {  	v5 =	vld [tilespmem:s10+$0xFFFFFFE0];
	v6 =	vadd.f32 v7, v6;
	v8 =	vadd.f32 v10, v8;
	v1 =	vsel vm0, v1, v9  }
0xa2: {  	v7 =	vmul.f32 $2.000000030e-01, v4;
	v9 =	vld [tilespmem:s9+$0xFFFFFFF0];
	v1 =	vmul.f32 $1.442695020e+00, v1;
	v2 =	vadd.f32 v3, v2  }
0xa3: {  	vm1 =	vgt.f32 v6, $0.0e+00;
	v57 =	vmul.f32 $2.000000030e-01, v6;
	v58 =	vmul.f32 $2.000000030e-01, v8;
	v3 =	vld [tilespmem:s9+$0x0]  }
0xa4: {  	s13 =	simm.s32 $0x6E0;
	vm0 =	vgt.f32 v4, $0.0e+00;
	(erf) = vpow2.f32 v1;
	v1 =	vld [tilespmem:s10+$0x0];
	v10 =	vmul.f32 $2.000000030e-01, v2  }
0xa5: {  	s14 =	simm.s32 $0x10E0;
	v6 =	vsel vm1, v6, v57;
	v4 =	vsel vm0, v4, v7;
	v7 =	vld [tilespmem:s13+$0x10];
	vm2 =	vgt.f32 v2, $0.0e+00  }
0xa6: {  	vm0 =	vgt.f32 v8, $0.0e+00;
	v4 =	vmul.f32 $1.442695020e+00, v4;
	v2 =	vsel vm2, v2, v10;
	v10 =	vld [tilespmem:s14+$0x10]  }
0xa7: {  	v6 =	vmul.f32 $1.442695020e+00, v6;
	v5 =	vadd.f32 v5, v13;
	v9 =	vadd.f32 v11, v9  }
0xa8: {  	v60 =	vld [tilespmem:s13+$0x0];
	v8 =	vsel vm0, v8, v58;
	(erf) = vpow2.f32 v4;
	v2 =	vmul.f32 $1.442695020e+00, v2  }
0xa9: {  	v4 =	vld [tilespmem:s13+$0xFFFFFFF0];
	vm2 =	vgt.f32 v5, $0.0e+00;
	v59 =	vmul.f32 $2.000000030e-01, v9;
	v1 =	vadd.f32 v1, v3  }
0xaa: {  	vm0 =	vgt.f32 v9, $0.0e+00;
	v3 =	vmul.f32 $1.442695020e+00, v8;
	v8 =	vld [tilespmem:s14+$0xFFFFFFF0];
	(erf) = vpow2.f32 v2  }
0xab: {  	v14 =	vld [tilespmem:s13+$0xFFFFFFE0];
	v9 =	vsel vm0, v9, v59;
	v2 =	vmul.f32 $2.000000030e-01, v1;
	v7 =	vadd.f32 v10, v7  }
0xac: {  	v11 =	vld [tilespmem:s14+$0xFFFFFFE0];
	vm1 =	vgt.f32 v1, $0.0e+00;
	(erf) = vpow2.f32 v3;
	v10 =	vmul.f32 $2.000000030e-01, v5  }
0xad: {  	v3 =	vld [tilespmem:s14+$0x0];
	(erf) = vpow2.f32 v6;
	v2 =	vsel vm1, v1, v2;
	v6 =	vmul.f32 $2.000000030e-01, v7  }
0xae: {  	s13 =	simm.s32 $0x720;
	v1 =	vsel vm2, v5, v10;
	v5 =	vmul.f32 $1.442695020e+00, v9;
	vm0 =	vgt.f32 v7, $0.0e+00  }
0xaf: {  	s9 =	simm.s32 $0x1120;
	v61 =	vld [tilespmem:s13+$0x10];
	v15 =	vadd.f32 v8, v4;
	v4 =	vsel vm0, v7, v6  }
0xb0: {  	v9 =	vld [tilespmem:s9+$0x10];
	v7 =	vmul.f32 $1.442695020e+00, v4  }
0xb1: {  	v8 =	vmul.f32 $1.442695020e+00, v1;
	v1 =	vld [tilespmem:s9+$0xFFFFFFE0];
	(erf) = vpow2.f32 v5;
	v6 =	vadd.f32 v11, v14  }
0xb2: {  	s0 =	simm.s32 $0x1560;
	v16 =	vmul.f32 $1.442695020e+00, v2;
	v2 =	vld [tilespmem:s13+$0xFFFFFFF0];
	v17 =	vmul.f32 $2.000000030e-01, v15;
	v13 =	vadd.f32 v3, v60;
	v5 =	vpop (erf)  }
0xb3: {  	v4 =	vld [tilespmem:s9+$0xFFFFFFF0];
	(erf) = vpow2.f32 v8;
	v10 =	vmul.f32 $2.000000030e-01, v6;
	[tilespmem:s0+$0x10] =	vst v5;
	v3 =	vpop (erf)  }
0xb4: {  	vm1 =	vgt.f32 v15, $0.0e+00;
	v62 =	vmul.f32 $2.000000030e-01, v13;
	(erf) = vpow2.f32 v7;
	v5 =	vld [tilespmem:s9+$0x0];
	[tilespmem:s0+$0xFFFFFFF0] =	vst v3;
	v7 =	vpop (erf)  }
0xb5: {  	s3 =	simm.s32 $0x15A0;
	vm2 =	vgt.f32 v13, $0.0e+00;
	v8 =	vadd.f32 v9, v61;
	v3 =	vld [tilespmem:s13+$0x0];
	(erf) = vpow2.f32 v16;
	v63 =	vpop (erf);
	[tilespmem:s0+$0xFFFFFFE0] =	vst v7  }
0xb6: {  	s10 =	simm.s32 $0xC;
	vm0 =	vgt.f32 v6, $0.0e+00;
	v11 =	vsel vm1, v15, v17;
	v9 =	vsel vm2, v13, v62;
	v7 =	vld [tilespmem:s13+$0xFFFFFFE0];
	s13 =	simm.s32 $0x760;
	[tilespmem:s3+$0x10] =	vst v63  }
.LBB2_7:
0xb7: {  	v12 =	vld [tilespmem:s13+$0x10];
	v13 =	vmul.f32 $2.000000030e-01, v8;
	s9 =	sadd.s32 $0x40, s9;
	v6 =	vsel vm0, v6, v10;
	v10 =	vmul.f32 $1.442695020e+00, v11;
	v11 =	vpop (erf)  }
0xb8: {  	s10 =	sadd.s32 $0x4, s10;
	vm0 =	vgt.f32 v8, $0.0e+00;
	v14 =	vld [tilespmem:s9+$0x10];
	v15 =	vadd.f32 v4, v2;
	v16 =	vmul.f32 $1.442695020e+00, v6;
	[tilespmem:s0+$0x0] =	vst v11;
	s0 =	smov.u32 s3  }
0xb9: {  	p0 =	slt.u32 s10, $0x4C;
	v17 =	vld [tilespmem:s9+$0xFFFFFFE0];
	v4 =	vsel vm0, v8, v13;
	v13 =	vmul.f32 $1.442695020e+00, v9;
	(erf) = vpow2.f32 v10  }
.Ltmp2:
0xba: {  	v2 =	vld [tilespmem:s13+$0xFFFFFFF0];
	v9 =	vmul.f32 $2.000000030e-01, v15;
	v18 =	vadd.f32 v5, v3;
	v5 =	vmul.f32 $1.442695020e+00, v4;
	v3 =	vpop (erf);
	(pc) =	sbr.rel @p0 .LBB2_7-.Ltmp2, $4  }
0xbb: {  	vm1 =	vgt.f32 v15, $0.0e+00;
	v4 =	vld [tilespmem:s9+$0xFFFFFFF0];
	v6 =	vadd.f32 v1, v7;
	(erf) = vpow2.f32 v16;
	[tilespmem:s3+$0xFFFFFFF0] =	vst v3  }
0xbc: {  	v3 =	vld [tilespmem:s13+$0x0];
	vm2 =	vgt.f32 v18, $0.0e+00;
	v16 =	vmul.f32 $2.000000030e-01, v18;
	(erf) = vpow2.f32 v5;
	v7 =	vpop (erf)  }
0xbd: {  	s3 =	sadd.s32 $0x40, s3;
	v5 =	vld [tilespmem:s9+$0x0];
	v8 =	vadd.f32 v14, v12;
	vm0 =	vgt.f32 v6, $0.0e+00;
	v10 =	vmul.f32 $2.000000030e-01, v6;
	v12 =	vpop (erf);
	[tilespmem:s0+$0xFFFFFFE0] =	vst v7  }
0xbe: {  	v11 =	vsel vm1, v15, v9;
	v7 =	vld [tilespmem:s13+$0xFFFFFFE0];
	s13 =	sadd.s32 $0x40, s13;
	v9 =	vsel vm2, v18, v16;
	[tilespmem:s3+$0x10] =	vst v12;
	(erf) = vpow2.f32 v13;
	v1 =	vmovc v17  }
0xbf: {  	_ =	sdelay $0x1  }
0xc0: {  	v12 =	vmul.f32 $2.000000030e-01, v8;
	v6 =	vsel vm0, v6, v10;
	v56 =	vmul.f32 $1.442695020e+00, v11  }
0xc1: {  	vm14 =	vgt.f32 v8, $0.0e+00;
	v59 =	vmul.f32 $1.442695020e+00, v9;
	v2 =	vadd.f32 v4, v2  }
0xc2: {  	v57 =	vmul.f32 $1.442695020e+00, v6;
	v58 =	vsel vm14, v8, v12;
	v1 =	vadd.f32 v1, v7  }
0xc3: {  	(erf) = vpow2.f32 v56;
	v3 =	vadd.f32 v5, v3;
	v60 =	vmul.f32 $2.000000030e-01, v2  }
0xc4: {  	v6 =	vmul.f32 $1.442695020e+00, v58;
	vm15 =	vgt.f32 v2, $0.0e+00;
	v61 =	vmul.f32 $2.000000030e-01, v1  }
0xc5: {  	(erf) = vpow2.f32 v57;
	v2 =	vsel vm15, v2, v60;
	vm2 =	vgt.f32 v1, $0.0e+00  }
0xc6: {  	v62 =	vmul.f32 $2.000000030e-01, v3;
	v2 =	vmul.f32 $1.442695020e+00, v2;
	v1 =	vsel vm2, v1, v61  }
0xc7: {  	vm1 =	vgt.f32 v3, $0.0e+00;
	(erf) = vpow2.f32 v6;
	v1 =	vmul.f32 $1.442695020e+00, v1  }
0xc8: {  	(erf) = vpow2.f32 v59;
	v3 =	vsel vm1, v3, v62  }
0xc9: {  	v63 =	vpop (erf);
	v3 =	vmul.f32 $1.442695020e+00, v3;
	(erf) = vpow2.f32 v2  }
0xca: {  	[tilespmem:s0+$0x0] =	vst v63;
	v2 =	vpop (erf);
	(erf) = vpow2.f32 v1  }
0xcb: {  	[tilespmem:s3+$0xFFFFFFF0] =	vst v2;
	v1 =	vpop (erf);
	(erf) = vpow2.f32 v3  }
0xcc: {  	s13 =	sadd.s32 $0x40, s3;
	v2 =	vpop (erf);
	[tilespmem:s3+$0xFFFFFFE0] =	vst v1  }
0xcd: {  	v1 =	vpop (erf);
	[tilespmem:s13+$0x10] =	vst v2  }
0xce: {  	v2 =	vpop (erf);
	[tilespmem:s3+$0x0] =	vst v1  }
0xcf: {  	[tilespmem:s13+$0xFFFFFFF0] =	vst v2;
	v1 =	vpop (erf)  }
0xd0: {  	s14 =	sadd.s32 $0x40, s13;
	v2 =	vpop (erf);
	[tilespmem:s13+$0xFFFFFFE0] =	vst v1  }
0xd1: {  	[tilespmem:s14+$0x10] =	vst v2;
	v1 =	vpop (erf)  }
0xd2: {  	[tilespmem:s13+$0x0] =	vst v1;
	v1 =	vpop (erf)  }
0xd3: {  	s31 =	sadd.s32 $0x1, s31;
	[tilespmem:s14+$0xFFFFFFF0] =	vst v1;
	v1 =	vpop (erf)  }
0xd4: {  	p0 =	sne.s32 s31, $0x3E;
	[tilespmem:s14+$0xFFFFFFE0] =	vst v1;
	v1 =	vpop (erf)  }
.Ltmp3:
0xd5: {  	[tilespmem:s14+$0x0] =	vst v1;
	(pc) =	sbr.rel @p0 .LBB2_4-.Ltmp3, $4  }
0xd6: {  	[spmem:s1] =	stream.indirect.scatter.add.f32 [tilespmem:s26], [sflag:$0x5], $0x10, s21, s18, $0xb8;
	[tilespmem:$0x6860] =	vst v63  }
0xd7: {  	_ =	swait.ge [sflag:s16], $0x500  }
0xd8: {  	[sflag:s16] =	ssyncset.done $0x0  }
0xd9: {  	[sflag:s16] =	ssyncadd.s32 $0xFFFFFB00  }
0xda: {  	_ =	swait.ge [sflag:s24], $0x500  }
0xdb: {  	[sflag:s24] =	ssyncset.done $0x0  }
0xdc: {  	[sflag:s24] =	ssyncadd.s32 $0xFFFFFB00  }
0xdd: {  	_ =	swait.ge [sflag:s25], $0x500  }
0xde: {  	[sflag:s25] =	ssyncset.done $0x0  }
0xdf: {  	s0 =	simm.s32 $0x160;
	[sflag:s25] =	ssyncadd.s32 $0xFFFFFB00  }
0xe0: {  	s3 =	simm.s32 $0xB60;
	v1 =	vld [tilespmem:s0+$0x10]  }
0xe1: {  	v2 =	vld [tilespmem:s3+$0x10]  }
0xe2: {  	v3 =	vld [tilespmem:s3+$0xFFFFFFE0]  }
0xe3: {  	v4 =	vld [tilespmem:s0+$0xFFFFFFF0]  }
0xe4: {  	v5 =	vld [tilespmem:s3+$0xFFFFFFF0]  }
0xe5: {  	v6 =	vld [tilespmem:s0+$0x0]  }
0xe6: {  	s10 =	simm.s32 $0x1A0;
	v7 =	vld [tilespmem:s3+$0x0]  }
0xe7: {  	s13 =	simm.s32 $0xBA0;
	v8 =	vld [tilespmem:s10+$0x10]  }
0xe8: {  	v10 =	vld [tilespmem:s13+$0x10]  }
0xe9: {  	v1 =	vadd.f32 v2, v1;
	v2 =	vld [tilespmem:s0+$0xFFFFFFE0];
	_ =	sdelay $0x1  }
0xea: {  	v11 =	vld [tilespmem:s13+$0xFFFFFFF0];
	v9 =	vmul.f32 $2.000000030e-01, v1  }
0xeb: {  	v13 =	vld [tilespmem:s10+$0xFFFFFFE0];
	v4 =	vadd.f32 v5, v4;
	vm0 =	vgt.f32 v1, $0.0e+00  }
0xec: {  	v5 =	vld [tilespmem:s13+$0xFFFFFFE0];
	v6 =	vadd.f32 v7, v6;
	v8 =	vadd.f32 v10, v8;
	v1 =	vsel vm0, v1, v9  }
0xed: {  	v7 =	vmul.f32 $2.000000030e-01, v4;
	v9 =	vld [tilespmem:s10+$0xFFFFFFF0];
	v1 =	vmul.f32 $1.442695020e+00, v1;
	v2 =	vadd.f32 v3, v2  }
0xee: {  	vm1 =	vgt.f32 v6, $0.0e+00;
	v12 =	vmul.f32 $2.000000030e-01, v6;
	v58 =	vmul.f32 $2.000000030e-01, v8;
	v3 =	vld [tilespmem:s10+$0x0]  }
0xef: {  	s14 =	simm.s32 $0x1E0;
	vm0 =	vgt.f32 v4, $0.0e+00;
	(erf) = vpow2.f32 v1;
	v1 =	vld [tilespmem:s13+$0x0];
	v10 =	vmul.f32 $2.000000030e-01, v2  }
0xf0: {  	s31 =	simm.s32 $0xBE0;
	v6 =	vsel vm1, v6, v12;
	v4 =	vsel vm0, v4, v7;
	v7 =	vld [tilespmem:s14+$0x10];
	vm2 =	vgt.f32 v2, $0.0e+00  }
0xf1: {  	vm0 =	vgt.f32 v8, $0.0e+00;
	v4 =	vmul.f32 $1.442695020e+00, v4;
	v2 =	vsel vm2, v2, v10;
	v10 =	vld [tilespmem:s31+$0x10]  }
0xf2: {  	v6 =	vmul.f32 $1.442695020e+00, v6;
	v5 =	vadd.f32 v5, v13;
	v9 =	vadd.f32 v11, v9  }
0xf3: {  	v60 =	vld [tilespmem:s14+$0x0];
	v8 =	vsel vm0, v8, v58;
	(erf) = vpow2.f32 v4;
	v2 =	vmul.f32 $1.442695020e+00, v2  }
0xf4: {  	v4 =	vld [tilespmem:s14+$0xFFFFFFF0];
	vm2 =	vgt.f32 v5, $0.0e+00;
	v59 =	vmul.f32 $2.000000030e-01, v9;
	v1 =	vadd.f32 v1, v3  }
0xf5: {  	vm0 =	vgt.f32 v9, $0.0e+00;
	v3 =	vmul.f32 $1.442695020e+00, v8;
	v8 =	vld [tilespmem:s31+$0xFFFFFFF0];
	(erf) = vpow2.f32 v2  }
0xf6: {  	v14 =	vld [tilespmem:s14+$0xFFFFFFE0];
	v9 =	vsel vm0, v9, v59;
	v2 =	vmul.f32 $2.000000030e-01, v1;
	v7 =	vadd.f32 v10, v7  }
0xf7: {  	v11 =	vld [tilespmem:s31+$0xFFFFFFE0];
	vm1 =	vgt.f32 v1, $0.0e+00;
	(erf) = vpow2.f32 v3;
	v10 =	vmul.f32 $2.000000030e-01, v5  }
0xf8: {  	v3 =	vld [tilespmem:s31+$0x0];
	(erf) = vpow2.f32 v6;
	v2 =	vsel vm1, v1, v2;
	v6 =	vmul.f32 $2.000000030e-01, v7  }
0xf9: {  	s13 =	simm.s32 $0x220;
	v1 =	vsel vm2, v5, v10;
	v5 =	vmul.f32 $1.442695020e+00, v9;
	vm0 =	vgt.f32 v7, $0.0e+00  }
0xfa: {  	s9 =	simm.s32 $0xC20;
	v61 =	vld [tilespmem:s13+$0x10];
	v15 =	vadd.f32 v8, v4;
	v4 =	vsel vm0, v7, v6  }
0xfb: {  	v9 =	vld [tilespmem:s9+$0x10];
	v7 =	vmul.f32 $1.442695020e+00, v4  }
0xfc: {  	v8 =	vmul.f32 $1.442695020e+00, v1;
	v1 =	vld [tilespmem:s9+$0xFFFFFFE0];
	(erf) = vpow2.f32 v5;
	v6 =	vadd.f32 v11, v14  }
0xfd: {  	s0 =	simm.s32 $0x1560;
	v16 =	vmul.f32 $1.442695020e+00, v2;
	v2 =	vld [tilespmem:s13+$0xFFFFFFF0];
	v17 =	vmul.f32 $2.000000030e-01, v15;
	v13 =	vadd.f32 v3, v60;
	v5 =	vpop (erf)  }
0xfe: {  	v4 =	vld [tilespmem:s9+$0xFFFFFFF0];
	(erf) = vpow2.f32 v8;
	v10 =	vmul.f32 $2.000000030e-01, v6;
	[tilespmem:s0+$0x10] =	vst v5;
	v3 =	vpop (erf)  }
0xff: {  	vm1 =	vgt.f32 v15, $0.0e+00;
	v62 =	vmul.f32 $2.000000030e-01, v13;
	(erf) = vpow2.f32 v7;
	v5 =	vld [tilespmem:s9+$0x0];
	[tilespmem:s0+$0xFFFFFFF0] =	vst v3;
	v7 =	vpop (erf)  }
0x100: {  	s3 =	simm.s32 $0x15A0;
	vm2 =	vgt.f32 v13, $0.0e+00;
	v8 =	vadd.f32 v9, v61;
	v3 =	vld [tilespmem:s13+$0x0];
	(erf) = vpow2.f32 v16;
	v63 =	vpop (erf);
	[tilespmem:s0+$0xFFFFFFE0] =	vst v7  }
0x101: {  	s10 =	simm.s32 $0xC;
	vm0 =	vgt.f32 v6, $0.0e+00;
	v11 =	vsel vm1, v15, v17;
	v9 =	vsel vm2, v13, v62;
	v7 =	vld [tilespmem:s13+$0xFFFFFFE0];
	s13 =	simm.s32 $0x260;
	[tilespmem:s3+$0x10] =	vst v63  }
.LBB2_10:
0x102: {  	v12 =	vld [tilespmem:s13+$0x10];
	v13 =	vmul.f32 $2.000000030e-01, v8;
	s9 =	sadd.s32 $0x40, s9;
	v6 =	vsel vm0, v6, v10;
	v10 =	vmul.f32 $1.442695020e+00, v11;
	v11 =	vpop (erf)  }
0x103: {  	s10 =	sadd.s32 $0x4, s10;
	vm0 =	vgt.f32 v8, $0.0e+00;
	v14 =	vld [tilespmem:s9+$0x10];
	v15 =	vadd.f32 v4, v2;
	v16 =	vmul.f32 $1.442695020e+00, v6;
	[tilespmem:s0+$0x0] =	vst v11;
	s0 =	smov.u32 s3  }
0x104: {  	p0 =	slt.u32 s10, $0x4C;
	v17 =	vld [tilespmem:s9+$0xFFFFFFE0];
	v4 =	vsel vm0, v8, v13;
	v13 =	vmul.f32 $1.442695020e+00, v9;
	(erf) = vpow2.f32 v10  }
.Ltmp4:
0x105: {  	v2 =	vld [tilespmem:s13+$0xFFFFFFF0];
	v9 =	vmul.f32 $2.000000030e-01, v15;
	v18 =	vadd.f32 v5, v3;
	v5 =	vmul.f32 $1.442695020e+00, v4;
	v3 =	vpop (erf);
	(pc) =	sbr.rel @p0 .LBB2_10-.Ltmp4, $4  }
0x106: {  	vm1 =	vgt.f32 v15, $0.0e+00;
	v4 =	vld [tilespmem:s9+$0xFFFFFFF0];
	v6 =	vadd.f32 v1, v7;
	(erf) = vpow2.f32 v16;
	[tilespmem:s3+$0xFFFFFFF0] =	vst v3  }
0x107: {  	v3 =	vld [tilespmem:s13+$0x0];
	vm2 =	vgt.f32 v18, $0.0e+00;
	v16 =	vmul.f32 $2.000000030e-01, v18;
	(erf) = vpow2.f32 v5;
	v7 =	vpop (erf)  }
0x108: {  	s3 =	sadd.s32 $0x40, s3;
	v5 =	vld [tilespmem:s9+$0x0];
	v8 =	vadd.f32 v14, v12;
	vm0 =	vgt.f32 v6, $0.0e+00;
	v10 =	vmul.f32 $2.000000030e-01, v6;
	v12 =	vpop (erf);
	[tilespmem:s0+$0xFFFFFFE0] =	vst v7  }
0x109: {  	v11 =	vsel vm1, v15, v9;
	v7 =	vld [tilespmem:s13+$0xFFFFFFE0];
	s13 =	sadd.s32 $0x40, s13;
	v9 =	vsel vm2, v18, v16;
	[tilespmem:s3+$0x10] =	vst v12;
	(erf) = vpow2.f32 v13;
	v1 =	vmovc v17  }
0x10a: {  	_ =	sdelay $0x1  }
0x10b: {  	v12 =	vmul.f32 $2.000000030e-01, v8;
	v6 =	vsel vm0, v6, v10;
	v56 =	vmul.f32 $1.442695020e+00, v11  }
0x10c: {  	vm14 =	vgt.f32 v8, $0.0e+00;
	v59 =	vmul.f32 $1.442695020e+00, v9;
	v2 =	vadd.f32 v4, v2  }
0x10d: {  	v57 =	vmul.f32 $1.442695020e+00, v6;
	v58 =	vsel vm14, v8, v12;
	v1 =	vadd.f32 v1, v7  }
0x10e: {  	(erf) = vpow2.f32 v56;
	v3 =	vadd.f32 v5, v3;
	v60 =	vmul.f32 $2.000000030e-01, v2  }
0x10f: {  	v6 =	vmul.f32 $1.442695020e+00, v58;
	vm15 =	vgt.f32 v2, $0.0e+00;
	v61 =	vmul.f32 $2.000000030e-01, v1  }
0x110: {  	(erf) = vpow2.f32 v57;
	v2 =	vsel vm15, v2, v60;
	vm2 =	vgt.f32 v1, $0.0e+00  }
0x111: {  	v62 =	vmul.f32 $2.000000030e-01, v3;
	v2 =	vmul.f32 $1.442695020e+00, v2;
	v1 =	vsel vm2, v1, v61  }
0x112: {  	vm1 =	vgt.f32 v3, $0.0e+00;
	(erf) = vpow2.f32 v6;
	v1 =	vmul.f32 $1.442695020e+00, v1  }
0x113: {  	(erf) = vpow2.f32 v59;
	v3 =	vsel vm1, v3, v62  }
0x114: {  	v63 =	vpop (erf);
	v3 =	vmul.f32 $1.442695020e+00, v3;
	(erf) = vpow2.f32 v2  }
0x115: {  	[tilespmem:s0+$0x0] =	vst v63;
	v2 =	vpop (erf);
	(erf) = vpow2.f32 v1  }
0x116: {  	[tilespmem:s3+$0xFFFFFFF0] =	vst v2;
	v1 =	vpop (erf);
	(erf) = vpow2.f32 v3  }
0x117: {  	s10 =	sadd.s32 $0x40, s3;
	v2 =	vpop (erf);
	[tilespmem:s3+$0xFFFFFFE0] =	vst v1  }
0x118: {  	v1 =	vpop (erf);
	[tilespmem:s10+$0x10] =	vst v2  }
0x119: {  	v2 =	vpop (erf);
	[tilespmem:s3+$0x0] =	vst v1  }
0x11a: {  	[tilespmem:s10+$0xFFFFFFF0] =	vst v2;
	v1 =	vpop (erf)  }
0x11b: {  	s13 =	sadd.s32 $0x40, s10;
	v2 =	vpop (erf);
	[tilespmem:s10+$0xFFFFFFE0] =	vst v1  }
0x11c: {  	[tilespmem:s13+$0x10] =	vst v2;
	v1 =	vpop (erf)  }
0x11d: {  	[tilespmem:s10+$0x0] =	vst v1;
	v1 =	vpop (erf)  }
0x11e: {  	[tilespmem:s13+$0xFFFFFFF0] =	vst v1;
	v1 =	vpop (erf)  }
0x11f: {  	[tilespmem:s13+$0xFFFFFFE0] =	vst v1;
	v1 =	vpop (erf)  }
0x120: {  	[tilespmem:s13+$0x0] =	vst v1  }
0x121: {  	[spmem:s1] =	stream.indirect.scatter.add.f32 [tilespmem:s26], [sflag:$0x5], $0x10, s17, s18, $0xb8;
	[tilespmem:$0x6860] =	vst v63  }
0x122: {  	_ =	swait.ge [sflag:s16], $0x500  }
0x123: {  	[sflag:s16] =	ssyncset.done $0x0  }
0x124: {  	[sflag:s16] =	ssyncadd.s32 $0xFFFFFB00  }
0x125: {  	[bflag:$0x0] =	sbarrier.arrive $0xFFFF  }
0x126: {  	[tilespmem:s15], [sflag:$0x5] =	stream.linear.gather [spmem:s8], $0x2710, $0x38;
	[tilespmem:$0x6860] =	vst v63  }
0x127: {  	_ =	swait.ge [sflag:s16], $0x2710  }
0x128: {  	[sflag:s16] =	ssyncset.done $0x0  }
0x129: {  	s14 =	rddreg [dreg:$0x6];
	[sflag:s16] =	ssyncadd.s32 $0xFFFFD8F0  }
0x12a: {  	[hbm4b:s14+s2] =	stream.linear.scatter [tilespmem:s15], [sflag:$0x5], $0x2710, $0x38;
	[tilespmem:$0x6860] =	vst v63  }
0x12b: {  	_ =	swait.ge [sflag:s16], $0x2710  }
0x12c: {  	s30 =	sadd.s32 $0x1, s30;
	s31 =	rddreg [dreg:$0x5]  }
0x12d: {  	p0 =	sne.s32 s30, s31  }
.Ltmp5:
0x12e: {  	_ = 	snop;
	(pc) =	sbr.rel @p0 .LBB2_1-.Ltmp5, $3  }
0x12f: {  	_ =	sdelay $0x1  }
0x130: {  	[sflag:s16] =	ssyncset.done $0x0  }
0x131: {  	[sflag:s16] =	ssyncadd.s32 $0xFFFFD8F0  }
0x132: {  	_ =	sfence.sel $0x180000  }
0x133: {  	[bflag:$0x0] =	sbarrier.arrive $0xFFFF  }
0x134: {  	_ =	strace $0x90000047  }
0x135: {  	s0 =	stileid.u32;
	[bflag:$0x2] =	sbarrier.arrive $0xFFFF  }
0x136: {  	p0 =	sne.s32 s0, $0x0;
	s0 =	rddreg [dreg:$0x2]  }
0x137: {  	s0 =	sadd.s32 @!p0 $0x100000, s0  }
0x138: {  	[sflag:s0] =	ssyncadd.tile.s32 @!p0 $0x1;
	_ =	shalt  }
.Lfunc_end2:
_tile_overlayer_lowered:
.L_overlay_start_2:
0x139: {  	(tag) =	ssettag $0x2  }
0x13a: {  	s0 =	rddreg [dreg:$0x0];
	s2 =	stileid.u32  }
0x13b: {  	s1 =	rddreg [dreg:$0x1];
	p0 =	sne.s32 s2, $0x0  }
0x13c: {  	s3 =	rddreg [dreg:$0x2];
	[bflag:$0x3] =	sbarrier.arrive $0xFFFF;
	s2 =	simm.s32 @!p0 $0x1C05  }
0x13d: {  	[timem:s3], [sflag:s2] =	dma.local @!p0 [hbm:s0], s1  }
0x13e: {  	s0 =	simm.s32 @!p0 $0x5  }
0x13f: {  	_ =	swait.ge @!p0 [sflag:s0], s1  }
0x140: {  	s1 =	ssub.s32 @!p0 $0x0, s1;
	[sflag:s0] =	ssyncset.done @!p0 $0x0  }
0x141: {  	[sflag:s0] =	ssyncadd.s32 @!p0 s1  }
0x142: {  	[bflag:$0x3] =	sbarrier.arrive $0xFFFF  }
0x143: {  	_ =	shalt  }

</sc_bundles>
